<compile_context>
chip_gen: v7x
topology: tpu7x:2x2x1
jax: 0.10.2.dev20260603
libtpu: 0.0.44.dev20260713+nightly
codegen_flags: <defaults>
</compile_context>

<pallas_src>
import functools

import jax
import jax.numpy as jnp
from jax import lax
from jax.experimental import pallas as pl
from jax.experimental.pallas import tpu as pltpu
from jax.experimental.pallas import tpu_sc as plsc

D = 32
N_NEI = 16384
N_PAIRS = 65536
N_TRAIN = 65536
SCALE = float(2.0 ** -16)

NC = 2
NS = 16
NW = NC * NS
L = 16

MAP_SIZE = 1 << 20
ROWS_PER_W = MAP_SIZE // NW

N_PROWS = 2 * N_NEI
N_DUMMY = 1024
PAIRS_PER_W = N_PAIRS // NW
CH = 512
NCHUNK = PAIRS_PER_W // CH
QN = CH // 128

_mesh = plsc.VectorSubcoreMesh(core_axis_name="c", subcore_axis_name="s")

@functools.partial(
    pl.kernel,
    out_type=(
        jax.ShapeDtypeStruct((MAP_SIZE,), jnp.int32),
        jax.ShapeDtypeStruct((MAP_SIZE,), jnp.int32),
    ),
    mesh=_mesh,
    scratch_types=[
        pltpu.VMEM((ROWS_PER_W,), jnp.int32),
        pltpu.VMEM((ROWS_PER_W,), jnp.int32),
        pltpu.VMEM((N_NEI,), jnp.int32),
        pltpu.VMEM((N_NEI,), jnp.int32),
        pltpu.VMEM((L,), jnp.int32),
    ],
    compiler_params=pltpu.CompilerParams(needs_layout_passes=False, use_tc_tiling_on_sc=False),
)
def _build_maps(nei_u_hbm, nei_i_hbm, map_u_hbm, map_i_hbm,
                frag_u, frag_i, nei_u, nei_i, tmp16):
    wid = lax.axis_index("s") * NC + lax.axis_index("c")
    base = wid * ROWS_PER_W

    neg1 = jnp.full((L,), -1, jnp.int32)

    def init_body(i, carry):
        frag_u[pl.ds(i * L, L)] = neg1
        frag_i[pl.ds(i * L, L)] = neg1
        return carry

    lax.fori_loop(0, ROWS_PER_W // L, init_body, 0, unroll=4)

    pltpu.sync_copy(nei_u_hbm, nei_u)
    pltpu.sync_copy(nei_i_hbm, nei_i)

    lanes = lax.iota(jnp.int32, L)
    shift_idx = jnp.minimum(lanes + 1, L - 1)
    is_last_lane = lanes == (L - 1)

    def scatter_group(frag, nei_ref, g):
        idx = nei_ref[pl.ds(g * L, L)]
        key = (idx << 4) | lanes
        kvec = g * L + lanes
        skey, sval = plsc.sort_key_val(key, kvec)
        sidx = skey >> 4
        tmp16[...] = sidx
        nxt = plsc.load_gather(tmp16, [shift_idx])
        winner = (sidx != nxt) | is_last_lane
        local = sidx - base
        in_range = plsc.bitcast(local, jnp.uint32) < jnp.uint32(ROWS_PER_W)
        local_c = local & (ROWS_PER_W - 1)
        plsc.store_scatter(frag, [local_c], sval, mask=winner & in_range)

    def body(g, carry):
        scatter_group(frag_u, nei_u, g)
        scatter_group(frag_i, nei_i, g)
        return carry

    lax.fori_loop(0, N_NEI // L, body, 0)

    pltpu.sync_copy(frag_u, map_u_hbm.at[pl.ds(base, ROWS_PER_W)])
    pltpu.sync_copy(frag_i, map_i_hbm.at[pl.ds(base, ROWS_PER_W)])


@functools.partial(
    pl.kernel,
    out_type=jax.ShapeDtypeStruct((N_PAIRS,), jnp.float32),
    mesh=_mesh,
    scratch_types=[
        pltpu.VMEM((CH,), jnp.int32),
        pltpu.VMEM((CH,), jnp.int32),
        pltpu.VMEM((CH,), jnp.int32),
        pltpu.VMEM((CH,), jnp.int32),
        pltpu.VMEM((CH,), jnp.int32),
        pltpu.VMEM((CH,), jnp.int32),
        pltpu.VMEM((CH,), jnp.float32),
        pltpu.VMEM((CH,), jnp.float32),
        pltpu.VMEM((CH, D), jnp.float32),
        pltpu.VMEM((CH, D), jnp.float32),
        pltpu.VMEM((CH, D), jnp.float32),
        pltpu.VMEM((CH, D), jnp.float32),
        pltpu.VMEM((CH,), jnp.float32),
        pltpu.SemaphoreType.DMA,
        pltpu.SemaphoreType.DMA,
    ],
    compiler_params=pltpu.CompilerParams(needs_layout_passes=False, use_tc_tiling_on_sc=False),
)
def _scores(ut_hbm, it_hbm, pext_hbm, map_u_hbm, map_i_hbm,
            tu_hbm, ti_hbm, out_hbm,
            tu, ti, slot_u, slot_i, pidx_u, pidx_i, scale_u, scale_i,
            gu, gi, pu, pi, sbuf, sem_a, sem_b):
    wid = lax.axis_index("s") * NC + lax.axis_index("c")
    lanes = lax.iota(jnp.int32, L)
    scale = jnp.float32(SCALE)
    zero = jnp.float32(0.0)

    def chunk_body(c, carry):
        pair_base = wid * PAIRS_PER_W + c * CH
        pltpu.sync_copy(tu_hbm.at[pl.ds(pair_base, CH)], tu)
        pltpu.sync_copy(ti_hbm.at[pl.ds(pair_base, CH)], ti)
        for q in range(QN):
            iu = tu.at[pl.ds(q * 128, 128)]
            ii = ti.at[pl.ds(q * 128, 128)]
            pltpu.async_copy(map_u_hbm.at[iu], slot_u.at[pl.ds(q * 128, 128)], sem_a)
            pltpu.async_copy(map_i_hbm.at[ii], slot_i.at[pl.ds(q * 128, 128)], sem_a)
            pltpu.async_copy(ut_hbm.at[iu], gu.at[pl.ds(q * 128, 128), :], sem_b)
            pltpu.async_copy(it_hbm.at[ii], gi.at[pl.ds(q * 128, 128), :], sem_b)
        for q in range(QN):
            iu = tu.at[pl.ds(q * 128, 128)]
            ii = ti.at[pl.ds(q * 128, 128)]
            pltpu.make_async_copy(map_u_hbm.at[iu], slot_u.at[pl.ds(q * 128, 128)], sem_a).wait()
            pltpu.make_async_copy(map_i_hbm.at[ii], slot_i.at[pl.ds(q * 128, 128)], sem_a).wait()

        def pidx_body(g, carry2):
            su = slot_u[pl.ds(g * L, L)]
            si = slot_i[pl.ds(g * L, L)]
            mu = su >= 0
            mi = si >= 0
            spread = (pair_base + g * L + lanes) & (N_NEI - 1)
            pidx_u[pl.ds(g * L, L)] = jnp.where(mu, su, spread)
            pidx_i[pl.ds(g * L, L)] = jnp.where(mi, si, spread) + N_NEI
            scale_u[pl.ds(g * L, L)] = jnp.where(mu, scale, zero)
            scale_i[pl.ds(g * L, L)] = jnp.where(mi, scale, zero)
            return carry2

        lax.fori_loop(0, CH // L, pidx_body, 0, unroll=4)

        for q in range(QN):
            pltpu.async_copy(pext_hbm.at[pidx_u.at[pl.ds(q * 128, 128)]],
                             pu.at[pl.ds(q * 128, 128), :], sem_a)
            pltpu.async_copy(pext_hbm.at[pidx_i.at[pl.ds(q * 128, 128)]],
                             pi.at[pl.ds(q * 128, 128), :], sem_a)
        for q in range(QN):
            pltpu.make_async_copy(ut_hbm.at[tu.at[pl.ds(q * 128, 128)]],
                                  gu.at[pl.ds(q * 128, 128), :], sem_b).wait()
            pltpu.make_async_copy(it_hbm.at[ti.at[pl.ds(q * 128, 128)]],
                                  gi.at[pl.ds(q * 128, 128), :], sem_b).wait()
            pltpu.make_async_copy(pext_hbm.at[pidx_u.at[pl.ds(q * 128, 128)]],
                                  pu.at[pl.ds(q * 128, 128), :], sem_a).wait()
            pltpu.make_async_copy(pext_hbm.at[pidx_i.at[pl.ds(q * 128, 128)]],
                                  pi.at[pl.ds(q * 128, 128), :], sem_a).wait()

        def dot_body(grp, carry2):
            rows = grp * L + lanes
            scu = scale_u[pl.ds(grp * L, L)]
            sci = scale_i[pl.ds(grp * L, L)]
            acc = jnp.zeros((L,), jnp.float32)
            for d in range(D):
                cold = jnp.full((L,), d, jnp.int32)
                au = plsc.load_gather(gu, [rows, cold])
                du = plsc.load_gather(pu, [rows, cold])
                ai = plsc.load_gather(gi, [rows, cold])
                di = plsc.load_gather(pi, [rows, cold])
                acc = acc + (au + scu * du) * (ai + sci * di)
            sbuf[pl.ds(grp * L, L)] = acc
            return carry2

        lax.fori_loop(0, CH // L, dot_body, 0)
        pltpu.sync_copy(sbuf, out_hbm.at[pl.ds(pair_base, CH)])
        return carry

    lax.fori_loop(0, NCHUNK, chunk_body, 0)


def kernel(user_table, item_table, p, nei_users, nei_items,
           train_users, train_items):
    map_u, map_i = _build_maps(nei_users, nei_items)
    return _scores(user_table, item_table, p.reshape(N_PROWS, D),
                   map_u, map_i, train_users, train_items)

# --- scband reference (transcript-rebuilt; emitter-appended) ---
"""Pipeline reference for scband-influence-unlearn-71622874628598 (READ-ONLY COPY).

The authoritative reference and input builder live on the scoring server;
editing this copy changes nothing except your own understanding.
"""

import jax, jax.numpy as jnp
import numpy as np

N_USERS = 1000000
N_ITEMS = 1000000
D = 32
N_NEI = 16384
N_PAIRS = 65536
N_TRAIN = 65536  # data_generator.n_train scaling constant


def setup_inputs(seed: int = 0) -> dict:
    key = jax.random.key(seed)
    ks = jax.random.split(key, 7)
    user_table = jax.random.normal(ks[0], (N_USERS, D), dtype=jnp.float32)
    item_table = jax.random.normal(ks[1], (N_ITEMS, D), dtype=jnp.float32)
    p = jax.random.normal(ks[2], (2 * N_NEI * D,), dtype=jnp.float32)
    nei_users = jax.random.randint(ks[3], (N_NEI,), 0, N_USERS, dtype=jnp.int32)
    nei_items = jax.random.randint(ks[4], (N_NEI,), 0, N_ITEMS, dtype=jnp.int32)
    train_users = jax.random.randint(ks[5], (N_PAIRS,), 0, N_USERS, dtype=jnp.int32)
    train_items = jax.random.randint(ks[6], (N_PAIRS,), 0, N_ITEMS, dtype=jnp.int32)
    return {
        "user_table": user_table,
        "item_table": item_table,
        "p": p,
        "nei_users": nei_users,
        "nei_items": nei_items,
        "train_users": train_users,
        "train_items": train_items,
    }


def reference(user_table, item_table, p, nei_users, nei_items, train_users, train_items):
    # Faithful core of influence_unlearn's per-epoch update:
    # 1) gather k-hop-neighbor embedding rows and flatten -> un_ui_para
    u_para_num = nei_users.shape[0] * user_table.shape[-1]
    un_u_para = jnp.take(user_table, nei_users, axis=0).reshape(-1)
    un_i_para = jnp.take(item_table, nei_items, axis=0).reshape(-1)
    un_ui_para = jnp.concatenate([un_u_para, un_i_para], axis=-1)
    # 2) influence-function update: un_ui_para + (1/n_train) * p
    un_ui_para_temp = un_ui_para + (1.0 / N_TRAIN) * p
    # 3) scatter-overwrite the updated rows back into the embedding memories
    upd_user = user_table.at[nei_users].set(
        un_ui_para_temp[:u_para_num].reshape(-1, user_table.shape[-1])
    )
    upd_item = item_table.at[nei_items].set(
        un_ui_para_temp[u_para_num:].reshape(-1, item_table.shape[-1])
    )
    # 4) score the (user, item) training pairs with the updated memories
    user_embs = jnp.take(upd_user, train_users, axis=0)
    item_embs = jnp.take(upd_item, train_items, axis=0)
    scores = jnp.sum(user_embs * item_embs, axis=-1)
    return scores

if __name__ == "__main__":
    import jax
    _d = setup_inputs()
    print(jax.jit(kernel)(*tuple(_d.values())))

</pallas_src>

<mosaic_0001>
#map = affine_map<(d0, d1) -> (0, 0)>
#map1 = affine_map<(d0, d1) -> (0)>
module attributes {stable_mosaic.version = 14 : i64} {
  func.func @_scores(%arg0: i32, %arg1: i32, %arg2: memref<1000000x32xf32, #tpu.memory_space<hbm>>, %arg3: memref<1000000x32xf32, #tpu.memory_space<hbm>>, %arg4: memref<32768x32xf32, #tpu.memory_space<hbm>>, %arg5: memref<1048576xi32, #tpu.memory_space<hbm>>, %arg6: memref<1048576xi32, #tpu.memory_space<hbm>>, %arg7: memref<65536xi32, #tpu.memory_space<hbm>>, %arg8: memref<65536xi32, #tpu.memory_space<hbm>>, %arg9: memref<65536xf32, #tpu.memory_space<hbm>>, %arg10: memref<512xi32, #tpu.memory_space<vmem>>, %arg11: memref<512xi32, #tpu.memory_space<vmem>>, %arg12: memref<512xi32, #tpu.memory_space<vmem>>, %arg13: memref<512xi32, #tpu.memory_space<vmem>>, %arg14: memref<512xi32, #tpu.memory_space<vmem>>, %arg15: memref<512xi32, #tpu.memory_space<vmem>>, %arg16: memref<512xf32, #tpu.memory_space<vmem>>, %arg17: memref<512xf32, #tpu.memory_space<vmem>>, %arg18: memref<512x32xf32, #tpu.memory_space<vmem>>, %arg19: memref<512x32xf32, #tpu.memory_space<vmem>>, %arg20: memref<512x32xf32, #tpu.memory_space<vmem>>, %arg21: memref<512x32xf32, #tpu.memory_space<vmem>>, %arg22: memref<512xf32, #tpu.memory_space<vmem>>, %arg23: memref<!tpu.dma_semaphore, #tpu.memory_space<semaphore_mem>>, %arg24: memref<!tpu.dma_semaphore, #tpu.memory_space<semaphore_mem>>) attributes {dimension_semantics = [#tpu.dimension_semantics<core_parallel>, #tpu.dimension_semantics<subcore_parallel>], iteration_bounds = array<i64: 2, 16>, scalar_prefetch = 0 : i64, scratch_operands = 15 : i64, tpu.core_type = #tpu.core_type<sc_vector_subcore>, window_params = [{transform_indices = #map}, {transform_indices = #map}, {transform_indices = #map}, {transform_indices = #map1}, {transform_indices = #map1}, {transform_indices = #map1}, {transform_indices = #map1}, {transform_indices = #map1}]} {
    %mul3A = arith.constant 2 : i32
    %mul3A_0 = arith.muli %arg1, %mul3A : i32
    %add3A = arith.addi %mul3A_0, %arg0 : i32
    %iota3A = tpu.iota {dimensions = array<i32: 0>} : vector<16xi32>
    %scan3A = arith.constant 0 : i32
    %scan3A_1 = arith.constant 1.52587891E-5 : f32
    %scan3A_2 = arith.constant 0.000000e+00 : f32
    %scan3A_3 = arith.constant 0 : i32
    %scan3A_4 = arith.constant 4 : i32
    %scan3A_5 = arith.addi %scan3A_3, %scan3A_4 : i32
    %scan3A_6 = arith.constant 1 : i32
    scf.for %scan3A_8 = %scan3A_3 to %scan3A_5 step %scan3A_6  : i32 {
      %mul3A_9 = arith.constant 2048 : i32
      %mul3A_10 = arith.muli %add3A, %mul3A_9 : i32
      %mul3A_11 = arith.constant 512 : i32
      %mul3A_12 = arith.muli %scan3A_8, %mul3A_11 : i32
      %add3A_13 = arith.addi %mul3A_10, %mul3A_12 : i32
      "tpu.region"() ({
        %run_scoped3A = tpu.sem_alloc : memref<!tpu.dma_semaphore, #tpu.memory_space<semaphore_mem>>
        %dma_start3A_376 = tpu.memref_slice %arg7[%add3A_13] : memref<65536xi32, #tpu.memory_space<hbm>> -> memref<512xi32, #tpu.memory_space<hbm>>
        %dma_start3A_377 = tpu.memref_slice %arg7[%add3A_13] : memref<65536xi32, #tpu.memory_space<hbm>> -> memref<512xi32, #tpu.memory_space<hbm>>
        tpu.enqueue_dma source(%dma_start3A_377 : memref<512xi32, #tpu.memory_space<hbm>>) target(%arg10 : memref<512xi32, #tpu.memory_space<vmem>>) target_semaphore(%run_scoped3A : memref<!tpu.dma_semaphore, #tpu.memory_space<semaphore_mem>>)
        %dma_wait3A_378 = tpu.memref_slice %arg7[%add3A_13] : memref<65536xi32, #tpu.memory_space<hbm>> -> memref<512xi32, #tpu.memory_space<hbm>>
        %dma_wait3A_379 = tpu.memref_slice %arg7[%add3A_13] : memref<65536xi32, #tpu.memory_space<hbm>> -> memref<512xi32, #tpu.memory_space<hbm>>
        tpu.wait_dma2 semaphore(%run_scoped3A : memref<!tpu.dma_semaphore, #tpu.memory_space<semaphore_mem>>) src(%dma_wait3A_379 : memref<512xi32, #tpu.memory_space<hbm>>) dst(%arg10 : memref<512xi32, #tpu.memory_space<vmem>>)
        tpu.yield
      }) : () -> ()
      "tpu.region"() ({
        %run_scoped3A = tpu.sem_alloc : memref<!tpu.dma_semaphore, #tpu.memory_space<semaphore_mem>>
        %dma_start3A_376 = tpu.memref_slice %arg8[%add3A_13] : memref<65536xi32, #tpu.memory_space<hbm>> -> memref<512xi32, #tpu.memory_space<hbm>>
        %dma_start3A_377 = tpu.memref_slice %arg8[%add3A_13] : memref<65536xi32, #tpu.memory_space<hbm>> -> memref<512xi32, #tpu.memory_space<hbm>>
        tpu.enqueue_dma source(%dma_start3A_377 : memref<512xi32, #tpu.memory_space<hbm>>) target(%arg11 : memref<512xi32, #tpu.memory_space<vmem>>) target_semaphore(%run_scoped3A : memref<!tpu.dma_semaphore, #tpu.memory_space<semaphore_mem>>)
        %dma_wait3A_378 = tpu.memref_slice %arg8[%add3A_13] : memref<65536xi32, #tpu.memory_space<hbm>> -> memref<512xi32, #tpu.memory_space<hbm>>
        %dma_wait3A_379 = tpu.memref_slice %arg8[%add3A_13] : memref<65536xi32, #tpu.memory_space<hbm>> -> memref<512xi32, #tpu.memory_space<hbm>>
        tpu.wait_dma2 semaphore(%run_scoped3A : memref<!tpu.dma_semaphore, #tpu.memory_space<semaphore_mem>>) src(%dma_wait3A_379 : memref<512xi32, #tpu.memory_space<hbm>>) dst(%arg11 : memref<512xi32, #tpu.memory_space<vmem>>)
        tpu.yield
      }) : () -> ()
      %dma_start3A = arith.constant 0 : i32
      %dma_start3A_14 = tpu.memref_slice %arg12[%dma_start3A] : memref<512xi32, #tpu.memory_space<vmem>> -> memref<128xi32, #tpu.memory_space<vmem>>
      %dma_start3A_15 = arith.constant 0 : i32
      %dma_start3A_16 = tpu.memref_slice %arg10[%dma_start3A_15] : memref<512xi32, #tpu.memory_space<vmem>> -> memref<128xi32, #tpu.memory_space<vmem>>
      %dma_start3A_17 = arith.constant 0 : i32
      %dma_start3A_18 = tpu.memref_slice %arg5[%dma_start3A_17] : memref<1048576xi32, #tpu.memory_space<hbm>> -> memref<1048576xi32, #tpu.memory_space<hbm>>
      tpu.enqueue_indirect_dma source(%dma_start3A_18 : memref<1048576xi32, #tpu.memory_space<hbm>>) target(%dma_start3A_14 : memref<128xi32, #tpu.memory_space<vmem>>) offsets(%dma_start3A_16 : memref<128xi32, #tpu.memory_space<vmem>>) semaphore(%arg23 : memref<!tpu.dma_semaphore, #tpu.memory_space<semaphore_mem>>)
      %dma_start3A_19 = arith.constant 0 : i32
      %dma_start3A_20 = tpu.memref_slice %arg13[%dma_start3A_19] : memref<512xi32, #tpu.memory_space<vmem>> -> memref<128xi32, #tpu.memory_space<vmem>>
      %dma_start3A_21 = arith.constant 0 : i32
      %dma_start3A_22 = tpu.memref_slice %arg11[%dma_start3A_21] : memref<512xi32, #tpu.memory_space<vmem>> -> memref<128xi32, #tpu.memory_space<vmem>>
      %dma_start3A_23 = arith.constant 0 : i32
      %dma_start3A_24 = tpu.memref_slice %arg6[%dma_start3A_23] : memref<1048576xi32, #tpu.memory_space<hbm>> -> memref<1048576xi32, #tpu.memory_space<hbm>>
      tpu.enqueue_indirect_dma source(%dma_start3A_24 : memref<1048576xi32, #tpu.memory_space<hbm>>) target(%dma_start3A_20 : memref<128xi32, #tpu.memory_space<vmem>>) offsets(%dma_start3A_22 : memref<128xi32, #tpu.memory_space<vmem>>) semaphore(%arg23 : memref<!tpu.dma_semaphore, #tpu.memory_space<semaphore_mem>>)
      %dma_start3A_25 = arith.constant 0 : i32
      %dma_start3A_26 = arith.constant 0 : i32
      %dma_start3A_27 = tpu.memref_slice %arg18[%dma_start3A_25, %dma_start3A_26] : memref<512x32xf32, #tpu.memory_space<vmem>> -> memref<128x32xf32, #tpu.memory_space<vmem>>
      %dma_start3A_28 = arith.constant 0 : i32
      %dma_start3A_29 = tpu.memref_slice %arg10[%dma_start3A_28] : memref<512xi32, #tpu.memory_space<vmem>> -> memref<128xi32, #tpu.memory_space<vmem>>
      %dma_start3A_30 = arith.constant 0 : i32
      %dma_start3A_31 = arith.constant 0 : i32
      %dma_start3A_32 = tpu.memref_slice %arg2[%dma_start3A_30, %dma_start3A_31] : memref<1000000x32xf32, #tpu.memory_space<hbm>> -> memref<1000000x32xf32, #tpu.memory_space<hbm>>
      tpu.enqueue_indirect_dma source(%dma_start3A_32 : memref<1000000x32xf32, #tpu.memory_space<hbm>>) target(%dma_start3A_27 : memref<128x32xf32, #tpu.memory_space<vmem>>) offsets(%dma_start3A_29 : memref<128xi32, #tpu.memory_space<vmem>>) semaphore(%arg24 : memref<!tpu.dma_semaphore, #tpu.memory_space<semaphore_mem>>)
      %dma_start3A_33 = arith.constant 0 : i32
      %dma_start3A_34 = arith.constant 0 : i32
      %dma_start3A_35 = tpu.memref_slice %arg19[%dma_start3A_33, %dma_start3A_34] : memref<512x32xf32, #tpu.memory_space<vmem>> -> memref<128x32xf32, #tpu.memory_space<vmem>>
      %dma_start3A_36 = arith.constant 0 : i32
      %dma_start3A_37 = tpu.memref_slice %arg11[%dma_start3A_36] : memref<512xi32, #tpu.memory_space<vmem>> -> memref<128xi32, #tpu.memory_space<vmem>>
      %dma_start3A_38 = arith.constant 0 : i32
      %dma_start3A_39 = arith.constant 0 : i32
      %dma_start3A_40 = tpu.memref_slice %arg3[%dma_start3A_38, %dma_start3A_39] : memref<1000000x32xf32, #tpu.memory_space<hbm>> -> memref<1000000x32xf32, #tpu.memory_space<hbm>>
      tpu.enqueue_indirect_dma source(%dma_start3A_40 : memref<1000000x32xf32, #tpu.memory_space<hbm>>) target(%dma_start3A_35 : memref<128x32xf32, #tpu.memory_space<vmem>>) offsets(%dma_start3A_37 : memref<128xi32, #tpu.memory_space<vmem>>) semaphore(%arg24 : memref<!tpu.dma_semaphore, #tpu.memory_space<semaphore_mem>>)
      %dma_start3A_41 = arith.constant 128 : i32
      %dma_start3A_42 = tpu.memref_slice %arg12[%dma_start3A_41] : memref<512xi32, #tpu.memory_space<vmem>> -> memref<128xi32, #tpu.memory_space<vmem>>
      %dma_start3A_43 = arith.constant 128 : i32
      %dma_start3A_44 = tpu.memref_slice %arg10[%dma_start3A_43] : memref<512xi32, #tpu.memory_space<vmem>> -> memref<128xi32, #tpu.memory_space<vmem>>
      %dma_start3A_45 = arith.constant 0 : i32
      %dma_start3A_46 = tpu.memref_slice %arg5[%dma_start3A_45] : memref<1048576xi32, #tpu.memory_space<hbm>> -> memref<1048576xi32, #tpu.memory_space<hbm>>
      tpu.enqueue_indirect_dma source(%dma_start3A_46 : memref<1048576xi32, #tpu.memory_space<hbm>>) target(%dma_start3A_42 : memref<128xi32, #tpu.memory_space<vmem>>) offsets(%dma_start3A_44 : memref<128xi32, #tpu.memory_space<vmem>>) semaphore(%arg23 : memref<!tpu.dma_semaphore, #tpu.memory_space<semaphore_mem>>)
      %dma_start3A_47 = arith.constant 128 : i32
      %dma_start3A_48 = tpu.memref_slice %arg13[%dma_start3A_47] : memref<512xi32, #tpu.memory_space<vmem>> -> memref<128xi32, #tpu.memory_space<vmem>>
      %dma_start3A_49 = arith.constant 128 : i32
      %dma_start3A_50 = tpu.memref_slice %arg11[%dma_start3A_49] : memref<512xi32, #tpu.memory_space<vmem>> -> memref<128xi32, #tpu.memory_space<vmem>>
      %dma_start3A_51 = arith.constant 0 : i32
      %dma_start3A_52 = tpu.memref_slice %arg6[%dma_start3A_51] : memref<1048576xi32, #tpu.memory_space<hbm>> -> memref<1048576xi32, #tpu.memory_space<hbm>>
      tpu.enqueue_indirect_dma source(%dma_start3A_52 : memref<1048576xi32, #tpu.memory_space<hbm>>) target(%dma_start3A_48 : memref<128xi32, #tpu.memory_space<vmem>>) offsets(%dma_start3A_50 : memref<128xi32, #tpu.memory_space<vmem>>) semaphore(%arg23 : memref<!tpu.dma_semaphore, #tpu.memory_space<semaphore_mem>>)
      %dma_start3A_53 = arith.constant 128 : i32
      %dma_start3A_54 = arith.constant 0 : i32
      %dma_start3A_55 = tpu.memref_slice %arg18[%dma_start3A_53, %dma_start3A_54] : memref<512x32xf32, #tpu.memory_space<vmem>> -> memref<128x32xf32, #tpu.memory_space<vmem>>
      %dma_start3A_56 = arith.constant 128 : i32
      %dma_start3A_57 = tpu.memref_slice %arg10[%dma_start3A_56] : memref<512xi32, #tpu.memory_space<vmem>> -> memref<128xi32, #tpu.memory_space<vmem>>
      %dma_start3A_58 = arith.constant 0 : i32
      %dma_start3A_59 = arith.constant 0 : i32
      %dma_start3A_60 = tpu.memref_slice %arg2[%dma_start3A_58, %dma_start3A_59] : memref<1000000x32xf32, #tpu.memory_space<hbm>> -> memref<1000000x32xf32, #tpu.memory_space<hbm>>
      tpu.enqueue_indirect_dma source(%dma_start3A_60 : memref<1000000x32xf32, #tpu.memory_space<hbm>>) target(%dma_start3A_55 : memref<128x32xf32, #tpu.memory_space<vmem>>) offsets(%dma_start3A_57 : memref<128xi32, #tpu.memory_space<vmem>>) semaphore(%arg24 : memref<!tpu.dma_semaphore, #tpu.memory_space<semaphore_mem>>)
      %dma_start3A_61 = arith.constant 128 : i32
      %dma_start3A_62 = arith.constant 0 : i32
      %dma_start3A_63 = tpu.memref_slice %arg19[%dma_start3A_61, %dma_start3A_62] : memref<512x32xf32, #tpu.memory_space<vmem>> -> memref<128x32xf32, #tpu.memory_space<vmem>>
      %dma_start3A_64 = arith.constant 128 : i32
      %dma_start3A_65 = tpu.memref_slice %arg11[%dma_start3A_64] : memref<512xi32, #tpu.memory_space<vmem>> -> memref<128xi32, #tpu.memory_space<vmem>>
      %dma_start3A_66 = arith.constant 0 : i32
      %dma_start3A_67 = arith.constant 0 : i32
      %dma_start3A_68 = tpu.memref_slice %arg3[%dma_start3A_66, %dma_start3A_67] : memref<1000000x32xf32, #tpu.memory_space<hbm>> -> memref<1000000x32xf32, #tpu.memory_space<hbm>>
      tpu.enqueue_indirect_dma source(%dma_start3A_68 : memref<1000000x32xf32, #tpu.memory_space<hbm>>) target(%dma_start3A_63 : memref<128x32xf32, #tpu.memory_space<vmem>>) offsets(%dma_start3A_65 : memref<128xi32, #tpu.memory_space<vmem>>) semaphore(%arg24 : memref<!tpu.dma_semaphore, #tpu.memory_space<semaphore_mem>>)
      %dma_start3A_69 = arith.constant 256 : i32
      %dma_start3A_70 = tpu.memref_slice %arg12[%dma_start3A_69] : memref<512xi32, #tpu.memory_space<vmem>> -> memref<128xi32, #tpu.memory_space<vmem>>
      %dma_start3A_71 = arith.constant 256 : i32
      %dma_start3A_72 = tpu.memref_slice %arg10[%dma_start3A_71] : memref<512xi32, #tpu.memory_space<vmem>> -> memref<128xi32, #tpu.memory_space<vmem>>
      %dma_start3A_73 = arith.constant 0 : i32
      %dma_start3A_74 = tpu.memref_slice %arg5[%dma_start3A_73] : memref<1048576xi32, #tpu.memory_space<hbm>> -> memref<1048576xi32, #tpu.memory_space<hbm>>
      tpu.enqueue_indirect_dma source(%dma_start3A_74 : memref<1048576xi32, #tpu.memory_space<hbm>>) target(%dma_start3A_70 : memref<128xi32, #tpu.memory_space<vmem>>) offsets(%dma_start3A_72 : memref<128xi32, #tpu.memory_space<vmem>>) semaphore(%arg23 : memref<!tpu.dma_semaphore, #tpu.memory_space<semaphore_mem>>)
      %dma_start3A_75 = arith.constant 256 : i32
      %dma_start3A_76 = tpu.memref_slice %arg13[%dma_start3A_75] : memref<512xi32, #tpu.memory_space<vmem>> -> memref<128xi32, #tpu.memory_space<vmem>>
      %dma_start3A_77 = arith.constant 256 : i32
      %dma_start3A_78 = tpu.memref_slice %arg11[%dma_start3A_77] : memref<512xi32, #tpu.memory_space<vmem>> -> memref<128xi32, #tpu.memory_space<vmem>>
      %dma_start3A_79 = arith.constant 0 : i32
      %dma_start3A_80 = tpu.memref_slice %arg6[%dma_start3A_79] : memref<1048576xi32, #tpu.memory_space<hbm>> -> memref<1048576xi32, #tpu.memory_space<hbm>>
      tpu.enqueue_indirect_dma source(%dma_start3A_80 : memref<1048576xi32, #tpu.memory_space<hbm>>) target(%dma_start3A_76 : memref<128xi32, #tpu.memory_space<vmem>>) offsets(%dma_start3A_78 : memref<128xi32, #tpu.memory_space<vmem>>) semaphore(%arg23 : memref<!tpu.dma_semaphore, #tpu.memory_space<semaphore_mem>>)
      %dma_start3A_81 = arith.constant 256 : i32
      %dma_start3A_82 = arith.constant 0 : i32
      %dma_start3A_83 = tpu.memref_slice %arg18[%dma_start3A_81, %dma_start3A_82] : memref<512x32xf32, #tpu.memory_space<vmem>> -> memref<128x32xf32, #tpu.memory_space<vmem>>
      %dma_start3A_84 = arith.constant 256 : i32
      %dma_start3A_85 = tpu.memref_slice %arg10[%dma_start3A_84] : memref<512xi32, #tpu.memory_space<vmem>> -> memref<128xi32, #tpu.memory_space<vmem>>
      %dma_start3A_86 = arith.constant 0 : i32
      %dma_start3A_87 = arith.constant 0 : i32
      %dma_start3A_88 = tpu.memref_slice %arg2[%dma_start3A_86, %dma_start3A_87] : memref<1000000x32xf32, #tpu.memory_space<hbm>> -> memref<1000000x32xf32, #tpu.memory_space<hbm>>
      tpu.enqueue_indirect_dma source(%dma_start3A_88 : memref<1000000x32xf32, #tpu.memory_space<hbm>>) target(%dma_start3A_83 : memref<128x32xf32, #tpu.memory_space<vmem>>) offsets(%dma_start3A_85 : memref<128xi32, #tpu.memory_space<vmem>>) semaphore(%arg24 : memref<!tpu.dma_semaphore, #tpu.memory_space<semaphore_mem>>)
      %dma_start3A_89 = arith.constant 256 : i32
      %dma_start3A_90 = arith.constant 0 : i32
      %dma_start3A_91 = tpu.memref_slice %arg19[%dma_start3A_89, %dma_start3A_90] : memref<512x32xf32, #tpu.memory_space<vmem>> -> memref<128x32xf32, #tpu.memory_space<vmem>>
      %dma_start3A_92 = arith.constant 256 : i32
      %dma_start3A_93 = tpu.memref_slice %arg11[%dma_start3A_92] : memref<512xi32, #tpu.memory_space<vmem>> -> memref<128xi32, #tpu.memory_space<vmem>>
      %dma_start3A_94 = arith.constant 0 : i32
      %dma_start3A_95 = arith.constant 0 : i32
      %dma_start3A_96 = tpu.memref_slice %arg3[%dma_start3A_94, %dma_start3A_95] : memref<1000000x32xf32, #tpu.memory_space<hbm>> -> memref<1000000x32xf32, #tpu.memory_space<hbm>>
      tpu.enqueue_indirect_dma source(%dma_start3A_96 : memref<1000000x32xf32, #tpu.memory_space<hbm>>) target(%dma_start3A_91 : memref<128x32xf32, #tpu.memory_space<vmem>>) offsets(%dma_start3A_93 : memref<128xi32, #tpu.memory_space<vmem>>) semaphore(%arg24 : memref<!tpu.dma_semaphore, #tpu.memory_space<semaphore_mem>>)
      %dma_start3A_97 = arith.constant 384 : i32
      %dma_start3A_98 = tpu.memref_slice %arg12[%dma_start3A_97] : memref<512xi32, #tpu.memory_space<vmem>> -> memref<128xi32, #tpu.memory_space<vmem>>
      %dma_start3A_99 = arith.constant 384 : i32
      %dma_start3A_100 = tpu.memref_slice %arg10[%dma_start3A_99] : memref<512xi32, #tpu.memory_space<vmem>> -> memref<128xi32, #tpu.memory_space<vmem>>
      %dma_start3A_101 = arith.constant 0 : i32
      %dma_start3A_102 = tpu.memref_slice %arg5[%dma_start3A_101] : memref<1048576xi32, #tpu.memory_space<hbm>> -> memref<1048576xi32, #tpu.memory_space<hbm>>
      tpu.enqueue_indirect_dma source(%dma_start3A_102 : memref<1048576xi32, #tpu.memory_space<hbm>>) target(%dma_start3A_98 : memref<128xi32, #tpu.memory_space<vmem>>) offsets(%dma_start3A_100 : memref<128xi32, #tpu.memory_space<vmem>>) semaphore(%arg23 : memref<!tpu.dma_semaphore, #tpu.memory_space<semaphore_mem>>)
      %dma_start3A_103 = arith.constant 384 : i32
      %dma_start3A_104 = tpu.memref_slice %arg13[%dma_start3A_103] : memref<512xi32, #tpu.memory_space<vmem>> -> memref<128xi32, #tpu.memory_space<vmem>>
      %dma_start3A_105 = arith.constant 384 : i32
      %dma_start3A_106 = tpu.memref_slice %arg11[%dma_start3A_105] : memref<512xi32, #tpu.memory_space<vmem>> -> memref<128xi32, #tpu.memory_space<vmem>>
      %dma_start3A_107 = arith.constant 0 : i32
      %dma_start3A_108 = tpu.memref_slice %arg6[%dma_start3A_107] : memref<1048576xi32, #tpu.memory_space<hbm>> -> memref<1048576xi32, #tpu.memory_space<hbm>>
      tpu.enqueue_indirect_dma source(%dma_start3A_108 : memref<1048576xi32, #tpu.memory_space<hbm>>) target(%dma_start3A_104 : memref<128xi32, #tpu.memory_space<vmem>>) offsets(%dma_start3A_106 : memref<128xi32, #tpu.memory_space<vmem>>) semaphore(%arg23 : memref<!tpu.dma_semaphore, #tpu.memory_space<semaphore_mem>>)
      %dma_start3A_109 = arith.constant 384 : i32
      %dma_start3A_110 = arith.constant 0 : i32
      %dma_start3A_111 = tpu.memref_slice %arg18[%dma_start3A_109, %dma_start3A_110] : memref<512x32xf32, #tpu.memory_space<vmem>> -> memref<128x32xf32, #tpu.memory_space<vmem>>
      %dma_start3A_112 = arith.constant 384 : i32
      %dma_start3A_113 = tpu.memref_slice %arg10[%dma_start3A_112] : memref<512xi32, #tpu.memory_space<vmem>> -> memref<128xi32, #tpu.memory_space<vmem>>
      %dma_start3A_114 = arith.constant 0 : i32
      %dma_start3A_115 = arith.constant 0 : i32
      %dma_start3A_116 = tpu.memref_slice %arg2[%dma_start3A_114, %dma_start3A_115] : memref<1000000x32xf32, #tpu.memory_space<hbm>> -> memref<1000000x32xf32, #tpu.memory_space<hbm>>
      tpu.enqueue_indirect_dma source(%dma_start3A_116 : memref<1000000x32xf32, #tpu.memory_space<hbm>>) target(%dma_start3A_111 : memref<128x32xf32, #tpu.memory_space<vmem>>) offsets(%dma_start3A_113 : memref<128xi32, #tpu.memory_space<vmem>>) semaphore(%arg24 : memref<!tpu.dma_semaphore, #tpu.memory_space<semaphore_mem>>)
      %dma_start3A_117 = arith.constant 384 : i32
      %dma_start3A_118 = arith.constant 0 : i32
      %dma_start3A_119 = tpu.memref_slice %arg19[%dma_start3A_117, %dma_start3A_118] : memref<512x32xf32, #tpu.memory_space<vmem>> -> memref<128x32xf32, #tpu.memory_space<vmem>>
      %dma_start3A_120 = arith.constant 384 : i32
      %dma_start3A_121 = tpu.memref_slice %arg11[%dma_start3A_120] : memref<512xi32, #tpu.memory_space<vmem>> -> memref<128xi32, #tpu.memory_space<vmem>>
      %dma_start3A_122 = arith.constant 0 : i32
      %dma_start3A_123 = arith.constant 0 : i32
      %dma_start3A_124 = tpu.memref_slice %arg3[%dma_start3A_122, %dma_start3A_123] : memref<1000000x32xf32, #tpu.memory_space<hbm>> -> memref<1000000x32xf32, #tpu.memory_space<hbm>>
      tpu.enqueue_indirect_dma source(%dma_start3A_124 : memref<1000000x32xf32, #tpu.memory_space<hbm>>) target(%dma_start3A_119 : memref<128x32xf32, #tpu.memory_space<vmem>>) offsets(%dma_start3A_121 : memref<128xi32, #tpu.memory_space<vmem>>) semaphore(%arg24 : memref<!tpu.dma_semaphore, #tpu.memory_space<semaphore_mem>>)
      %dma_wait3A = arith.constant 0 : i32
      %dma_wait3A_125 = tpu.memref_slice %arg12[%dma_wait3A] : memref<512xi32, #tpu.memory_space<vmem>> -> memref<128xi32, #tpu.memory_space<vmem>>
      %dma_wait3A_126 = arith.constant 0 : i32
      %dma_wait3A_127 = tpu.memref_slice %arg10[%dma_wait3A_126] : memref<512xi32, #tpu.memory_space<vmem>> -> memref<128xi32, #tpu.memory_space<vmem>>
      %dma_wait3A_128 = arith.constant 0 : i32
      %dma_wait3A_129 = tpu.memref_slice %arg5[%dma_wait3A_128] : memref<1048576xi32, #tpu.memory_space<hbm>> -> memref<1048576xi32, #tpu.memory_space<hbm>>
      tpu.wait_indirect_dma semaphore(%arg23 : memref<!tpu.dma_semaphore, #tpu.memory_space<semaphore_mem>>) src(%dma_wait3A_129 : memref<1048576xi32, #tpu.memory_space<hbm>>) dst(%dma_wait3A_125 : memref<128xi32, #tpu.memory_space<vmem>>)
      %dma_wait3A_130 = arith.constant 0 : i32
      %dma_wait3A_131 = tpu.memref_slice %arg13[%dma_wait3A_130] : memref<512xi32, #tpu.memory_space<vmem>> -> memref<128xi32, #tpu.memory_space<vmem>>
      %dma_wait3A_132 = arith.constant 0 : i32
      %dma_wait3A_133 = tpu.memref_slice %arg11[%dma_wait3A_132] : memref<512xi32, #tpu.memory_space<vmem>> -> memref<128xi32, #tpu.memory_space<vmem>>
      %dma_wait3A_134 = arith.constant 0 : i32
      %dma_wait3A_135 = tpu.memref_slice %arg6[%dma_wait3A_134] : memref<1048576xi32, #tpu.memory_space<hbm>> -> memref<1048576xi32, #tpu.memory_space<hbm>>
      tpu.wait_indirect_dma semaphore(%arg23 : memref<!tpu.dma_semaphore, #tpu.memory_space<semaphore_mem>>) src(%dma_wait3A_135 : memref<1048576xi32, #tpu.memory_space<hbm>>) dst(%dma_wait3A_131 : memref<128xi32, #tpu.memory_space<vmem>>)
      %dma_wait3A_136 = arith.constant 128 : i32
      %dma_wait3A_137 = tpu.memref_slice %arg12[%dma_wait3A_136] : memref<512xi32, #tpu.memory_space<vmem>> -> memref<128xi32, #tpu.memory_space<vmem>>
      %dma_wait3A_138 = arith.constant 128 : i32
      %dma_wait3A_139 = tpu.memref_slice %arg10[%dma_wait3A_138] : memref<512xi32, #tpu.memory_space<vmem>> -> memref<128xi32, #tpu.memory_space<vmem>>
      %dma_wait3A_140 = arith.constant 0 : i32
      %dma_wait3A_141 = tpu.memref_slice %arg5[%dma_wait3A_140] : memref<1048576xi32, #tpu.memory_space<hbm>> -> memref<1048576xi32, #tpu.memory_space<hbm>>
      tpu.wait_indirect_dma semaphore(%arg23 : memref<!tpu.dma_semaphore, #tpu.memory_space<semaphore_mem>>) src(%dma_wait3A_141 : memref<1048576xi32, #tpu.memory_space<hbm>>) dst(%dma_wait3A_137 : memref<128xi32, #tpu.memory_space<vmem>>)
      %dma_wait3A_142 = arith.constant 128 : i32
      %dma_wait3A_143 = tpu.memref_slice %arg13[%dma_wait3A_142] : memref<512xi32, #tpu.memory_space<vmem>> -> memref<128xi32, #tpu.memory_space<vmem>>
      %dma_wait3A_144 = arith.constant 128 : i32
      %dma_wait3A_145 = tpu.memref_slice %arg11[%dma_wait3A_144] : memref<512xi32, #tpu.memory_space<vmem>> -> memref<128xi32, #tpu.memory_space<vmem>>
      %dma_wait3A_146 = arith.constant 0 : i32
      %dma_wait3A_147 = tpu.memref_slice %arg6[%dma_wait3A_146] : memref<1048576xi32, #tpu.memory_space<hbm>> -> memref<1048576xi32, #tpu.memory_space<hbm>>
      tpu.wait_indirect_dma semaphore(%arg23 : memref<!tpu.dma_semaphore, #tpu.memory_space<semaphore_mem>>) src(%dma_wait3A_147 : memref<1048576xi32, #tpu.memory_space<hbm>>) dst(%dma_wait3A_143 : memref<128xi32, #tpu.memory_space<vmem>>)
      %dma_wait3A_148 = arith.constant 256 : i32
      %dma_wait3A_149 = tpu.memref_slice %arg12[%dma_wait3A_148] : memref<512xi32, #tpu.memory_space<vmem>> -> memref<128xi32, #tpu.memory_space<vmem>>
      %dma_wait3A_150 = arith.constant 256 : i32
      %dma_wait3A_151 = tpu.memref_slice %arg10[%dma_wait3A_150] : memref<512xi32, #tpu.memory_space<vmem>> -> memref<128xi32, #tpu.memory_space<vmem>>
      %dma_wait3A_152 = arith.constant 0 : i32
      %dma_wait3A_153 = tpu.memref_slice %arg5[%dma_wait3A_152] : memref<1048576xi32, #tpu.memory_space<hbm>> -> memref<1048576xi32, #tpu.memory_space<hbm>>
      tpu.wait_indirect_dma semaphore(%arg23 : memref<!tpu.dma_semaphore, #tpu.memory_space<semaphore_mem>>) src(%dma_wait3A_153 : memref<1048576xi32, #tpu.memory_space<hbm>>) dst(%dma_wait3A_149 : memref<128xi32, #tpu.memory_space<vmem>>)
      %dma_wait3A_154 = arith.constant 256 : i32
      %dma_wait3A_155 = tpu.memref_slice %arg13[%dma_wait3A_154] : memref<512xi32, #tpu.memory_space<vmem>> -> memref<128xi32, #tpu.memory_space<vmem>>
      %dma_wait3A_156 = arith.constant 256 : i32
      %dma_wait3A_157 = tpu.memref_slice %arg11[%dma_wait3A_156] : memref<512xi32, #tpu.memory_space<vmem>> -> memref<128xi32, #tpu.memory_space<vmem>>
      %dma_wait3A_158 = arith.constant 0 : i32
      %dma_wait3A_159 = tpu.memref_slice %arg6[%dma_wait3A_158] : memref<1048576xi32, #tpu.memory_space<hbm>> -> memref<1048576xi32, #tpu.memory_space<hbm>>
      tpu.wait_indirect_dma semaphore(%arg23 : memref<!tpu.dma_semaphore, #tpu.memory_space<semaphore_mem>>) src(%dma_wait3A_159 : memref<1048576xi32, #tpu.memory_space<hbm>>) dst(%dma_wait3A_155 : memref<128xi32, #tpu.memory_space<vmem>>)
      %dma_wait3A_160 = arith.constant 384 : i32
      %dma_wait3A_161 = tpu.memref_slice %arg12[%dma_wait3A_160] : memref<512xi32, #tpu.memory_space<vmem>> -> memref<128xi32, #tpu.memory_space<vmem>>
      %dma_wait3A_162 = arith.constant 384 : i32
      %dma_wait3A_163 = tpu.memref_slice %arg10[%dma_wait3A_162] : memref<512xi32, #tpu.memory_space<vmem>> -> memref<128xi32, #tpu.memory_space<vmem>>
      %dma_wait3A_164 = arith.constant 0 : i32
      %dma_wait3A_165 = tpu.memref_slice %arg5[%dma_wait3A_164] : memref<1048576xi32, #tpu.memory_space<hbm>> -> memref<1048576xi32, #tpu.memory_space<hbm>>
      tpu.wait_indirect_dma semaphore(%arg23 : memref<!tpu.dma_semaphore, #tpu.memory_space<semaphore_mem>>) src(%dma_wait3A_165 : memref<1048576xi32, #tpu.memory_space<hbm>>) dst(%dma_wait3A_161 : memref<128xi32, #tpu.memory_space<vmem>>)
      %dma_wait3A_166 = arith.constant 384 : i32
      %dma_wait3A_167 = tpu.memref_slice %arg13[%dma_wait3A_166] : memref<512xi32, #tpu.memory_space<vmem>> -> memref<128xi32, #tpu.memory_space<vmem>>
      %dma_wait3A_168 = arith.constant 384 : i32
      %dma_wait3A_169 = tpu.memref_slice %arg11[%dma_wait3A_168] : memref<512xi32, #tpu.memory_space<vmem>> -> memref<128xi32, #tpu.memory_space<vmem>>
      %dma_wait3A_170 = arith.constant 0 : i32
      %dma_wait3A_171 = tpu.memref_slice %arg6[%dma_wait3A_170] : memref<1048576xi32, #tpu.memory_space<hbm>> -> memref<1048576xi32, #tpu.memory_space<hbm>>
      tpu.wait_indirect_dma semaphore(%arg23 : memref<!tpu.dma_semaphore, #tpu.memory_space<semaphore_mem>>) src(%dma_wait3A_171 : memref<1048576xi32, #tpu.memory_space<hbm>>) dst(%dma_wait3A_167 : memref<128xi32, #tpu.memory_space<vmem>>)
      %scan3A_172 = arith.constant 0 : i32
      %scan3A_173 = arith.constant 0 : i32
      %scan3A_174 = arith.constant 32 : i32
      %scan3A_175 = arith.addi %scan3A_173, %scan3A_174 : i32
      %scan3A_176 = arith.constant 4 : i32
      scf.for %scan3A_376 = %scan3A_173 to %scan3A_175 step %scan3A_176  : i32 {
        %mul3A_377 = arith.constant 16 : i32
        %mul3A_378 = arith.muli %scan3A_376, %mul3A_377 : i32
        %get3A = arith.index_cast %mul3A_378 : i32 to index
        %get3A_379 = tpu.vector_load %arg12[%get3A] {strides = array<i32>} : memref<512xi32, #tpu.memory_space<vmem>>, vector<16xi32>,
        %mul3A_380 = arith.constant 16 : i32
        %mul3A_381 = arith.muli %scan3A_376, %mul3A_380 : i32
        %get3A_382 = arith.index_cast %mul3A_381 : i32 to index
        %get3A_383 = tpu.vector_load %arg13[%get3A_382] {strides = array<i32>} : memref<512xi32, #tpu.memory_space<vmem>>, vector<16xi32>,
        %ge3A = arith.constant 0 : i32
        %ge3A_384 = vector.broadcast %ge3A : i32 to vector<16xi32>
        %ge3A_385 = arith.cmpi sge, %get3A_379, %ge3A_384 : vector<16xi32>
        %ge3A_386 = arith.constant 0 : i32
        %ge3A_387 = vector.broadcast %ge3A_386 : i32 to vector<16xi32>
        %ge3A_388 = arith.cmpi sge, %get3A_383, %ge3A_387 : vector<16xi32>
        %mul3A_389 = arith.constant 16 : i32
        %mul3A_390 = arith.muli %scan3A_376, %mul3A_389 : i32
        %add3A_391 = arith.addi %add3A_13, %mul3A_390 : i32
        %add3A_392 = vector.broadcast %add3A_391 : i32 to vector<16xi32>
        %add3A_393 = arith.addi %add3A_392, %iota3A : vector<16xi32>
        %and3A = arith.constant 16383 : i32
        %and3A_394 = vector.broadcast %and3A : i32 to vector<16xi32>
        %and3A_395 = arith.andi %add3A_393, %and3A_394 : vector<16xi32>
        %select_n3A = arith.select %ge3A_385, %get3A_379, %and3A_395 : vector<16xi1>, vector<16xi32>
        %mul3A_396 = arith.constant 16 : i32
        %mul3A_397 = arith.muli %scan3A_376, %mul3A_396 : i32
        %swap3A = arith.index_cast %mul3A_397 : i32 to index
        %swap3A_398 = tpu.vector_load %arg14[%swap3A] {strides = array<i32>} : memref<512xi32, #tpu.memory_space<vmem>>, vector<16xi32>,
        tpu.vector_store %arg14[%swap3A], %select_n3A {strides = array<i32>} : memref<512xi32, #tpu.memory_space<vmem>>, vector<16xi32>,
        %select_n3A_399 = arith.select %ge3A_388, %get3A_383, %and3A_395 : vector<16xi1>, vector<16xi32>
        %add3A_400 = arith.constant 16384 : i32
        %add3A_401 = vector.broadcast %add3A_400 : i32 to vector<16xi32>
        %add3A_402 = arith.addi %select_n3A_399, %add3A_401 : vector<16xi32>
        %mul3A_403 = arith.constant 16 : i32
        %mul3A_404 = arith.muli %scan3A_376, %mul3A_403 : i32
        %swap3A_405 = arith.index_cast %mul3A_404 : i32 to index
        %swap3A_406 = tpu.vector_load %arg15[%swap3A_405] {strides = array<i32>} : memref<512xi32, #tpu.memory_space<vmem>>, vector<16xi32>,
        tpu.vector_store %arg15[%swap3A_405], %add3A_402 {strides = array<i32>} : memref<512xi32, #tpu.memory_space<vmem>>, vector<16xi32>,
        %broadcast_in_dim3A = vector.broadcast %scan3A_1 : f32 to vector<16xf32>
        %broadcast_in_dim3A_407 = vector.broadcast %scan3A_2 : f32 to vector<16xf32>
        %select_n3A_408 = arith.select %ge3A_385, %broadcast_in_dim3A, %broadcast_in_dim3A_407 : vector<16xi1>, vector<16xf32>
        %mul3A_409 = arith.constant 16 : i32
        %mul3A_410 = arith.muli %scan3A_376, %mul3A_409 : i32
        %swap3A_411 = arith.index_cast %mul3A_410 : i32 to index
        %swap3A_412 = tpu.vector_load %arg16[%swap3A_411] {strides = array<i32>} : memref<512xf32, #tpu.memory_space<vmem>>, vector<16xf32>,
        tpu.vector_store %arg16[%swap3A_411], %select_n3A_408 {strides = array<i32>} : memref<512xf32, #tpu.memory_space<vmem>>, vector<16xf32>,
        %broadcast_in_dim3A_413 = vector.broadcast %scan3A_1 : f32 to vector<16xf32>
        %broadcast_in_dim3A_414 = vector.broadcast %scan3A_2 : f32 to vector<16xf32>
        %select_n3A_415 = arith.select %ge3A_388, %broadcast_in_dim3A_413, %broadcast_in_dim3A_414 : vector<16xi1>, vector<16xf32>
        %mul3A_416 = arith.constant 16 : i32
        %mul3A_417 = arith.muli %scan3A_376, %mul3A_416 : i32
        %swap3A_418 = arith.index_cast %mul3A_417 : i32 to index
        %swap3A_419 = tpu.vector_load %arg17[%swap3A_418] {strides = array<i32>} : memref<512xf32, #tpu.memory_space<vmem>>, vector<16xf32>,
        tpu.vector_store %arg17[%swap3A_418], %select_n3A_415 {strides = array<i32>} : memref<512xf32, #tpu.memory_space<vmem>>, vector<16xf32>,
        %scan3A_420 = arith.constant 1 : i32
        %scan3A_421 = arith.addi %scan3A_376, %scan3A_420 : i32
        %mul3A_422 = arith.constant 16 : i32
        %mul3A_423 = arith.muli %scan3A_421, %mul3A_422 : i32
        %get3A_424 = arith.index_cast %mul3A_423 : i32 to index
        %get3A_425 = tpu.vector_load %arg12[%get3A_424] {strides = array<i32>} : memref<512xi32, #tpu.memory_space<vmem>>, vector<16xi32>,
        %mul3A_426 = arith.constant 16 : i32
        %mul3A_427 = arith.muli %scan3A_421, %mul3A_426 : i32
        %get3A_428 = arith.index_cast %mul3A_427 : i32 to index
        %get3A_429 = tpu.vector_load %arg13[%get3A_428] {strides = array<i32>} : memref<512xi32, #tpu.memory_space<vmem>>, vector<16xi32>,
        %ge3A_430 = arith.constant 0 : i32
        %ge3A_431 = vector.broadcast %ge3A_430 : i32 to vector<16xi32>
        %ge3A_432 = arith.cmpi sge, %get3A_425, %ge3A_431 : vector<16xi32>
        %ge3A_433 = arith.constant 0 : i32
        %ge3A_434 = vector.broadcast %ge3A_433 : i32 to vector<16xi32>
        %ge3A_435 = arith.cmpi sge, %get3A_429, %ge3A_434 : vector<16xi32>
        %mul3A_436 = arith.constant 16 : i32
        %mul3A_437 = arith.muli %scan3A_421, %mul3A_436 : i32
        %add3A_438 = arith.addi %add3A_13, %mul3A_437 : i32
        %add3A_439 = vector.broadcast %add3A_438 : i32 to vector<16xi32>
        %add3A_440 = arith.addi %add3A_439, %iota3A : vector<16xi32>
        %and3A_441 = arith.constant 16383 : i32
        %and3A_442 = vector.broadcast %and3A_441 : i32 to vector<16xi32>
        %and3A_443 = arith.andi %add3A_440, %and3A_442 : vector<16xi32>
        %select_n3A_444 = arith.select %ge3A_432, %get3A_425, %and3A_443 : vector<16xi1>, vector<16xi32>
        %mul3A_445 = arith.constant 16 : i32
        %mul3A_446 = arith.muli %scan3A_421, %mul3A_445 : i32
        %swap3A_447 = arith.index_cast %mul3A_446 : i32 to index
        %swap3A_448 = tpu.vector_load %arg14[%swap3A_447] {strides = array<i32>} : memref<512xi32, #tpu.memory_space<vmem>>, vector<16xi32>,
        tpu.vector_store %arg14[%swap3A_447], %select_n3A_444 {strides = array<i32>} : memref<512xi32, #tpu.memory_space<vmem>>, vector<16xi32>,
        %select_n3A_449 = arith.select %ge3A_435, %get3A_429, %and3A_443 : vector<16xi1>, vector<16xi32>
        %add3A_450 = arith.constant 16384 : i32
        %add3A_451 = vector.broadcast %add3A_450 : i32 to vector<16xi32>
        %add3A_452 = arith.addi %select_n3A_449, %add3A_451 : vector<16xi32>
        %mul3A_453 = arith.constant 16 : i32
        %mul3A_454 = arith.muli %scan3A_421, %mul3A_453 : i32
        %swap3A_455 = arith.index_cast %mul3A_454 : i32 to index
        %swap3A_456 = tpu.vector_load %arg15[%swap3A_455] {strides = array<i32>} : memref<512xi32, #tpu.memory_space<vmem>>, vector<16xi32>,
        tpu.vector_store %arg15[%swap3A_455], %add3A_452 {strides = array<i32>} : memref<512xi32, #tpu.memory_space<vmem>>, vector<16xi32>,
        %broadcast_in_dim3A_457 = vector.broadcast %scan3A_1 : f32 to vector<16xf32>
        %broadcast_in_dim3A_458 = vector.broadcast %scan3A_2 : f32 to vector<16xf32>
        %select_n3A_459 = arith.select %ge3A_432, %broadcast_in_dim3A_457, %broadcast_in_dim3A_458 : vector<16xi1>, vector<16xf32>
        %mul3A_460 = arith.constant 16 : i32
        %mul3A_461 = arith.muli %scan3A_421, %mul3A_460 : i32
        %swap3A_462 = arith.index_cast %mul3A_461 : i32 to index
        %swap3A_463 = tpu.vector_load %arg16[%swap3A_462] {strides = array<i32>} : memref<512xf32, #tpu.memory_space<vmem>>, vector<16xf32>,
        tpu.vector_store %arg16[%swap3A_462], %select_n3A_459 {strides = array<i32>} : memref<512xf32, #tpu.memory_space<vmem>>, vector<16xf32>,
        %broadcast_in_dim3A_464 = vector.broadcast %scan3A_1 : f32 to vector<16xf32>
        %broadcast_in_dim3A_465 = vector.broadcast %scan3A_2 : f32 to vector<16xf32>
        %select_n3A_466 = arith.select %ge3A_435, %broadcast_in_dim3A_464, %broadcast_in_dim3A_465 : vector<16xi1>, vector<16xf32>
        %mul3A_467 = arith.constant 16 : i32
        %mul3A_468 = arith.muli %scan3A_421, %mul3A_467 : i32
        %swap3A_469 = arith.index_cast %mul3A_468 : i32 to index
        %swap3A_470 = tpu.vector_load %arg17[%swap3A_469] {strides = array<i32>} : memref<512xf32, #tpu.memory_space<vmem>>, vector<16xf32>,
        tpu.vector_store %arg17[%swap3A_469], %select_n3A_466 {strides = array<i32>} : memref<512xf32, #tpu.memory_space<vmem>>, vector<16xf32>,
        %scan3A_471 = arith.constant 2 : i32
        %scan3A_472 = arith.addi %scan3A_376, %scan3A_471 : i32
        %mul3A_473 = arith.constant 16 : i32
        %mul3A_474 = arith.muli %scan3A_472, %mul3A_473 : i32
        %get3A_475 = arith.index_cast %mul3A_474 : i32 to index
        %get3A_476 = tpu.vector_load %arg12[%get3A_475] {strides = array<i32>} : memref<512xi32, #tpu.memory_space<vmem>>, vector<16xi32>,
        %mul3A_477 = arith.constant 16 : i32
        %mul3A_478 = arith.muli %scan3A_472, %mul3A_477 : i32
        %get3A_479 = arith.index_cast %mul3A_478 : i32 to index
        %get3A_480 = tpu.vector_load %arg13[%get3A_479] {strides = array<i32>} : memref<512xi32, #tpu.memory_space<vmem>>, vector<16xi32>,
        %ge3A_481 = arith.constant 0 : i32
        %ge3A_482 = vector.broadcast %ge3A_481 : i32 to vector<16xi32>
        %ge3A_483 = arith.cmpi sge, %get3A_476, %ge3A_482 : vector<16xi32>
        %ge3A_484 = arith.constant 0 : i32
        %ge3A_485 = vector.broadcast %ge3A_484 : i32 to vector<16xi32>
        %ge3A_486 = arith.cmpi sge, %get3A_480, %ge3A_485 : vector<16xi32>
        %mul3A_487 = arith.constant 16 : i32
        %mul3A_488 = arith.muli %scan3A_472, %mul3A_487 : i32
        %add3A_489 = arith.addi %add3A_13, %mul3A_488 : i32
        %add3A_490 = vector.broadcast %add3A_489 : i32 to vector<16xi32>
        %add3A_491 = arith.addi %add3A_490, %iota3A : vector<16xi32>
        %and3A_492 = arith.constant 16383 : i32
        %and3A_493 = vector.broadcast %and3A_492 : i32 to vector<16xi32>
        %and3A_494 = arith.andi %add3A_491, %and3A_493 : vector<16xi32>
        %select_n3A_495 = arith.select %ge3A_483, %get3A_476, %and3A_494 : vector<16xi1>, vector<16xi32>
        %mul3A_496 = arith.constant 16 : i32
        %mul3A_497 = arith.muli %scan3A_472, %mul3A_496 : i32
        %swap3A_498 = arith.index_cast %mul3A_497 : i32 to index
        %swap3A_499 = tpu.vector_load %arg14[%swap3A_498] {strides = array<i32>} : memref<512xi32, #tpu.memory_space<vmem>>, vector<16xi32>,
        tpu.vector_store %arg14[%swap3A_498], %select_n3A_495 {strides = array<i32>} : memref<512xi32, #tpu.memory_space<vmem>>, vector<16xi32>,
        %select_n3A_500 = arith.select %ge3A_486, %get3A_480, %and3A_494 : vector<16xi1>, vector<16xi32>
        %add3A_501 = arith.constant 16384 : i32
        %add3A_502 = vector.broadcast %add3A_501 : i32 to vector<16xi32>
        %add3A_503 = arith.addi %select_n3A_500, %add3A_502 : vector<16xi32>
        %mul3A_504 = arith.constant 16 : i32
        %mul3A_505 = arith.muli %scan3A_472, %mul3A_504 : i32
        %swap3A_506 = arith.index_cast %mul3A_505 : i32 to index
        %swap3A_507 = tpu.vector_load %arg15[%swap3A_506] {strides = array<i32>} : memref<512xi32, #tpu.memory_space<vmem>>, vector<16xi32>,
        tpu.vector_store %arg15[%swap3A_506], %add3A_503 {strides = array<i32>} : memref<512xi32, #tpu.memory_space<vmem>>, vector<16xi32>,
        %broadcast_in_dim3A_508 = vector.broadcast %scan3A_1 : f32 to vector<16xf32>
        %broadcast_in_dim3A_509 = vector.broadcast %scan3A_2 : f32 to vector<16xf32>
        %select_n3A_510 = arith.select %ge3A_483, %broadcast_in_dim3A_508, %broadcast_in_dim3A_509 : vector<16xi1>, vector<16xf32>
        %mul3A_511 = arith.constant 16 : i32
        %mul3A_512 = arith.muli %scan3A_472, %mul3A_511 : i32
        %swap3A_513 = arith.index_cast %mul3A_512 : i32 to index
        %swap3A_514 = tpu.vector_load %arg16[%swap3A_513] {strides = array<i32>} : memref<512xf32, #tpu.memory_space<vmem>>, vector<16xf32>,
        tpu.vector_store %arg16[%swap3A_513], %select_n3A_510 {strides = array<i32>} : memref<512xf32, #tpu.memory_space<vmem>>, vector<16xf32>,
        %broadcast_in_dim3A_515 = vector.broadcast %scan3A_1 : f32 to vector<16xf32>
        %broadcast_in_dim3A_516 = vector.broadcast %scan3A_2 : f32 to vector<16xf32>
        %select_n3A_517 = arith.select %ge3A_486, %broadcast_in_dim3A_515, %broadcast_in_dim3A_516 : vector<16xi1>, vector<16xf32>
        %mul3A_518 = arith.constant 16 : i32
        %mul3A_519 = arith.muli %scan3A_472, %mul3A_518 : i32
        %swap3A_520 = arith.index_cast %mul3A_519 : i32 to index
        %swap3A_521 = tpu.vector_load %arg17[%swap3A_520] {strides = array<i32>} : memref<512xf32, #tpu.memory_space<vmem>>, vector<16xf32>,
        tpu.vector_store %arg17[%swap3A_520], %select_n3A_517 {strides = array<i32>} : memref<512xf32, #tpu.memory_space<vmem>>, vector<16xf32>,
        %scan3A_522 = arith.constant 3 : i32
        %scan3A_523 = arith.addi %scan3A_376, %scan3A_522 : i32
        %mul3A_524 = arith.constant 16 : i32
        %mul3A_525 = arith.muli %scan3A_523, %mul3A_524 : i32
        %get3A_526 = arith.index_cast %mul3A_525 : i32 to index
        %get3A_527 = tpu.vector_load %arg12[%get3A_526] {strides = array<i32>} : memref<512xi32, #tpu.memory_space<vmem>>, vector<16xi32>,
        %mul3A_528 = arith.constant 16 : i32
        %mul3A_529 = arith.muli %scan3A_523, %mul3A_528 : i32
        %get3A_530 = arith.index_cast %mul3A_529 : i32 to index
        %get3A_531 = tpu.vector_load %arg13[%get3A_530] {strides = array<i32>} : memref<512xi32, #tpu.memory_space<vmem>>, vector<16xi32>,
        %ge3A_532 = arith.constant 0 : i32
        %ge3A_533 = vector.broadcast %ge3A_532 : i32 to vector<16xi32>
        %ge3A_534 = arith.cmpi sge, %get3A_527, %ge3A_533 : vector<16xi32>
        %ge3A_535 = arith.constant 0 : i32
        %ge3A_536 = vector.broadcast %ge3A_535 : i32 to vector<16xi32>
        %ge3A_537 = arith.cmpi sge, %get3A_531, %ge3A_536 : vector<16xi32>
        %mul3A_538 = arith.constant 16 : i32
        %mul3A_539 = arith.muli %scan3A_523, %mul3A_538 : i32
        %add3A_540 = arith.addi %add3A_13, %mul3A_539 : i32
        %add3A_541 = vector.broadcast %add3A_540 : i32 to vector<16xi32>
        %add3A_542 = arith.addi %add3A_541, %iota3A : vector<16xi32>
        %and3A_543 = arith.constant 16383 : i32
        %and3A_544 = vector.broadcast %and3A_543 : i32 to vector<16xi32>
        %and3A_545 = arith.andi %add3A_542, %and3A_544 : vector<16xi32>
        %select_n3A_546 = arith.select %ge3A_534, %get3A_527, %and3A_545 : vector<16xi1>, vector<16xi32>
        %mul3A_547 = arith.constant 16 : i32
        %mul3A_548 = arith.muli %scan3A_523, %mul3A_547 : i32
        %swap3A_549 = arith.index_cast %mul3A_548 : i32 to index
        %swap3A_550 = tpu.vector_load %arg14[%swap3A_549] {strides = array<i32>} : memref<512xi32, #tpu.memory_space<vmem>>, vector<16xi32>,
        tpu.vector_store %arg14[%swap3A_549], %select_n3A_546 {strides = array<i32>} : memref<512xi32, #tpu.memory_space<vmem>>, vector<16xi32>,
        %select_n3A_551 = arith.select %ge3A_537, %get3A_531, %and3A_545 : vector<16xi1>, vector<16xi32>
        %add3A_552 = arith.constant 16384 : i32
        %add3A_553 = vector.broadcast %add3A_552 : i32 to vector<16xi32>
        %add3A_554 = arith.addi %select_n3A_551, %add3A_553 : vector<16xi32>
        %mul3A_555 = arith.constant 16 : i32
        %mul3A_556 = arith.muli %scan3A_523, %mul3A_555 : i32
        %swap3A_557 = arith.index_cast %mul3A_556 : i32 to index
        %swap3A_558 = tpu.vector_load %arg15[%swap3A_557] {strides = array<i32>} : memref<512xi32, #tpu.memory_space<vmem>>, vector<16xi32>,
        tpu.vector_store %arg15[%swap3A_557], %add3A_554 {strides = array<i32>} : memref<512xi32, #tpu.memory_space<vmem>>, vector<16xi32>,
        %broadcast_in_dim3A_559 = vector.broadcast %scan3A_1 : f32 to vector<16xf32>
        %broadcast_in_dim3A_560 = vector.broadcast %scan3A_2 : f32 to vector<16xf32>
        %select_n3A_561 = arith.select %ge3A_534, %broadcast_in_dim3A_559, %broadcast_in_dim3A_560 : vector<16xi1>, vector<16xf32>
        %mul3A_562 = arith.constant 16 : i32
        %mul3A_563 = arith.muli %scan3A_523, %mul3A_562 : i32
        %swap3A_564 = arith.index_cast %mul3A_563 : i32 to index
        %swap3A_565 = tpu.vector_load %arg16[%swap3A_564] {strides = array<i32>} : memref<512xf32, #tpu.memory_space<vmem>>, vector<16xf32>,
        tpu.vector_store %arg16[%swap3A_564], %select_n3A_561 {strides = array<i32>} : memref<512xf32, #tpu.memory_space<vmem>>, vector<16xf32>,
        %broadcast_in_dim3A_566 = vector.broadcast %scan3A_1 : f32 to vector<16xf32>
        %broadcast_in_dim3A_567 = vector.broadcast %scan3A_2 : f32 to vector<16xf32>
        %select_n3A_568 = arith.select %ge3A_537, %broadcast_in_dim3A_566, %broadcast_in_dim3A_567 : vector<16xi1>, vector<16xf32>
        %mul3A_569 = arith.constant 16 : i32
        %mul3A_570 = arith.muli %scan3A_523, %mul3A_569 : i32
        %swap3A_571 = arith.index_cast %mul3A_570 : i32 to index
        %swap3A_572 = tpu.vector_load %arg17[%swap3A_571] {strides = array<i32>} : memref<512xf32, #tpu.memory_space<vmem>>, vector<16xf32>,
        tpu.vector_store %arg17[%swap3A_571], %select_n3A_568 {strides = array<i32>} : memref<512xf32, #tpu.memory_space<vmem>>, vector<16xf32>,
      }
      %scan3A_177 = arith.constant 32 : i32
      %dma_start3A_178 = arith.constant 0 : i32
      %dma_start3A_179 = arith.constant 0 : i32
      %dma_start3A_180 = tpu.memref_slice %arg20[%dma_start3A_178, %dma_start3A_179] : memref<512x32xf32, #tpu.memory_space<vmem>> -> memref<128x32xf32, #tpu.memory_space<vmem>>
      %dma_start3A_181 = arith.constant 0 : i32
      %dma_start3A_182 = tpu.memref_slice %arg14[%dma_start3A_181] : memref<512xi32, #tpu.memory_space<vmem>> -> memref<128xi32, #tpu.memory_space<vmem>>
      %dma_start3A_183 = arith.constant 0 : i32
      %dma_start3A_184 = arith.constant 0 : i32
      %dma_start3A_185 = tpu.memref_slice %arg4[%dma_start3A_183, %dma_start3A_184] : memref<32768x32xf32, #tpu.memory_space<hbm>> -> memref<32768x32xf32, #tpu.memory_space<hbm>>
      tpu.enqueue_indirect_dma source(%dma_start3A_185 : memref<32768x32xf32, #tpu.memory_space<hbm>>) target(%dma_start3A_180 : memref<128x32xf32, #tpu.memory_space<vmem>>) offsets(%dma_start3A_182 : memref<128xi32, #tpu.memory_space<vmem>>) semaphore(%arg23 : memref<!tpu.dma_semaphore, #tpu.memory_space<semaphore_mem>>)
      %dma_start3A_186 = arith.constant 0 : i32
      %dma_start3A_187 = arith.constant 0 : i32
      %dma_start3A_188 = tpu.memref_slice %arg21[%dma_start3A_186, %dma_start3A_187] : memref<512x32xf32, #tpu.memory_space<vmem>> -> memref<128x32xf32, #tpu.memory_space<vmem>>
      %dma_start3A_189 = arith.constant 0 : i32
      %dma_start3A_190 = tpu.memref_slice %arg15[%dma_start3A_189] : memref<512xi32, #tpu.memory_space<vmem>> -> memref<128xi32, #tpu.memory_space<vmem>>
      %dma_start3A_191 = arith.constant 0 : i32
      %dma_start3A_192 = arith.constant 0 : i32
      %dma_start3A_193 = tpu.memref_slice %arg4[%dma_start3A_191, %dma_start3A_192] : memref<32768x32xf32, #tpu.memory_space<hbm>> -> memref<32768x32xf32, #tpu.memory_space<hbm>>
      tpu.enqueue_indirect_dma source(%dma_start3A_193 : memref<32768x32xf32, #tpu.memory_space<hbm>>) target(%dma_start3A_188 : memref<128x32xf32, #tpu.memory_space<vmem>>) offsets(%dma_start3A_190 : memref<128xi32, #tpu.memory_space<vmem>>) semaphore(%arg23 : memref<!tpu.dma_semaphore, #tpu.memory_space<semaphore_mem>>)
      %dma_start3A_194 = arith.constant 128 : i32
      %dma_start3A_195 = arith.constant 0 : i32
      %dma_start3A_196 = tpu.memref_slice %arg20[%dma_start3A_194, %dma_start3A_195] : memref<512x32xf32, #tpu.memory_space<vmem>> -> memref<128x32xf32, #tpu.memory_space<vmem>>
      %dma_start3A_197 = arith.constant 128 : i32
      %dma_start3A_198 = tpu.memref_slice %arg14[%dma_start3A_197] : memref<512xi32, #tpu.memory_space<vmem>> -> memref<128xi32, #tpu.memory_space<vmem>>
      %dma_start3A_199 = arith.constant 0 : i32
      %dma_start3A_200 = arith.constant 0 : i32
      %dma_start3A_201 = tpu.memref_slice %arg4[%dma_start3A_199, %dma_start3A_200] : memref<32768x32xf32, #tpu.memory_space<hbm>> -> memref<32768x32xf32, #tpu.memory_space<hbm>>
      tpu.enqueue_indirect_dma source(%dma_start3A_201 : memref<32768x32xf32, #tpu.memory_space<hbm>>) target(%dma_start3A_196 : memref<128x32xf32, #tpu.memory_space<vmem>>) offsets(%dma_start3A_198 : memref<128xi32, #tpu.memory_space<vmem>>) semaphore(%arg23 : memref<!tpu.dma_semaphore, #tpu.memory_space<semaphore_mem>>)
      %dma_start3A_202 = arith.constant 128 : i32
      %dma_start3A_203 = arith.constant 0 : i32
      %dma_start3A_204 = tpu.memref_slice %arg21[%dma_start3A_202, %dma_start3A_203] : memref<512x32xf32, #tpu.memory_space<vmem>> -> memref<128x32xf32, #tpu.memory_space<vmem>>
      %dma_start3A_205 = arith.constant 128 : i32
      %dma_start3A_206 = tpu.memref_slice %arg15[%dma_start3A_205] : memref<512xi32, #tpu.memory_space<vmem>> -> memref<128xi32, #tpu.memory_space<vmem>>
      %dma_start3A_207 = arith.constant 0 : i32
      %dma_start3A_208 = arith.constant 0 : i32
      %dma_start3A_209 = tpu.memref_slice %arg4[%dma_start3A_207, %dma_start3A_208] : memref<32768x32xf32, #tpu.memory_space<hbm>> -> memref<32768x32xf32, #tpu.memory_space<hbm>>
      tpu.enqueue_indirect_dma source(%dma_start3A_209 : memref<32768x32xf32, #tpu.memory_space<hbm>>) target(%dma_start3A_204 : memref<128x32xf32, #tpu.memory_space<vmem>>) offsets(%dma_start3A_206 : memref<128xi32, #tpu.memory_space<vmem>>) semaphore(%arg23 : memref<!tpu.dma_semaphore, #tpu.memory_space<semaphore_mem>>)
      %dma_start3A_210 = arith.constant 256 : i32
      %dma_start3A_211 = arith.constant 0 : i32
      %dma_start3A_212 = tpu.memref_slice %arg20[%dma_start3A_210, %dma_start3A_211] : memref<512x32xf32, #tpu.memory_space<vmem>> -> memref<128x32xf32, #tpu.memory_space<vmem>>
      %dma_start3A_213 = arith.constant 256 : i32
      %dma_start3A_214 = tpu.memref_slice %arg14[%dma_start3A_213] : memref<512xi32, #tpu.memory_space<vmem>> -> memref<128xi32, #tpu.memory_space<vmem>>
      %dma_start3A_215 = arith.constant 0 : i32
      %dma_start3A_216 = arith.constant 0 : i32
      %dma_start3A_217 = tpu.memref_slice %arg4[%dma_start3A_215, %dma_start3A_216] : memref<32768x32xf32, #tpu.memory_space<hbm>> -> memref<32768x32xf32, #tpu.memory_space<hbm>>
      tpu.enqueue_indirect_dma source(%dma_start3A_217 : memref<32768x32xf32, #tpu.memory_space<hbm>>) target(%dma_start3A_212 : memref<128x32xf32, #tpu.memory_space<vmem>>) offsets(%dma_start3A_214 : memref<128xi32, #tpu.memory_space<vmem>>) semaphore(%arg23 : memref<!tpu.dma_semaphore, #tpu.memory_space<semaphore_mem>>)
      %dma_start3A_218 = arith.constant 256 : i32
      %dma_start3A_219 = arith.constant 0 : i32
      %dma_start3A_220 = tpu.memref_slice %arg21[%dma_start3A_218, %dma_start3A_219] : memref<512x32xf32, #tpu.memory_space<vmem>> -> memref<128x32xf32, #tpu.memory_space<vmem>>
      %dma_start3A_221 = arith.constant 256 : i32
      %dma_start3A_222 = tpu.memref_slice %arg15[%dma_start3A_221] : memref<512xi32, #tpu.memory_space<vmem>> -> memref<128xi32, #tpu.memory_space<vmem>>
      %dma_start3A_223 = arith.constant 0 : i32
      %dma_start3A_224 = arith.constant 0 : i32
      %dma_start3A_225 = tpu.memref_slice %arg4[%dma_start3A_223, %dma_start3A_224] : memref<32768x32xf32, #tpu.memory_space<hbm>> -> memref<32768x32xf32, #tpu.memory_space<hbm>>
      tpu.enqueue_indirect_dma source(%dma_start3A_225 : memref<32768x32xf32, #tpu.memory_space<hbm>>) target(%dma_start3A_220 : memref<128x32xf32, #tpu.memory_space<vmem>>) offsets(%dma_start3A_222 : memref<128xi32, #tpu.memory_space<vmem>>) semaphore(%arg23 : memref<!tpu.dma_semaphore, #tpu.memory_space<semaphore_mem>>)
      %dma_start3A_226 = arith.constant 384 : i32
      %dma_start3A_227 = arith.constant 0 : i32
      %dma_start3A_228 = tpu.memref_slice %arg20[%dma_start3A_226, %dma_start3A_227] : memref<512x32xf32, #tpu.memory_space<vmem>> -> memref<128x32xf32, #tpu.memory_space<vmem>>
      %dma_start3A_229 = arith.constant 384 : i32
      %dma_start3A_230 = tpu.memref_slice %arg14[%dma_start3A_229] : memref<512xi32, #tpu.memory_space<vmem>> -> memref<128xi32, #tpu.memory_space<vmem>>
      %dma_start3A_231 = arith.constant 0 : i32
      %dma_start3A_232 = arith.constant 0 : i32
      %dma_start3A_233 = tpu.memref_slice %arg4[%dma_start3A_231, %dma_start3A_232] : memref<32768x32xf32, #tpu.memory_space<hbm>> -> memref<32768x32xf32, #tpu.memory_space<hbm>>
      tpu.enqueue_indirect_dma source(%dma_start3A_233 : memref<32768x32xf32, #tpu.memory_space<hbm>>) target(%dma_start3A_228 : memref<128x32xf32, #tpu.memory_space<vmem>>) offsets(%dma_start3A_230 : memref<128xi32, #tpu.memory_space<vmem>>) semaphore(%arg23 : memref<!tpu.dma_semaphore, #tpu.memory_space<semaphore_mem>>)
      %dma_start3A_234 = arith.constant 384 : i32
      %dma_start3A_235 = arith.constant 0 : i32
      %dma_start3A_236 = tpu.memref_slice %arg21[%dma_start3A_234, %dma_start3A_235] : memref<512x32xf32, #tpu.memory_space<vmem>> -> memref<128x32xf32, #tpu.memory_space<vmem>>
      %dma_start3A_237 = arith.constant 384 : i32
      %dma_start3A_238 = tpu.memref_slice %arg15[%dma_start3A_237] : memref<512xi32, #tpu.memory_space<vmem>> -> memref<128xi32, #tpu.memory_space<vmem>>
      %dma_start3A_239 = arith.constant 0 : i32
      %dma_start3A_240 = arith.constant 0 : i32
      %dma_start3A_241 = tpu.memref_slice %arg4[%dma_start3A_239, %dma_start3A_240] : memref<32768x32xf32, #tpu.memory_space<hbm>> -> memref<32768x32xf32, #tpu.memory_space<hbm>>
      tpu.enqueue_indirect_dma source(%dma_start3A_241 : memref<32768x32xf32, #tpu.memory_space<hbm>>) target(%dma_start3A_236 : memref<128x32xf32, #tpu.memory_space<vmem>>) offsets(%dma_start3A_238 : memref<128xi32, #tpu.memory_space<vmem>>) semaphore(%arg23 : memref<!tpu.dma_semaphore, #tpu.memory_space<semaphore_mem>>)
      %dma_wait3A_242 = arith.constant 0 : i32
      %dma_wait3A_243 = arith.constant 0 : i32
      %dma_wait3A_244 = tpu.memref_slice %arg18[%dma_wait3A_242, %dma_wait3A_243] : memref<512x32xf32, #tpu.memory_space<vmem>> -> memref<128x32xf32, #tpu.memory_space<vmem>>
      %dma_wait3A_245 = arith.constant 0 : i32
      %dma_wait3A_246 = tpu.memref_slice %arg10[%dma_wait3A_245] : memref<512xi32, #tpu.memory_space<vmem>> -> memref<128xi32, #tpu.memory_space<vmem>>
      %dma_wait3A_247 = arith.constant 0 : i32
      %dma_wait3A_248 = arith.constant 0 : i32
      %dma_wait3A_249 = tpu.memref_slice %arg2[%dma_wait3A_247, %dma_wait3A_248] : memref<1000000x32xf32, #tpu.memory_space<hbm>> -> memref<1000000x32xf32, #tpu.memory_space<hbm>>
      tpu.wait_indirect_dma semaphore(%arg24 : memref<!tpu.dma_semaphore, #tpu.memory_space<semaphore_mem>>) src(%dma_wait3A_249 : memref<1000000x32xf32, #tpu.memory_space<hbm>>) dst(%dma_wait3A_244 : memref<128x32xf32, #tpu.memory_space<vmem>>)
      %dma_wait3A_250 = arith.constant 0 : i32
      %dma_wait3A_251 = arith.constant 0 : i32
      %dma_wait3A_252 = tpu.memref_slice %arg19[%dma_wait3A_250, %dma_wait3A_251] : memref<512x32xf32, #tpu.memory_space<vmem>> -> memref<128x32xf32, #tpu.memory_space<vmem>>
      %dma_wait3A_253 = arith.constant 0 : i32
      %dma_wait3A_254 = tpu.memref_slice %arg11[%dma_wait3A_253] : memref<512xi32, #tpu.memory_space<vmem>> -> memref<128xi32, #tpu.memory_space<vmem>>
      %dma_wait3A_255 = arith.constant 0 : i32
      %dma_wait3A_256 = arith.constant 0 : i32
      %dma_wait3A_257 = tpu.memref_slice %arg3[%dma_wait3A_255, %dma_wait3A_256] : memref<1000000x32xf32, #tpu.memory_space<hbm>> -> memref<1000000x32xf32, #tpu.memory_space<hbm>>
      tpu.wait_indirect_dma semaphore(%arg24 : memref<!tpu.dma_semaphore, #tpu.memory_space<semaphore_mem>>) src(%dma_wait3A_257 : memref<1000000x32xf32, #tpu.memory_space<hbm>>) dst(%dma_wait3A_252 : memref<128x32xf32, #tpu.memory_space<vmem>>)
      %dma_wait3A_258 = arith.constant 0 : i32
      %dma_wait3A_259 = arith.constant 0 : i32
      %dma_wait3A_260 = tpu.memref_slice %arg20[%dma_wait3A_258, %dma_wait3A_259] : memref<512x32xf32, #tpu.memory_space<vmem>> -> memref<128x32xf32, #tpu.memory_space<vmem>>
      %dma_wait3A_261 = arith.constant 0 : i32
      %dma_wait3A_262 = tpu.memref_slice %arg14[%dma_wait3A_261] : memref<512xi32, #tpu.memory_space<vmem>> -> memref<128xi32, #tpu.memory_space<vmem>>
      %dma_wait3A_263 = arith.constant 0 : i32
      %dma_wait3A_264 = arith.constant 0 : i32
      %dma_wait3A_265 = tpu.memref_slice %arg4[%dma_wait3A_263, %dma_wait3A_264] : memref<32768x32xf32, #tpu.memory_space<hbm>> -> memref<32768x32xf32, #tpu.memory_space<hbm>>
      tpu.wait_indirect_dma semaphore(%arg23 : memref<!tpu.dma_semaphore, #tpu.memory_space<semaphore_mem>>) src(%dma_wait3A_265 : memref<32768x32xf32, #tpu.memory_space<hbm>>) dst(%dma_wait3A_260 : memref<128x32xf32, #tpu.memory_space<vmem>>)
      %dma_wait3A_266 = arith.constant 0 : i32
      %dma_wait3A_267 = arith.constant 0 : i32
      %dma_wait3A_268 = tpu.memref_slice %arg21[%dma_wait3A_266, %dma_wait3A_267] : memref<512x32xf32, #tpu.memory_space<vmem>> -> memref<128x32xf32, #tpu.memory_space<vmem>>
      %dma_wait3A_269 = arith.constant 0 : i32
      %dma_wait3A_270 = tpu.memref_slice %arg15[%dma_wait3A_269] : memref<512xi32, #tpu.memory_space<vmem>> -> memref<128xi32, #tpu.memory_space<vmem>>
      %dma_wait3A_271 = arith.constant 0 : i32
      %dma_wait3A_272 = arith.constant 0 : i32
      %dma_wait3A_273 = tpu.memref_slice %arg4[%dma_wait3A_271, %dma_wait3A_272] : memref<32768x32xf32, #tpu.memory_space<hbm>> -> memref<32768x32xf32, #tpu.memory_space<hbm>>
      tpu.wait_indirect_dma semaphore(%arg23 : memref<!tpu.dma_semaphore, #tpu.memory_space<semaphore_mem>>) src(%dma_wait3A_273 : memref<32768x32xf32, #tpu.memory_space<hbm>>) dst(%dma_wait3A_268 : memref<128x32xf32, #tpu.memory_space<vmem>>)
      %dma_wait3A_274 = arith.constant 128 : i32
      %dma_wait3A_275 = arith.constant 0 : i32
      %dma_wait3A_276 = tpu.memref_slice %arg18[%dma_wait3A_274, %dma_wait3A_275] : memref<512x32xf32, #tpu.memory_space<vmem>> -> memref<128x32xf32, #tpu.memory_space<vmem>>
      %dma_wait3A_277 = arith.constant 128 : i32
      %dma_wait3A_278 = tpu.memref_slice %arg10[%dma_wait3A_277] : memref<512xi32, #tpu.memory_space<vmem>> -> memref<128xi32, #tpu.memory_space<vmem>>
      %dma_wait3A_279 = arith.constant 0 : i32
      %dma_wait3A_280 = arith.constant 0 : i32
      %dma_wait3A_281 = tpu.memref_slice %arg2[%dma_wait3A_279, %dma_wait3A_280] : memref<1000000x32xf32, #tpu.memory_space<hbm>> -> memref<1000000x32xf32, #tpu.memory_space<hbm>>
      tpu.wait_indirect_dma semaphore(%arg24 : memref<!tpu.dma_semaphore, #tpu.memory_space<semaphore_mem>>) src(%dma_wait3A_281 : memref<1000000x32xf32, #tpu.memory_space<hbm>>) dst(%dma_wait3A_276 : memref<128x32xf32, #tpu.memory_space<vmem>>)
      %dma_wait3A_282 = arith.constant 128 : i32
      %dma_wait3A_283 = arith.constant 0 : i32
      %dma_wait3A_284 = tpu.memref_slice %arg19[%dma_wait3A_282, %dma_wait3A_283] : memref<512x32xf32, #tpu.memory_space<vmem>> -> memref<128x32xf32, #tpu.memory_space<vmem>>
      %dma_wait3A_285 = arith.constant 128 : i32
      %dma_wait3A_286 = tpu.memref_slice %arg11[%dma_wait3A_285] : memref<512xi32, #tpu.memory_space<vmem>> -> memref<128xi32, #tpu.memory_space<vmem>>
      %dma_wait3A_287 = arith.constant 0 : i32
      %dma_wait3A_288 = arith.constant 0 : i32
      %dma_wait3A_289 = tpu.memref_slice %arg3[%dma_wait3A_287, %dma_wait3A_288] : memref<1000000x32xf32, #tpu.memory_space<hbm>> -> memref<1000000x32xf32, #tpu.memory_space<hbm>>
      tpu.wait_indirect_dma semaphore(%arg24 : memref<!tpu.dma_semaphore, #tpu.memory_space<semaphore_mem>>) src(%dma_wait3A_289 : memref<1000000x32xf32, #tpu.memory_space<hbm>>) dst(%dma_wait3A_284 : memref<128x32xf32, #tpu.memory_space<vmem>>)
      %dma_wait3A_290 = arith.constant 128 : i32
      %dma_wait3A_291 = arith.constant 0 : i32
      %dma_wait3A_292 = tpu.memref_slice %arg20[%dma_wait3A_290, %dma_wait3A_291] : memref<512x32xf32, #tpu.memory_space<vmem>> -> memref<128x32xf32, #tpu.memory_space<vmem>>
      %dma_wait3A_293 = arith.constant 128 : i32
      %dma_wait3A_294 = tpu.memref_slice %arg14[%dma_wait3A_293] : memref<512xi32, #tpu.memory_space<vmem>> -> memref<128xi32, #tpu.memory_space<vmem>>
      %dma_wait3A_295 = arith.constant 0 : i32
      %dma_wait3A_296 = arith.constant 0 : i32
      %dma_wait3A_297 = tpu.memref_slice %arg4[%dma_wait3A_295, %dma_wait3A_296] : memref<32768x32xf32, #tpu.memory_space<hbm>> -> memref<32768x32xf32, #tpu.memory_space<hbm>>
      tpu.wait_indirect_dma semaphore(%arg23 : memref<!tpu.dma_semaphore, #tpu.memory_space<semaphore_mem>>) src(%dma_wait3A_297 : memref<32768x32xf32, #tpu.memory_space<hbm>>) dst(%dma_wait3A_292 : memref<128x32xf32, #tpu.memory_space<vmem>>)
      %dma_wait3A_298 = arith.constant 128 : i32
      %dma_wait3A_299 = arith.constant 0 : i32
      %dma_wait3A_300 = tpu.memref_slice %arg21[%dma_wait3A_298, %dma_wait3A_299] : memref<512x32xf32, #tpu.memory_space<vmem>> -> memref<128x32xf32, #tpu.memory_space<vmem>>
      %dma_wait3A_301 = arith.constant 128 : i32
      %dma_wait3A_302 = tpu.memref_slice %arg15[%dma_wait3A_301] : memref<512xi32, #tpu.memory_space<vmem>> -> memref<128xi32, #tpu.memory_space<vmem>>
      %dma_wait3A_303 = arith.constant 0 : i32
      %dma_wait3A_304 = arith.constant 0 : i32
      %dma_wait3A_305 = tpu.memref_slice %arg4[%dma_wait3A_303, %dma_wait3A_304] : memref<32768x32xf32, #tpu.memory_space<hbm>> -> memref<32768x32xf32, #tpu.memory_space<hbm>>
      tpu.wait_indirect_dma semaphore(%arg23 : memref<!tpu.dma_semaphore, #tpu.memory_space<semaphore_mem>>) src(%dma_wait3A_305 : memref<32768x32xf32, #tpu.memory_space<hbm>>) dst(%dma_wait3A_300 : memref<128x32xf32, #tpu.memory_space<vmem>>)
      %dma_wait3A_306 = arith.constant 256 : i32
      %dma_wait3A_307 = arith.constant 0 : i32
      %dma_wait3A_308 = tpu.memref_slice %arg18[%dma_wait3A_306, %dma_wait3A_307] : memref<512x32xf32, #tpu.memory_space<vmem>> -> memref<128x32xf32, #tpu.memory_space<vmem>>
      %dma_wait3A_309 = arith.constant 256 : i32
      %dma_wait3A_310 = tpu.memref_slice %arg10[%dma_wait3A_309] : memref<512xi32, #tpu.memory_space<vmem>> -> memref<128xi32, #tpu.memory_space<vmem>>
      %dma_wait3A_311 = arith.constant 0 : i32
      %dma_wait3A_312 = arith.constant 0 : i32
      %dma_wait3A_313 = tpu.memref_slice %arg2[%dma_wait3A_311, %dma_wait3A_312] : memref<1000000x32xf32, #tpu.memory_space<hbm>> -> memref<1000000x32xf32, #tpu.memory_space<hbm>>
      tpu.wait_indirect_dma semaphore(%arg24 : memref<!tpu.dma_semaphore, #tpu.memory_space<semaphore_mem>>) src(%dma_wait3A_313 : memref<1000000x32xf32, #tpu.memory_space<hbm>>) dst(%dma_wait3A_308 : memref<128x32xf32, #tpu.memory_space<vmem>>)
      %dma_wait3A_314 = arith.constant 256 : i32
      %dma_wait3A_315 = arith.constant 0 : i32
      %dma_wait3A_316 = tpu.memref_slice %arg19[%dma_wait3A_314, %dma_wait3A_315] : memref<512x32xf32, #tpu.memory_space<vmem>> -> memref<128x32xf32, #tpu.memory_space<vmem>>
      %dma_wait3A_317 = arith.constant 256 : i32
      %dma_wait3A_318 = tpu.memref_slice %arg11[%dma_wait3A_317] : memref<512xi32, #tpu.memory_space<vmem>> -> memref<128xi32, #tpu.memory_space<vmem>>
      %dma_wait3A_319 = arith.constant 0 : i32
      %dma_wait3A_320 = arith.constant 0 : i32
      %dma_wait3A_321 = tpu.memref_slice %arg3[%dma_wait3A_319, %dma_wait3A_320] : memref<1000000x32xf32, #tpu.memory_space<hbm>> -> memref<1000000x32xf32, #tpu.memory_space<hbm>>
      tpu.wait_indirect_dma semaphore(%arg24 : memref<!tpu.dma_semaphore, #tpu.memory_space<semaphore_mem>>) src(%dma_wait3A_321 : memref<1000000x32xf32, #tpu.memory_space<hbm>>) dst(%dma_wait3A_316 : memref<128x32xf32, #tpu.memory_space<vmem>>)
      %dma_wait3A_322 = arith.constant 256 : i32
      %dma_wait3A_323 = arith.constant 0 : i32
      %dma_wait3A_324 = tpu.memref_slice %arg20[%dma_wait3A_322, %dma_wait3A_323] : memref<512x32xf32, #tpu.memory_space<vmem>> -> memref<128x32xf32, #tpu.memory_space<vmem>>
      %dma_wait3A_325 = arith.constant 256 : i32
      %dma_wait3A_326 = tpu.memref_slice %arg14[%dma_wait3A_325] : memref<512xi32, #tpu.memory_space<vmem>> -> memref<128xi32, #tpu.memory_space<vmem>>
      %dma_wait3A_327 = arith.constant 0 : i32
      %dma_wait3A_328 = arith.constant 0 : i32
      %dma_wait3A_329 = tpu.memref_slice %arg4[%dma_wait3A_327, %dma_wait3A_328] : memref<32768x32xf32, #tpu.memory_space<hbm>> -> memref<32768x32xf32, #tpu.memory_space<hbm>>
      tpu.wait_indirect_dma semaphore(%arg23 : memref<!tpu.dma_semaphore, #tpu.memory_space<semaphore_mem>>) src(%dma_wait3A_329 : memref<32768x32xf32, #tpu.memory_space<hbm>>) dst(%dma_wait3A_324 : memref<128x32xf32, #tpu.memory_space<vmem>>)
      %dma_wait3A_330 = arith.constant 256 : i32
      %dma_wait3A_331 = arith.constant 0 : i32
      %dma_wait3A_332 = tpu.memref_slice %arg21[%dma_wait3A_330, %dma_wait3A_331] : memref<512x32xf32, #tpu.memory_space<vmem>> -> memref<128x32xf32, #tpu.memory_space<vmem>>
      %dma_wait3A_333 = arith.constant 256 : i32
      %dma_wait3A_334 = tpu.memref_slice %arg15[%dma_wait3A_333] : memref<512xi32, #tpu.memory_space<vmem>> -> memref<128xi32, #tpu.memory_space<vmem>>
      %dma_wait3A_335 = arith.constant 0 : i32
      %dma_wait3A_336 = arith.constant 0 : i32
      %dma_wait3A_337 = tpu.memref_slice %arg4[%dma_wait3A_335, %dma_wait3A_336] : memref<32768x32xf32, #tpu.memory_space<hbm>> -> memref<32768x32xf32, #tpu.memory_space<hbm>>
      tpu.wait_indirect_dma semaphore(%arg23 : memref<!tpu.dma_semaphore, #tpu.memory_space<semaphore_mem>>) src(%dma_wait3A_337 : memref<32768x32xf32, #tpu.memory_space<hbm>>) dst(%dma_wait3A_332 : memref<128x32xf32, #tpu.memory_space<vmem>>)
      %dma_wait3A_338 = arith.constant 384 : i32
      %dma_wait3A_339 = arith.constant 0 : i32
      %dma_wait3A_340 = tpu.memref_slice %arg18[%dma_wait3A_338, %dma_wait3A_339] : memref<512x32xf32, #tpu.memory_space<vmem>> -> memref<128x32xf32, #tpu.memory_space<vmem>>
      %dma_wait3A_341 = arith.constant 384 : i32
      %dma_wait3A_342 = tpu.memref_slice %arg10[%dma_wait3A_341] : memref<512xi32, #tpu.memory_space<vmem>> -> memref<128xi32, #tpu.memory_space<vmem>>
      %dma_wait3A_343 = arith.constant 0 : i32
      %dma_wait3A_344 = arith.constant 0 : i32
      %dma_wait3A_345 = tpu.memref_slice %arg2[%dma_wait3A_343, %dma_wait3A_344] : memref<1000000x32xf32, #tpu.memory_space<hbm>> -> memref<1000000x32xf32, #tpu.memory_space<hbm>>
      tpu.wait_indirect_dma semaphore(%arg24 : memref<!tpu.dma_semaphore, #tpu.memory_space<semaphore_mem>>) src(%dma_wait3A_345 : memref<1000000x32xf32, #tpu.memory_space<hbm>>) dst(%dma_wait3A_340 : memref<128x32xf32, #tpu.memory_space<vmem>>)
      %dma_wait3A_346 = arith.constant 384 : i32
      %dma_wait3A_347 = arith.constant 0 : i32
      %dma_wait3A_348 = tpu.memref_slice %arg19[%dma_wait3A_346, %dma_wait3A_347] : memref<512x32xf32, #tpu.memory_space<vmem>> -> memref<128x32xf32, #tpu.memory_space<vmem>>
      %dma_wait3A_349 = arith.constant 384 : i32
      %dma_wait3A_350 = tpu.memref_slice %arg11[%dma_wait3A_349] : memref<512xi32, #tpu.memory_space<vmem>> -> memref<128xi32, #tpu.memory_space<vmem>>
      %dma_wait3A_351 = arith.constant 0 : i32
      %dma_wait3A_352 = arith.constant 0 : i32
      %dma_wait3A_353 = tpu.memref_slice %arg3[%dma_wait3A_351, %dma_wait3A_352] : memref<1000000x32xf32, #tpu.memory_space<hbm>> -> memref<1000000x32xf32, #tpu.memory_space<hbm>>
      tpu.wait_indirect_dma semaphore(%arg24 : memref<!tpu.dma_semaphore, #tpu.memory_space<semaphore_mem>>) src(%dma_wait3A_353 : memref<1000000x32xf32, #tpu.memory_space<hbm>>) dst(%dma_wait3A_348 : memref<128x32xf32, #tpu.memory_space<vmem>>)
      %dma_wait3A_354 = arith.constant 384 : i32
      %dma_wait3A_355 = arith.constant 0 : i32
      %dma_wait3A_356 = tpu.memref_slice %arg20[%dma_wait3A_354, %dma_wait3A_355] : memref<512x32xf32, #tpu.memory_space<vmem>> -> memref<128x32xf32, #tpu.memory_space<vmem>>
      %dma_wait3A_357 = arith.constant 384 : i32
      %dma_wait3A_358 = tpu.memref_slice %arg14[%dma_wait3A_357] : memref<512xi32, #tpu.memory_space<vmem>> -> memref<128xi32, #tpu.memory_space<vmem>>
      %dma_wait3A_359 = arith.constant 0 : i32
      %dma_wait3A_360 = arith.constant 0 : i32
      %dma_wait3A_361 = tpu.memref_slice %arg4[%dma_wait3A_359, %dma_wait3A_360] : memref<32768x32xf32, #tpu.memory_space<hbm>> -> memref<32768x32xf32, #tpu.memory_space<hbm>>
      tpu.wait_indirect_dma semaphore(%arg23 : memref<!tpu.dma_semaphore, #tpu.memory_space<semaphore_mem>>) src(%dma_wait3A_361 : memref<32768x32xf32, #tpu.memory_space<hbm>>) dst(%dma_wait3A_356 : memref<128x32xf32, #tpu.memory_space<vmem>>)
      %dma_wait3A_362 = arith.constant 384 : i32
      %dma_wait3A_363 = arith.constant 0 : i32
      %dma_wait3A_364 = tpu.memref_slice %arg21[%dma_wait3A_362, %dma_wait3A_363] : memref<512x32xf32, #tpu.memory_space<vmem>> -> memref<128x32xf32, #tpu.memory_space<vmem>>
      %dma_wait3A_365 = arith.constant 384 : i32
      %dma_wait3A_366 = tpu.memref_slice %arg15[%dma_wait3A_365] : memref<512xi32, #tpu.memory_space<vmem>> -> memref<128xi32, #tpu.memory_space<vmem>>
      %dma_wait3A_367 = arith.constant 0 : i32
      %dma_wait3A_368 = arith.constant 0 : i32
      %dma_wait3A_369 = tpu.memref_slice %arg4[%dma_wait3A_367, %dma_wait3A_368] : memref<32768x32xf32, #tpu.memory_space<hbm>> -> memref<32768x32xf32, #tpu.memory_space<hbm>>
      tpu.wait_indirect_dma semaphore(%arg23 : memref<!tpu.dma_semaphore, #tpu.memory_space<semaphore_mem>>) src(%dma_wait3A_369 : memref<32768x32xf32, #tpu.memory_space<hbm>>) dst(%dma_wait3A_364 : memref<128x32xf32, #tpu.memory_space<vmem>>)
      %scan3A_370 = arith.constant 0 : i32
      %scan3A_371 = arith.constant 0 : i32
      %scan3A_372 = arith.constant 32 : i32
      %scan3A_373 = arith.addi %scan3A_371, %scan3A_372 : i32
      %scan3A_374 = arith.constant 1 : i32
      scf.for %scan3A_376 = %scan3A_371 to %scan3A_373 step %scan3A_374  : i32 {
        %mul3A_377 = arith.constant 16 : i32
        %mul3A_378 = arith.muli %scan3A_376, %mul3A_377 : i32
        %add3A_379 = vector.broadcast %mul3A_378 : i32 to vector<16xi32>
        %add3A_380 = arith.addi %add3A_379, %iota3A : vector<16xi32>
        %mul3A_381 = arith.constant 16 : i32
        %mul3A_382 = arith.muli %scan3A_376, %mul3A_381 : i32
        %get3A = arith.index_cast %mul3A_382 : i32 to index
        %get3A_383 = tpu.vector_load %arg16[%get3A] {strides = array<i32>} : memref<512xf32, #tpu.memory_space<vmem>>, vector<16xf32>,
        %mul3A_384 = arith.constant 16 : i32
        %mul3A_385 = arith.muli %scan3A_376, %mul3A_384 : i32
        %get3A_386 = arith.index_cast %mul3A_385 : i32 to index
        %get3A_387 = tpu.vector_load %arg17[%get3A_386] {strides = array<i32>} : memref<512xf32, #tpu.memory_space<vmem>>, vector<16xf32>,
        %broadcast_in_dim3A = arith.constant 0.000000e+00 : f32
        %broadcast_in_dim3A_388 = vector.broadcast %broadcast_in_dim3A : f32 to vector<16xf32>
        %broadcast_in_dim3A_389 = arith.constant 0 : i32
        %broadcast_in_dim3A_390 = vector.broadcast %broadcast_in_dim3A_389 : i32 to vector<16xi32>
        %gather3A = tpu.vector_load_idx %arg18[%add3A_380, %broadcast_in_dim3A_390] : memref<512x32xf32, #tpu.memory_space<vmem>>[vector<16xi32>, vector<16xi32>], vector<16xf32>,
        %gather3A_391 = tpu.vector_load_idx %arg20[%add3A_380, %broadcast_in_dim3A_390] : memref<512x32xf32, #tpu.memory_space<vmem>>[vector<16xi32>, vector<16xi32>], vector<16xf32>,
        %gather3A_392 = tpu.vector_load_idx %arg19[%add3A_380, %broadcast_in_dim3A_390] : memref<512x32xf32, #tpu.memory_space<vmem>>[vector<16xi32>, vector<16xi32>], vector<16xf32>,
        %gather3A_393 = tpu.vector_load_idx %arg21[%add3A_380, %broadcast_in_dim3A_390] : memref<512x32xf32, #tpu.memory_space<vmem>>[vector<16xi32>, vector<16xi32>], vector<16xf32>,
        %mul3A_394 = arith.mulf %get3A_383, %gather3A_391 : vector<16xf32>
        %add3A_395 = arith.addf %gather3A, %mul3A_394 : vector<16xf32>
        %mul3A_396 = arith.mulf %get3A_387, %gather3A_393 : vector<16xf32>
        %add3A_397 = arith.addf %gather3A_392, %mul3A_396 : vector<16xf32>
        %mul3A_398 = arith.mulf %add3A_395, %add3A_397 : vector<16xf32>
        %add3A_399 = arith.addf %broadcast_in_dim3A_388, %mul3A_398 : vector<16xf32>
        %broadcast_in_dim3A_400 = arith.constant 1 : i32
        %broadcast_in_dim3A_401 = vector.broadcast %broadcast_in_dim3A_400 : i32 to vector<16xi32>
        %gather3A_402 = tpu.vector_load_idx %arg18[%add3A_380, %broadcast_in_dim3A_401] : memref<512x32xf32, #tpu.memory_space<vmem>>[vector<16xi32>, vector<16xi32>], vector<16xf32>,
        %gather3A_403 = tpu.vector_load_idx %arg20[%add3A_380, %broadcast_in_dim3A_401] : memref<512x32xf32, #tpu.memory_space<vmem>>[vector<16xi32>, vector<16xi32>], vector<16xf32>,
        %gather3A_404 = tpu.vector_load_idx %arg19[%add3A_380, %broadcast_in_dim3A_401] : memref<512x32xf32, #tpu.memory_space<vmem>>[vector<16xi32>, vector<16xi32>], vector<16xf32>,
        %gather3A_405 = tpu.vector_load_idx %arg21[%add3A_380, %broadcast_in_dim3A_401] : memref<512x32xf32, #tpu.memory_space<vmem>>[vector<16xi32>, vector<16xi32>], vector<16xf32>,
        %mul3A_406 = arith.mulf %get3A_383, %gather3A_403 : vector<16xf32>
        %add3A_407 = arith.addf %gather3A_402, %mul3A_406 : vector<16xf32>
        %mul3A_408 = arith.mulf %get3A_387, %gather3A_405 : vector<16xf32>
        %add3A_409 = arith.addf %gather3A_404, %mul3A_408 : vector<16xf32>
        %mul3A_410 = arith.mulf %add3A_407, %add3A_409 : vector<16xf32>
        %add3A_411 = arith.addf %add3A_399, %mul3A_410 : vector<16xf32>
        %broadcast_in_dim3A_412 = arith.constant 2 : i32
        %broadcast_in_dim3A_413 = vector.broadcast %broadcast_in_dim3A_412 : i32 to vector<16xi32>
        %gather3A_414 = tpu.vector_load_idx %arg18[%add3A_380, %broadcast_in_dim3A_413] : memref<512x32xf32, #tpu.memory_space<vmem>>[vector<16xi32>, vector<16xi32>], vector<16xf32>,
        %gather3A_415 = tpu.vector_load_idx %arg20[%add3A_380, %broadcast_in_dim3A_413] : memref<512x32xf32, #tpu.memory_space<vmem>>[vector<16xi32>, vector<16xi32>], vector<16xf32>,
        %gather3A_416 = tpu.vector_load_idx %arg19[%add3A_380, %broadcast_in_dim3A_413] : memref<512x32xf32, #tpu.memory_space<vmem>>[vector<16xi32>, vector<16xi32>], vector<16xf32>,
        %gather3A_417 = tpu.vector_load_idx %arg21[%add3A_380, %broadcast_in_dim3A_413] : memref<512x32xf32, #tpu.memory_space<vmem>>[vector<16xi32>, vector<16xi32>], vector<16xf32>,
        %mul3A_418 = arith.mulf %get3A_383, %gather3A_415 : vector<16xf32>
        %add3A_419 = arith.addf %gather3A_414, %mul3A_418 : vector<16xf32>
        %mul3A_420 = arith.mulf %get3A_387, %gather3A_417 : vector<16xf32>
        %add3A_421 = arith.addf %gather3A_416, %mul3A_420 : vector<16xf32>
        %mul3A_422 = arith.mulf %add3A_419, %add3A_421 : vector<16xf32>
        %add3A_423 = arith.addf %add3A_411, %mul3A_422 : vector<16xf32>
        %broadcast_in_dim3A_424 = arith.constant 3 : i32
        %broadcast_in_dim3A_425 = vector.broadcast %broadcast_in_dim3A_424 : i32 to vector<16xi32>
        %gather3A_426 = tpu.vector_load_idx %arg18[%add3A_380, %broadcast_in_dim3A_425] : memref<512x32xf32, #tpu.memory_space<vmem>>[vector<16xi32>, vector<16xi32>], vector<16xf32>,
        %gather3A_427 = tpu.vector_load_idx %arg20[%add3A_380, %broadcast_in_dim3A_425] : memref<512x32xf32, #tpu.memory_space<vmem>>[vector<16xi32>, vector<16xi32>], vector<16xf32>,
        %gather3A_428 = tpu.vector_load_idx %arg19[%add3A_380, %broadcast_in_dim3A_425] : memref<512x32xf32, #tpu.memory_space<vmem>>[vector<16xi32>, vector<16xi32>], vector<16xf32>,
        %gather3A_429 = tpu.vector_load_idx %arg21[%add3A_380, %broadcast_in_dim3A_425] : memref<512x32xf32, #tpu.memory_space<vmem>>[vector<16xi32>, vector<16xi32>], vector<16xf32>,
        %mul3A_430 = arith.mulf %get3A_383, %gather3A_427 : vector<16xf32>
        %add3A_431 = arith.addf %gather3A_426, %mul3A_430 : vector<16xf32>
        %mul3A_432 = arith.mulf %get3A_387, %gather3A_429 : vector<16xf32>
        %add3A_433 = arith.addf %gather3A_428, %mul3A_432 : vector<16xf32>
        %mul3A_434 = arith.mulf %add3A_431, %add3A_433 : vector<16xf32>
        %add3A_435 = arith.addf %add3A_423, %mul3A_434 : vector<16xf32>
        %broadcast_in_dim3A_436 = arith.constant 4 : i32
        %broadcast_in_dim3A_437 = vector.broadcast %broadcast_in_dim3A_436 : i32 to vector<16xi32>
        %gather3A_438 = tpu.vector_load_idx %arg18[%add3A_380, %broadcast_in_dim3A_437] : memref<512x32xf32, #tpu.memory_space<vmem>>[vector<16xi32>, vector<16xi32>], vector<16xf32>,
        %gather3A_439 = tpu.vector_load_idx %arg20[%add3A_380, %broadcast_in_dim3A_437] : memref<512x32xf32, #tpu.memory_space<vmem>>[vector<16xi32>, vector<16xi32>], vector<16xf32>,
        %gather3A_440 = tpu.vector_load_idx %arg19[%add3A_380, %broadcast_in_dim3A_437] : memref<512x32xf32, #tpu.memory_space<vmem>>[vector<16xi32>, vector<16xi32>], vector<16xf32>,
        %gather3A_441 = tpu.vector_load_idx %arg21[%add3A_380, %broadcast_in_dim3A_437] : memref<512x32xf32, #tpu.memory_space<vmem>>[vector<16xi32>, vector<16xi32>], vector<16xf32>,
        %mul3A_442 = arith.mulf %get3A_383, %gather3A_439 : vector<16xf32>
        %add3A_443 = arith.addf %gather3A_438, %mul3A_442 : vector<16xf32>
        %mul3A_444 = arith.mulf %get3A_387, %gather3A_441 : vector<16xf32>
        %add3A_445 = arith.addf %gather3A_440, %mul3A_444 : vector<16xf32>
        %mul3A_446 = arith.mulf %add3A_443, %add3A_445 : vector<16xf32>
        %add3A_447 = arith.addf %add3A_435, %mul3A_446 : vector<16xf32>
        %broadcast_in_dim3A_448 = arith.constant 5 : i32
        %broadcast_in_dim3A_449 = vector.broadcast %broadcast_in_dim3A_448 : i32 to vector<16xi32>
        %gather3A_450 = tpu.vector_load_idx %arg18[%add3A_380, %broadcast_in_dim3A_449] : memref<512x32xf32, #tpu.memory_space<vmem>>[vector<16xi32>, vector<16xi32>], vector<16xf32>,
        %gather3A_451 = tpu.vector_load_idx %arg20[%add3A_380, %broadcast_in_dim3A_449] : memref<512x32xf32, #tpu.memory_space<vmem>>[vector<16xi32>, vector<16xi32>], vector<16xf32>,
        %gather3A_452 = tpu.vector_load_idx %arg19[%add3A_380, %broadcast_in_dim3A_449] : memref<512x32xf32, #tpu.memory_space<vmem>>[vector<16xi32>, vector<16xi32>], vector<16xf32>,
        %gather3A_453 = tpu.vector_load_idx %arg21[%add3A_380, %broadcast_in_dim3A_449] : memref<512x32xf32, #tpu.memory_space<vmem>>[vector<16xi32>, vector<16xi32>], vector<16xf32>,
        %mul3A_454 = arith.mulf %get3A_383, %gather3A_451 : vector<16xf32>
        %add3A_455 = arith.addf %gather3A_450, %mul3A_454 : vector<16xf32>
        %mul3A_456 = arith.mulf %get3A_387, %gather3A_453 : vector<16xf32>
        %add3A_457 = arith.addf %gather3A_452, %mul3A_456 : vector<16xf32>
        %mul3A_458 = arith.mulf %add3A_455, %add3A_457 : vector<16xf32>
        %add3A_459 = arith.addf %add3A_447, %mul3A_458 : vector<16xf32>
        %broadcast_in_dim3A_460 = arith.constant 6 : i32
        %broadcast_in_dim3A_461 = vector.broadcast %broadcast_in_dim3A_460 : i32 to vector<16xi32>
        %gather3A_462 = tpu.vector_load_idx %arg18[%add3A_380, %broadcast_in_dim3A_461] : memref<512x32xf32, #tpu.memory_space<vmem>>[vector<16xi32>, vector<16xi32>], vector<16xf32>,
        %gather3A_463 = tpu.vector_load_idx %arg20[%add3A_380, %broadcast_in_dim3A_461] : memref<512x32xf32, #tpu.memory_space<vmem>>[vector<16xi32>, vector<16xi32>], vector<16xf32>,
        %gather3A_464 = tpu.vector_load_idx %arg19[%add3A_380, %broadcast_in_dim3A_461] : memref<512x32xf32, #tpu.memory_space<vmem>>[vector<16xi32>, vector<16xi32>], vector<16xf32>,
        %gather3A_465 = tpu.vector_load_idx %arg21[%add3A_380, %broadcast_in_dim3A_461] : memref<512x32xf32, #tpu.memory_space<vmem>>[vector<16xi32>, vector<16xi32>], vector<16xf32>,
        %mul3A_466 = arith.mulf %get3A_383, %gather3A_463 : vector<16xf32>
        %add3A_467 = arith.addf %gather3A_462, %mul3A_466 : vector<16xf32>
        %mul3A_468 = arith.mulf %get3A_387, %gather3A_465 : vector<16xf32>
        %add3A_469 = arith.addf %gather3A_464, %mul3A_468 : vector<16xf32>
        %mul3A_470 = arith.mulf %add3A_467, %add3A_469 : vector<16xf32>
        %add3A_471 = arith.addf %add3A_459, %mul3A_470 : vector<16xf32>
        %broadcast_in_dim3A_472 = arith.constant 7 : i32
        %broadcast_in_dim3A_473 = vector.broadcast %broadcast_in_dim3A_472 : i32 to vector<16xi32>
        %gather3A_474 = tpu.vector_load_idx %arg18[%add3A_380, %broadcast_in_dim3A_473] : memref<512x32xf32, #tpu.memory_space<vmem>>[vector<16xi32>, vector<16xi32>], vector<16xf32>,
        %gather3A_475 = tpu.vector_load_idx %arg20[%add3A_380, %broadcast_in_dim3A_473] : memref<512x32xf32, #tpu.memory_space<vmem>>[vector<16xi32>, vector<16xi32>], vector<16xf32>,
        %gather3A_476 = tpu.vector_load_idx %arg19[%add3A_380, %broadcast_in_dim3A_473] : memref<512x32xf32, #tpu.memory_space<vmem>>[vector<16xi32>, vector<16xi32>], vector<16xf32>,
        %gather3A_477 = tpu.vector_load_idx %arg21[%add3A_380, %broadcast_in_dim3A_473] : memref<512x32xf32, #tpu.memory_space<vmem>>[vector<16xi32>, vector<16xi32>], vector<16xf32>,
        %mul3A_478 = arith.mulf %get3A_383, %gather3A_475 : vector<16xf32>
        %add3A_479 = arith.addf %gather3A_474, %mul3A_478 : vector<16xf32>
        %mul3A_480 = arith.mulf %get3A_387, %gather3A_477 : vector<16xf32>
        %add3A_481 = arith.addf %gather3A_476, %mul3A_480 : vector<16xf32>
        %mul3A_482 = arith.mulf %add3A_479, %add3A_481 : vector<16xf32>
        %add3A_483 = arith.addf %add3A_471, %mul3A_482 : vector<16xf32>
        %broadcast_in_dim3A_484 = arith.constant 8 : i32
        %broadcast_in_dim3A_485 = vector.broadcast %broadcast_in_dim3A_484 : i32 to vector<16xi32>
        %gather3A_486 = tpu.vector_load_idx %arg18[%add3A_380, %broadcast_in_dim3A_485] : memref<512x32xf32, #tpu.memory_space<vmem>>[vector<16xi32>, vector<16xi32>], vector<16xf32>,
        %gather3A_487 = tpu.vector_load_idx %arg20[%add3A_380, %broadcast_in_dim3A_485] : memref<512x32xf32, #tpu.memory_space<vmem>>[vector<16xi32>, vector<16xi32>], vector<16xf32>,
        %gather3A_488 = tpu.vector_load_idx %arg19[%add3A_380, %broadcast_in_dim3A_485] : memref<512x32xf32, #tpu.memory_space<vmem>>[vector<16xi32>, vector<16xi32>], vector<16xf32>,
        %gather3A_489 = tpu.vector_load_idx %arg21[%add3A_380, %broadcast_in_dim3A_485] : memref<512x32xf32, #tpu.memory_space<vmem>>[vector<16xi32>, vector<16xi32>], vector<16xf32>,
        %mul3A_490 = arith.mulf %get3A_383, %gather3A_487 : vector<16xf32>
        %add3A_491 = arith.addf %gather3A_486, %mul3A_490 : vector<16xf32>
        %mul3A_492 = arith.mulf %get3A_387, %gather3A_489 : vector<16xf32>
        %add3A_493 = arith.addf %gather3A_488, %mul3A_492 : vector<16xf32>
        %mul3A_494 = arith.mulf %add3A_491, %add3A_493 : vector<16xf32>
        %add3A_495 = arith.addf %add3A_483, %mul3A_494 : vector<16xf32>
        %broadcast_in_dim3A_496 = arith.constant 9 : i32
        %broadcast_in_dim3A_497 = vector.broadcast %broadcast_in_dim3A_496 : i32 to vector<16xi32>
        %gather3A_498 = tpu.vector_load_idx %arg18[%add3A_380, %broadcast_in_dim3A_497] : memref<512x32xf32, #tpu.memory_space<vmem>>[vector<16xi32>, vector<16xi32>], vector<16xf32>,
        %gather3A_499 = tpu.vector_load_idx %arg20[%add3A_380, %broadcast_in_dim3A_497] : memref<512x32xf32, #tpu.memory_space<vmem>>[vector<16xi32>, vector<16xi32>], vector<16xf32>,
        %gather3A_500 = tpu.vector_load_idx %arg19[%add3A_380, %broadcast_in_dim3A_497] : memref<512x32xf32, #tpu.memory_space<vmem>>[vector<16xi32>, vector<16xi32>], vector<16xf32>,
        %gather3A_501 = tpu.vector_load_idx %arg21[%add3A_380, %broadcast_in_dim3A_497] : memref<512x32xf32, #tpu.memory_space<vmem>>[vector<16xi32>, vector<16xi32>], vector<16xf32>,
        %mul3A_502 = arith.mulf %get3A_383, %gather3A_499 : vector<16xf32>
        %add3A_503 = arith.addf %gather3A_498, %mul3A_502 : vector<16xf32>
        %mul3A_504 = arith.mulf %get3A_387, %gather3A_501 : vector<16xf32>
        %add3A_505 = arith.addf %gather3A_500, %mul3A_504 : vector<16xf32>
        %mul3A_506 = arith.mulf %add3A_503, %add3A_505 : vector<16xf32>
        %add3A_507 = arith.addf %add3A_495, %mul3A_506 : vector<16xf32>
        %broadcast_in_dim3A_508 = arith.constant 10 : i32
        %broadcast_in_dim3A_509 = vector.broadcast %broadcast_in_dim3A_508 : i32 to vector<16xi32>
        %gather3A_510 = tpu.vector_load_idx %arg18[%add3A_380, %broadcast_in_dim3A_509] : memref<512x32xf32, #tpu.memory_space<vmem>>[vector<16xi32>, vector<16xi32>], vector<16xf32>,
        %gather3A_511 = tpu.vector_load_idx %arg20[%add3A_380, %broadcast_in_dim3A_509] : memref<512x32xf32, #tpu.memory_space<vmem>>[vector<16xi32>, vector<16xi32>], vector<16xf32>,
        %gather3A_512 = tpu.vector_load_idx %arg19[%add3A_380, %broadcast_in_dim3A_509] : memref<512x32xf32, #tpu.memory_space<vmem>>[vector<16xi32>, vector<16xi32>], vector<16xf32>,
        %gather3A_513 = tpu.vector_load_idx %arg21[%add3A_380, %broadcast_in_dim3A_509] : memref<512x32xf32, #tpu.memory_space<vmem>>[vector<16xi32>, vector<16xi32>], vector<16xf32>,
        %mul3A_514 = arith.mulf %get3A_383, %gather3A_511 : vector<16xf32>
        %add3A_515 = arith.addf %gather3A_510, %mul3A_514 : vector<16xf32>
        %mul3A_516 = arith.mulf %get3A_387, %gather3A_513 : vector<16xf32>
        %add3A_517 = arith.addf %gather3A_512, %mul3A_516 : vector<16xf32>
        %mul3A_518 = arith.mulf %add3A_515, %add3A_517 : vector<16xf32>
        %add3A_519 = arith.addf %add3A_507, %mul3A_518 : vector<16xf32>
        %broadcast_in_dim3A_520 = arith.constant 11 : i32
        %broadcast_in_dim3A_521 = vector.broadcast %broadcast_in_dim3A_520 : i32 to vector<16xi32>
        %gather3A_522 = tpu.vector_load_idx %arg18[%add3A_380, %broadcast_in_dim3A_521] : memref<512x32xf32, #tpu.memory_space<vmem>>[vector<16xi32>, vector<16xi32>], vector<16xf32>,
        %gather3A_523 = tpu.vector_load_idx %arg20[%add3A_380, %broadcast_in_dim3A_521] : memref<512x32xf32, #tpu.memory_space<vmem>>[vector<16xi32>, vector<16xi32>], vector<16xf32>,
        %gather3A_524 = tpu.vector_load_idx %arg19[%add3A_380, %broadcast_in_dim3A_521] : memref<512x32xf32, #tpu.memory_space<vmem>>[vector<16xi32>, vector<16xi32>], vector<16xf32>,
        %gather3A_525 = tpu.vector_load_idx %arg21[%add3A_380, %broadcast_in_dim3A_521] : memref<512x32xf32, #tpu.memory_space<vmem>>[vector<16xi32>, vector<16xi32>], vector<16xf32>,
        %mul3A_526 = arith.mulf %get3A_383, %gather3A_523 : vector<16xf32>
        %add3A_527 = arith.addf %gather3A_522, %mul3A_526 : vector<16xf32>
        %mul3A_528 = arith.mulf %get3A_387, %gather3A_525 : vector<16xf32>
        %add3A_529 = arith.addf %gather3A_524, %mul3A_528 : vector<16xf32>
        %mul3A_530 = arith.mulf %add3A_527, %add3A_529 : vector<16xf32>
        %add3A_531 = arith.addf %add3A_519, %mul3A_530 : vector<16xf32>
        %broadcast_in_dim3A_532 = arith.constant 12 : i32
        %broadcast_in_dim3A_533 = vector.broadcast %broadcast_in_dim3A_532 : i32 to vector<16xi32>
        %gather3A_534 = tpu.vector_load_idx %arg18[%add3A_380, %broadcast_in_dim3A_533] : memref<512x32xf32, #tpu.memory_space<vmem>>[vector<16xi32>, vector<16xi32>], vector<16xf32>,
        %gather3A_535 = tpu.vector_load_idx %arg20[%add3A_380, %broadcast_in_dim3A_533] : memref<512x32xf32, #tpu.memory_space<vmem>>[vector<16xi32>, vector<16xi32>], vector<16xf32>,
        %gather3A_536 = tpu.vector_load_idx %arg19[%add3A_380, %broadcast_in_dim3A_533] : memref<512x32xf32, #tpu.memory_space<vmem>>[vector<16xi32>, vector<16xi32>], vector<16xf32>,
        %gather3A_537 = tpu.vector_load_idx %arg21[%add3A_380, %broadcast_in_dim3A_533] : memref<512x32xf32, #tpu.memory_space<vmem>>[vector<16xi32>, vector<16xi32>], vector<16xf32>,
        %mul3A_538 = arith.mulf %get3A_383, %gather3A_535 : vector<16xf32>
        %add3A_539 = arith.addf %gather3A_534, %mul3A_538 : vector<16xf32>
        %mul3A_540 = arith.mulf %get3A_387, %gather3A_537 : vector<16xf32>
        %add3A_541 = arith.addf %gather3A_536, %mul3A_540 : vector<16xf32>
        %mul3A_542 = arith.mulf %add3A_539, %add3A_541 : vector<16xf32>
        %add3A_543 = arith.addf %add3A_531, %mul3A_542 : vector<16xf32>
        %broadcast_in_dim3A_544 = arith.constant 13 : i32
        %broadcast_in_dim3A_545 = vector.broadcast %broadcast_in_dim3A_544 : i32 to vector<16xi32>
        %gather3A_546 = tpu.vector_load_idx %arg18[%add3A_380, %broadcast_in_dim3A_545] : memref<512x32xf32, #tpu.memory_space<vmem>>[vector<16xi32>, vector<16xi32>], vector<16xf32>,
        %gather3A_547 = tpu.vector_load_idx %arg20[%add3A_380, %broadcast_in_dim3A_545] : memref<512x32xf32, #tpu.memory_space<vmem>>[vector<16xi32>, vector<16xi32>], vector<16xf32>,
        %gather3A_548 = tpu.vector_load_idx %arg19[%add3A_380, %broadcast_in_dim3A_545] : memref<512x32xf32, #tpu.memory_space<vmem>>[vector<16xi32>, vector<16xi32>], vector<16xf32>,
        %gather3A_549 = tpu.vector_load_idx %arg21[%add3A_380, %broadcast_in_dim3A_545] : memref<512x32xf32, #tpu.memory_space<vmem>>[vector<16xi32>, vector<16xi32>], vector<16xf32>,
        %mul3A_550 = arith.mulf %get3A_383, %gather3A_547 : vector<16xf32>
        %add3A_551 = arith.addf %gather3A_546, %mul3A_550 : vector<16xf32>
        %mul3A_552 = arith.mulf %get3A_387, %gather3A_549 : vector<16xf32>
        %add3A_553 = arith.addf %gather3A_548, %mul3A_552 : vector<16xf32>
        %mul3A_554 = arith.mulf %add3A_551, %add3A_553 : vector<16xf32>
        %add3A_555 = arith.addf %add3A_543, %mul3A_554 : vector<16xf32>
        %broadcast_in_dim3A_556 = arith.constant 14 : i32
        %broadcast_in_dim3A_557 = vector.broadcast %broadcast_in_dim3A_556 : i32 to vector<16xi32>
        %gather3A_558 = tpu.vector_load_idx %arg18[%add3A_380, %broadcast_in_dim3A_557] : memref<512x32xf32, #tpu.memory_space<vmem>>[vector<16xi32>, vector<16xi32>], vector<16xf32>,
        %gather3A_559 = tpu.vector_load_idx %arg20[%add3A_380, %broadcast_in_dim3A_557] : memref<512x32xf32, #tpu.memory_space<vmem>>[vector<16xi32>, vector<16xi32>], vector<16xf32>,
        %gather3A_560 = tpu.vector_load_idx %arg19[%add3A_380, %broadcast_in_dim3A_557] : memref<512x32xf32, #tpu.memory_space<vmem>>[vector<16xi32>, vector<16xi32>], vector<16xf32>,
        %gather3A_561 = tpu.vector_load_idx %arg21[%add3A_380, %broadcast_in_dim3A_557] : memref<512x32xf32, #tpu.memory_space<vmem>>[vector<16xi32>, vector<16xi32>], vector<16xf32>,
        %mul3A_562 = arith.mulf %get3A_383, %gather3A_559 : vector<16xf32>
        %add3A_563 = arith.addf %gather3A_558, %mul3A_562 : vector<16xf32>
        %mul3A_564 = arith.mulf %get3A_387, %gather3A_561 : vector<16xf32>
        %add3A_565 = arith.addf %gather3A_560, %mul3A_564 : vector<16xf32>
        %mul3A_566 = arith.mulf %add3A_563, %add3A_565 : vector<16xf32>
        %add3A_567 = arith.addf %add3A_555, %mul3A_566 : vector<16xf32>
        %broadcast_in_dim3A_568 = arith.constant 15 : i32
        %broadcast_in_dim3A_569 = vector.broadcast %broadcast_in_dim3A_568 : i32 to vector<16xi32>
        %gather3A_570 = tpu.vector_load_idx %arg18[%add3A_380, %broadcast_in_dim3A_569] : memref<512x32xf32, #tpu.memory_space<vmem>>[vector<16xi32>, vector<16xi32>], vector<16xf32>,
        %gather3A_571 = tpu.vector_load_idx %arg20[%add3A_380, %broadcast_in_dim3A_569] : memref<512x32xf32, #tpu.memory_space<vmem>>[vector<16xi32>, vector<16xi32>], vector<16xf32>,
        %gather3A_572 = tpu.vector_load_idx %arg19[%add3A_380, %broadcast_in_dim3A_569] : memref<512x32xf32, #tpu.memory_space<vmem>>[vector<16xi32>, vector<16xi32>], vector<16xf32>,
        %gather3A_573 = tpu.vector_load_idx %arg21[%add3A_380, %broadcast_in_dim3A_569] : memref<512x32xf32, #tpu.memory_space<vmem>>[vector<16xi32>, vector<16xi32>], vector<16xf32>,
        %mul3A_574 = arith.mulf %get3A_383, %gather3A_571 : vector<16xf32>
        %add3A_575 = arith.addf %gather3A_570, %mul3A_574 : vector<16xf32>
        %mul3A_576 = arith.mulf %get3A_387, %gather3A_573 : vector<16xf32>
        %add3A_577 = arith.addf %gather3A_572, %mul3A_576 : vector<16xf32>
        %mul3A_578 = arith.mulf %add3A_575, %add3A_577 : vector<16xf32>
        %add3A_579 = arith.addf %add3A_567, %mul3A_578 : vector<16xf32>
        %broadcast_in_dim3A_580 = arith.constant 16 : i32
        %broadcast_in_dim3A_581 = vector.broadcast %broadcast_in_dim3A_580 : i32 to vector<16xi32>
        %gather3A_582 = tpu.vector_load_idx %arg18[%add3A_380, %broadcast_in_dim3A_581] : memref<512x32xf32, #tpu.memory_space<vmem>>[vector<16xi32>, vector<16xi32>], vector<16xf32>,
        %gather3A_583 = tpu.vector_load_idx %arg20[%add3A_380, %broadcast_in_dim3A_581] : memref<512x32xf32, #tpu.memory_space<vmem>>[vector<16xi32>, vector<16xi32>], vector<16xf32>,
        %gather3A_584 = tpu.vector_load_idx %arg19[%add3A_380, %broadcast_in_dim3A_581] : memref<512x32xf32, #tpu.memory_space<vmem>>[vector<16xi32>, vector<16xi32>], vector<16xf32>,
        %gather3A_585 = tpu.vector_load_idx %arg21[%add3A_380, %broadcast_in_dim3A_581] : memref<512x32xf32, #tpu.memory_space<vmem>>[vector<16xi32>, vector<16xi32>], vector<16xf32>,
        %mul3A_586 = arith.mulf %get3A_383, %gather3A_583 : vector<16xf32>
        %add3A_587 = arith.addf %gather3A_582, %mul3A_586 : vector<16xf32>
        %mul3A_588 = arith.mulf %get3A_387, %gather3A_585 : vector<16xf32>
        %add3A_589 = arith.addf %gather3A_584, %mul3A_588 : vector<16xf32>
        %mul3A_590 = arith.mulf %add3A_587, %add3A_589 : vector<16xf32>
        %add3A_591 = arith.addf %add3A_579, %mul3A_590 : vector<16xf32>
        %broadcast_in_dim3A_592 = arith.constant 17 : i32
        %broadcast_in_dim3A_593 = vector.broadcast %broadcast_in_dim3A_592 : i32 to vector<16xi32>
        %gather3A_594 = tpu.vector_load_idx %arg18[%add3A_380, %broadcast_in_dim3A_593] : memref<512x32xf32, #tpu.memory_space<vmem>>[vector<16xi32>, vector<16xi32>], vector<16xf32>,
        %gather3A_595 = tpu.vector_load_idx %arg20[%add3A_380, %broadcast_in_dim3A_593] : memref<512x32xf32, #tpu.memory_space<vmem>>[vector<16xi32>, vector<16xi32>], vector<16xf32>,
        %gather3A_596 = tpu.vector_load_idx %arg19[%add3A_380, %broadcast_in_dim3A_593] : memref<512x32xf32, #tpu.memory_space<vmem>>[vector<16xi32>, vector<16xi32>], vector<16xf32>,
        %gather3A_597 = tpu.vector_load_idx %arg21[%add3A_380, %broadcast_in_dim3A_593] : memref<512x32xf32, #tpu.memory_space<vmem>>[vector<16xi32>, vector<16xi32>], vector<16xf32>,
        %mul3A_598 = arith.mulf %get3A_383, %gather3A_595 : vector<16xf32>
        %add3A_599 = arith.addf %gather3A_594, %mul3A_598 : vector<16xf32>
        %mul3A_600 = arith.mulf %get3A_387, %gather3A_597 : vector<16xf32>
        %add3A_601 = arith.addf %gather3A_596, %mul3A_600 : vector<16xf32>
        %mul3A_602 = arith.mulf %add3A_599, %add3A_601 : vector<16xf32>
        %add3A_603 = arith.addf %add3A_591, %mul3A_602 : vector<16xf32>
        %broadcast_in_dim3A_604 = arith.constant 18 : i32
        %broadcast_in_dim3A_605 = vector.broadcast %broadcast_in_dim3A_604 : i32 to vector<16xi32>
        %gather3A_606 = tpu.vector_load_idx %arg18[%add3A_380, %broadcast_in_dim3A_605] : memref<512x32xf32, #tpu.memory_space<vmem>>[vector<16xi32>, vector<16xi32>], vector<16xf32>,
        %gather3A_607 = tpu.vector_load_idx %arg20[%add3A_380, %broadcast_in_dim3A_605] : memref<512x32xf32, #tpu.memory_space<vmem>>[vector<16xi32>, vector<16xi32>], vector<16xf32>,
        %gather3A_608 = tpu.vector_load_idx %arg19[%add3A_380, %broadcast_in_dim3A_605] : memref<512x32xf32, #tpu.memory_space<vmem>>[vector<16xi32>, vector<16xi32>], vector<16xf32>,
        %gather3A_609 = tpu.vector_load_idx %arg21[%add3A_380, %broadcast_in_dim3A_605] : memref<512x32xf32, #tpu.memory_space<vmem>>[vector<16xi32>, vector<16xi32>], vector<16xf32>,
        %mul3A_610 = arith.mulf %get3A_383, %gather3A_607 : vector<16xf32>
        %add3A_611 = arith.addf %gather3A_606, %mul3A_610 : vector<16xf32>
        %mul3A_612 = arith.mulf %get3A_387, %gather3A_609 : vector<16xf32>
        %add3A_613 = arith.addf %gather3A_608, %mul3A_612 : vector<16xf32>
        %mul3A_614 = arith.mulf %add3A_611, %add3A_613 : vector<16xf32>
        %add3A_615 = arith.addf %add3A_603, %mul3A_614 : vector<16xf32>
        %broadcast_in_dim3A_616 = arith.constant 19 : i32
        %broadcast_in_dim3A_617 = vector.broadcast %broadcast_in_dim3A_616 : i32 to vector<16xi32>
        %gather3A_618 = tpu.vector_load_idx %arg18[%add3A_380, %broadcast_in_dim3A_617] : memref<512x32xf32, #tpu.memory_space<vmem>>[vector<16xi32>, vector<16xi32>], vector<16xf32>,
        %gather3A_619 = tpu.vector_load_idx %arg20[%add3A_380, %broadcast_in_dim3A_617] : memref<512x32xf32, #tpu.memory_space<vmem>>[vector<16xi32>, vector<16xi32>], vector<16xf32>,
        %gather3A_620 = tpu.vector_load_idx %arg19[%add3A_380, %broadcast_in_dim3A_617] : memref<512x32xf32, #tpu.memory_space<vmem>>[vector<16xi32>, vector<16xi32>], vector<16xf32>,
        %gather3A_621 = tpu.vector_load_idx %arg21[%add3A_380, %broadcast_in_dim3A_617] : memref<512x32xf32, #tpu.memory_space<vmem>>[vector<16xi32>, vector<16xi32>], vector<16xf32>,
        %mul3A_622 = arith.mulf %get3A_383, %gather3A_619 : vector<16xf32>
        %add3A_623 = arith.addf %gather3A_618, %mul3A_622 : vector<16xf32>
        %mul3A_624 = arith.mulf %get3A_387, %gather3A_621 : vector<16xf32>
        %add3A_625 = arith.addf %gather3A_620, %mul3A_624 : vector<16xf32>
        %mul3A_626 = arith.mulf %add3A_623, %add3A_625 : vector<16xf32>
        %add3A_627 = arith.addf %add3A_615, %mul3A_626 : vector<16xf32>
        %broadcast_in_dim3A_628 = arith.constant 20 : i32
        %broadcast_in_dim3A_629 = vector.broadcast %broadcast_in_dim3A_628 : i32 to vector<16xi32>
        %gather3A_630 = tpu.vector_load_idx %arg18[%add3A_380, %broadcast_in_dim3A_629] : memref<512x32xf32, #tpu.memory_space<vmem>>[vector<16xi32>, vector<16xi32>], vector<16xf32>,
        %gather3A_631 = tpu.vector_load_idx %arg20[%add3A_380, %broadcast_in_dim3A_629] : memref<512x32xf32, #tpu.memory_space<vmem>>[vector<16xi32>, vector<16xi32>], vector<16xf32>,
        %gather3A_632 = tpu.vector_load_idx %arg19[%add3A_380, %broadcast_in_dim3A_629] : memref<512x32xf32, #tpu.memory_space<vmem>>[vector<16xi32>, vector<16xi32>], vector<16xf32>,
        %gather3A_633 = tpu.vector_load_idx %arg21[%add3A_380, %broadcast_in_dim3A_629] : memref<512x32xf32, #tpu.memory_space<vmem>>[vector<16xi32>, vector<16xi32>], vector<16xf32>,
        %mul3A_634 = arith.mulf %get3A_383, %gather3A_631 : vector<16xf32>
        %add3A_635 = arith.addf %gather3A_630, %mul3A_634 : vector<16xf32>
        %mul3A_636 = arith.mulf %get3A_387, %gather3A_633 : vector<16xf32>
        %add3A_637 = arith.addf %gather3A_632, %mul3A_636 : vector<16xf32>
        %mul3A_638 = arith.mulf %add3A_635, %add3A_637 : vector<16xf32>
        %add3A_639 = arith.addf %add3A_627, %mul3A_638 : vector<16xf32>
        %broadcast_in_dim3A_640 = arith.constant 21 : i32
        %broadcast_in_dim3A_641 = vector.broadcast %broadcast_in_dim3A_640 : i32 to vector<16xi32>
        %gather3A_642 = tpu.vector_load_idx %arg18[%add3A_380, %broadcast_in_dim3A_641] : memref<512x32xf32, #tpu.memory_space<vmem>>[vector<16xi32>, vector<16xi32>], vector<16xf32>,
        %gather3A_643 = tpu.vector_load_idx %arg20[%add3A_380, %broadcast_in_dim3A_641] : memref<512x32xf32, #tpu.memory_space<vmem>>[vector<16xi32>, vector<16xi32>], vector<16xf32>,
        %gather3A_644 = tpu.vector_load_idx %arg19[%add3A_380, %broadcast_in_dim3A_641] : memref<512x32xf32, #tpu.memory_space<vmem>>[vector<16xi32>, vector<16xi32>], vector<16xf32>,
        %gather3A_645 = tpu.vector_load_idx %arg21[%add3A_380, %broadcast_in_dim3A_641] : memref<512x32xf32, #tpu.memory_space<vmem>>[vector<16xi32>, vector<16xi32>], vector<16xf32>,
        %mul3A_646 = arith.mulf %get3A_383, %gather3A_643 : vector<16xf32>
        %add3A_647 = arith.addf %gather3A_642, %mul3A_646 : vector<16xf32>
        %mul3A_648 = arith.mulf %get3A_387, %gather3A_645 : vector<16xf32>
        %add3A_649 = arith.addf %gather3A_644, %mul3A_648 : vector<16xf32>
        %mul3A_650 = arith.mulf %add3A_647, %add3A_649 : vector<16xf32>
        %add3A_651 = arith.addf %add3A_639, %mul3A_650 : vector<16xf32>
        %broadcast_in_dim3A_652 = arith.constant 22 : i32
        %broadcast_in_dim3A_653 = vector.broadcast %broadcast_in_dim3A_652 : i32 to vector<16xi32>
        %gather3A_654 = tpu.vector_load_idx %arg18[%add3A_380, %broadcast_in_dim3A_653] : memref<512x32xf32, #tpu.memory_space<vmem>>[vector<16xi32>, vector<16xi32>], vector<16xf32>,
        %gather3A_655 = tpu.vector_load_idx %arg20[%add3A_380, %broadcast_in_dim3A_653] : memref<512x32xf32, #tpu.memory_space<vmem>>[vector<16xi32>, vector<16xi32>], vector<16xf32>,
        %gather3A_656 = tpu.vector_load_idx %arg19[%add3A_380, %broadcast_in_dim3A_653] : memref<512x32xf32, #tpu.memory_space<vmem>>[vector<16xi32>, vector<16xi32>], vector<16xf32>,
        %gather3A_657 = tpu.vector_load_idx %arg21[%add3A_380, %broadcast_in_dim3A_653] : memref<512x32xf32, #tpu.memory_space<vmem>>[vector<16xi32>, vector<16xi32>], vector<16xf32>,
        %mul3A_658 = arith.mulf %get3A_383, %gather3A_655 : vector<16xf32>
        %add3A_659 = arith.addf %gather3A_654, %mul3A_658 : vector<16xf32>
        %mul3A_660 = arith.mulf %get3A_387, %gather3A_657 : vector<16xf32>
        %add3A_661 = arith.addf %gather3A_656, %mul3A_660 : vector<16xf32>
        %mul3A_662 = arith.mulf %add3A_659, %add3A_661 : vector<16xf32>
        %add3A_663 = arith.addf %add3A_651, %mul3A_662 : vector<16xf32>
        %broadcast_in_dim3A_664 = arith.constant 23 : i32
        %broadcast_in_dim3A_665 = vector.broadcast %broadcast_in_dim3A_664 : i32 to vector<16xi32>
        %gather3A_666 = tpu.vector_load_idx %arg18[%add3A_380, %broadcast_in_dim3A_665] : memref<512x32xf32, #tpu.memory_space<vmem>>[vector<16xi32>, vector<16xi32>], vector<16xf32>,
        %gather3A_667 = tpu.vector_load_idx %arg20[%add3A_380, %broadcast_in_dim3A_665] : memref<512x32xf32, #tpu.memory_space<vmem>>[vector<16xi32>, vector<16xi32>], vector<16xf32>,
        %gather3A_668 = tpu.vector_load_idx %arg19[%add3A_380, %broadcast_in_dim3A_665] : memref<512x32xf32, #tpu.memory_space<vmem>>[vector<16xi32>, vector<16xi32>], vector<16xf32>,
        %gather3A_669 = tpu.vector_load_idx %arg21[%add3A_380, %broadcast_in_dim3A_665] : memref<512x32xf32, #tpu.memory_space<vmem>>[vector<16xi32>, vector<16xi32>], vector<16xf32>,
        %mul3A_670 = arith.mulf %get3A_383, %gather3A_667 : vector<16xf32>
        %add3A_671 = arith.addf %gather3A_666, %mul3A_670 : vector<16xf32>
        %mul3A_672 = arith.mulf %get3A_387, %gather3A_669 : vector<16xf32>
        %add3A_673 = arith.addf %gather3A_668, %mul3A_672 : vector<16xf32>
        %mul3A_674 = arith.mulf %add3A_671, %add3A_673 : vector<16xf32>
        %add3A_675 = arith.addf %add3A_663, %mul3A_674 : vector<16xf32>
        %broadcast_in_dim3A_676 = arith.constant 24 : i32
        %broadcast_in_dim3A_677 = vector.broadcast %broadcast_in_dim3A_676 : i32 to vector<16xi32>
        %gather3A_678 = tpu.vector_load_idx %arg18[%add3A_380, %broadcast_in_dim3A_677] : memref<512x32xf32, #tpu.memory_space<vmem>>[vector<16xi32>, vector<16xi32>], vector<16xf32>,
        %gather3A_679 = tpu.vector_load_idx %arg20[%add3A_380, %broadcast_in_dim3A_677] : memref<512x32xf32, #tpu.memory_space<vmem>>[vector<16xi32>, vector<16xi32>], vector<16xf32>,
        %gather3A_680 = tpu.vector_load_idx %arg19[%add3A_380, %broadcast_in_dim3A_677] : memref<512x32xf32, #tpu.memory_space<vmem>>[vector<16xi32>, vector<16xi32>], vector<16xf32>,
        %gather3A_681 = tpu.vector_load_idx %arg21[%add3A_380, %broadcast_in_dim3A_677] : memref<512x32xf32, #tpu.memory_space<vmem>>[vector<16xi32>, vector<16xi32>], vector<16xf32>,
        %mul3A_682 = arith.mulf %get3A_383, %gather3A_679 : vector<16xf32>
        %add3A_683 = arith.addf %gather3A_678, %mul3A_682 : vector<16xf32>
        %mul3A_684 = arith.mulf %get3A_387, %gather3A_681 : vector<16xf32>
        %add3A_685 = arith.addf %gather3A_680, %mul3A_684 : vector<16xf32>
        %mul3A_686 = arith.mulf %add3A_683, %add3A_685 : vector<16xf32>
        %add3A_687 = arith.addf %add3A_675, %mul3A_686 : vector<16xf32>
        %broadcast_in_dim3A_688 = arith.constant 25 : i32
        %broadcast_in_dim3A_689 = vector.broadcast %broadcast_in_dim3A_688 : i32 to vector<16xi32>
        %gather3A_690 = tpu.vector_load_idx %arg18[%add3A_380, %broadcast_in_dim3A_689] : memref<512x32xf32, #tpu.memory_space<vmem>>[vector<16xi32>, vector<16xi32>], vector<16xf32>,
        %gather3A_691 = tpu.vector_load_idx %arg20[%add3A_380, %broadcast_in_dim3A_689] : memref<512x32xf32, #tpu.memory_space<vmem>>[vector<16xi32>, vector<16xi32>], vector<16xf32>,
        %gather3A_692 = tpu.vector_load_idx %arg19[%add3A_380, %broadcast_in_dim3A_689] : memref<512x32xf32, #tpu.memory_space<vmem>>[vector<16xi32>, vector<16xi32>], vector<16xf32>,
        %gather3A_693 = tpu.vector_load_idx %arg21[%add3A_380, %broadcast_in_dim3A_689] : memref<512x32xf32, #tpu.memory_space<vmem>>[vector<16xi32>, vector<16xi32>], vector<16xf32>,
        %mul3A_694 = arith.mulf %get3A_383, %gather3A_691 : vector<16xf32>
        %add3A_695 = arith.addf %gather3A_690, %mul3A_694 : vector<16xf32>
        %mul3A_696 = arith.mulf %get3A_387, %gather3A_693 : vector<16xf32>
        %add3A_697 = arith.addf %gather3A_692, %mul3A_696 : vector<16xf32>
        %mul3A_698 = arith.mulf %add3A_695, %add3A_697 : vector<16xf32>
        %add3A_699 = arith.addf %add3A_687, %mul3A_698 : vector<16xf32>
        %broadcast_in_dim3A_700 = arith.constant 26 : i32
        %broadcast_in_dim3A_701 = vector.broadcast %broadcast_in_dim3A_700 : i32 to vector<16xi32>
        %gather3A_702 = tpu.vector_load_idx %arg18[%add3A_380, %broadcast_in_dim3A_701] : memref<512x32xf32, #tpu.memory_space<vmem>>[vector<16xi32>, vector<16xi32>], vector<16xf32>,
        %gather3A_703 = tpu.vector_load_idx %arg20[%add3A_380, %broadcast_in_dim3A_701] : memref<512x32xf32, #tpu.memory_space<vmem>>[vector<16xi32>, vector<16xi32>], vector<16xf32>,
        %gather3A_704 = tpu.vector_load_idx %arg19[%add3A_380, %broadcast_in_dim3A_701] : memref<512x32xf32, #tpu.memory_space<vmem>>[vector<16xi32>, vector<16xi32>], vector<16xf32>,
        %gather3A_705 = tpu.vector_load_idx %arg21[%add3A_380, %broadcast_in_dim3A_701] : memref<512x32xf32, #tpu.memory_space<vmem>>[vector<16xi32>, vector<16xi32>], vector<16xf32>,
        %mul3A_706 = arith.mulf %get3A_383, %gather3A_703 : vector<16xf32>
        %add3A_707 = arith.addf %gather3A_702, %mul3A_706 : vector<16xf32>
        %mul3A_708 = arith.mulf %get3A_387, %gather3A_705 : vector<16xf32>
        %add3A_709 = arith.addf %gather3A_704, %mul3A_708 : vector<16xf32>
        %mul3A_710 = arith.mulf %add3A_707, %add3A_709 : vector<16xf32>
        %add3A_711 = arith.addf %add3A_699, %mul3A_710 : vector<16xf32>
        %broadcast_in_dim3A_712 = arith.constant 27 : i32
        %broadcast_in_dim3A_713 = vector.broadcast %broadcast_in_dim3A_712 : i32 to vector<16xi32>
        %gather3A_714 = tpu.vector_load_idx %arg18[%add3A_380, %broadcast_in_dim3A_713] : memref<512x32xf32, #tpu.memory_space<vmem>>[vector<16xi32>, vector<16xi32>], vector<16xf32>,
        %gather3A_715 = tpu.vector_load_idx %arg20[%add3A_380, %broadcast_in_dim3A_713] : memref<512x32xf32, #tpu.memory_space<vmem>>[vector<16xi32>, vector<16xi32>], vector<16xf32>,
        %gather3A_716 = tpu.vector_load_idx %arg19[%add3A_380, %broadcast_in_dim3A_713] : memref<512x32xf32, #tpu.memory_space<vmem>>[vector<16xi32>, vector<16xi32>], vector<16xf32>,
        %gather3A_717 = tpu.vector_load_idx %arg21[%add3A_380, %broadcast_in_dim3A_713] : memref<512x32xf32, #tpu.memory_space<vmem>>[vector<16xi32>, vector<16xi32>], vector<16xf32>,
        %mul3A_718 = arith.mulf %get3A_383, %gather3A_715 : vector<16xf32>
        %add3A_719 = arith.addf %gather3A_714, %mul3A_718 : vector<16xf32>
        %mul3A_720 = arith.mulf %get3A_387, %gather3A_717 : vector<16xf32>
        %add3A_721 = arith.addf %gather3A_716, %mul3A_720 : vector<16xf32>
        %mul3A_722 = arith.mulf %add3A_719, %add3A_721 : vector<16xf32>
        %add3A_723 = arith.addf %add3A_711, %mul3A_722 : vector<16xf32>
        %broadcast_in_dim3A_724 = arith.constant 28 : i32
        %broadcast_in_dim3A_725 = vector.broadcast %broadcast_in_dim3A_724 : i32 to vector<16xi32>
        %gather3A_726 = tpu.vector_load_idx %arg18[%add3A_380, %broadcast_in_dim3A_725] : memref<512x32xf32, #tpu.memory_space<vmem>>[vector<16xi32>, vector<16xi32>], vector<16xf32>,
        %gather3A_727 = tpu.vector_load_idx %arg20[%add3A_380, %broadcast_in_dim3A_725] : memref<512x32xf32, #tpu.memory_space<vmem>>[vector<16xi32>, vector<16xi32>], vector<16xf32>,
        %gather3A_728 = tpu.vector_load_idx %arg19[%add3A_380, %broadcast_in_dim3A_725] : memref<512x32xf32, #tpu.memory_space<vmem>>[vector<16xi32>, vector<16xi32>], vector<16xf32>,
        %gather3A_729 = tpu.vector_load_idx %arg21[%add3A_380, %broadcast_in_dim3A_725] : memref<512x32xf32, #tpu.memory_space<vmem>>[vector<16xi32>, vector<16xi32>], vector<16xf32>,
        %mul3A_730 = arith.mulf %get3A_383, %gather3A_727 : vector<16xf32>
        %add3A_731 = arith.addf %gather3A_726, %mul3A_730 : vector<16xf32>
        %mul3A_732 = arith.mulf %get3A_387, %gather3A_729 : vector<16xf32>
        %add3A_733 = arith.addf %gather3A_728, %mul3A_732 : vector<16xf32>
        %mul3A_734 = arith.mulf %add3A_731, %add3A_733 : vector<16xf32>
        %add3A_735 = arith.addf %add3A_723, %mul3A_734 : vector<16xf32>
        %broadcast_in_dim3A_736 = arith.constant 29 : i32
        %broadcast_in_dim3A_737 = vector.broadcast %broadcast_in_dim3A_736 : i32 to vector<16xi32>
        %gather3A_738 = tpu.vector_load_idx %arg18[%add3A_380, %broadcast_in_dim3A_737] : memref<512x32xf32, #tpu.memory_space<vmem>>[vector<16xi32>, vector<16xi32>], vector<16xf32>,
        %gather3A_739 = tpu.vector_load_idx %arg20[%add3A_380, %broadcast_in_dim3A_737] : memref<512x32xf32, #tpu.memory_space<vmem>>[vector<16xi32>, vector<16xi32>], vector<16xf32>,
        %gather3A_740 = tpu.vector_load_idx %arg19[%add3A_380, %broadcast_in_dim3A_737] : memref<512x32xf32, #tpu.memory_space<vmem>>[vector<16xi32>, vector<16xi32>], vector<16xf32>,
        %gather3A_741 = tpu.vector_load_idx %arg21[%add3A_380, %broadcast_in_dim3A_737] : memref<512x32xf32, #tpu.memory_space<vmem>>[vector<16xi32>, vector<16xi32>], vector<16xf32>,
        %mul3A_742 = arith.mulf %get3A_383, %gather3A_739 : vector<16xf32>
        %add3A_743 = arith.addf %gather3A_738, %mul3A_742 : vector<16xf32>
        %mul3A_744 = arith.mulf %get3A_387, %gather3A_741 : vector<16xf32>
        %add3A_745 = arith.addf %gather3A_740, %mul3A_744 : vector<16xf32>
        %mul3A_746 = arith.mulf %add3A_743, %add3A_745 : vector<16xf32>
        %add3A_747 = arith.addf %add3A_735, %mul3A_746 : vector<16xf32>
        %broadcast_in_dim3A_748 = arith.constant 30 : i32
        %broadcast_in_dim3A_749 = vector.broadcast %broadcast_in_dim3A_748 : i32 to vector<16xi32>
        %gather3A_750 = tpu.vector_load_idx %arg18[%add3A_380, %broadcast_in_dim3A_749] : memref<512x32xf32, #tpu.memory_space<vmem>>[vector<16xi32>, vector<16xi32>], vector<16xf32>,
        %gather3A_751 = tpu.vector_load_idx %arg20[%add3A_380, %broadcast_in_dim3A_749] : memref<512x32xf32, #tpu.memory_space<vmem>>[vector<16xi32>, vector<16xi32>], vector<16xf32>,
        %gather3A_752 = tpu.vector_load_idx %arg19[%add3A_380, %broadcast_in_dim3A_749] : memref<512x32xf32, #tpu.memory_space<vmem>>[vector<16xi32>, vector<16xi32>], vector<16xf32>,
        %gather3A_753 = tpu.vector_load_idx %arg21[%add3A_380, %broadcast_in_dim3A_749] : memref<512x32xf32, #tpu.memory_space<vmem>>[vector<16xi32>, vector<16xi32>], vector<16xf32>,
        %mul3A_754 = arith.mulf %get3A_383, %gather3A_751 : vector<16xf32>
        %add3A_755 = arith.addf %gather3A_750, %mul3A_754 : vector<16xf32>
        %mul3A_756 = arith.mulf %get3A_387, %gather3A_753 : vector<16xf32>
        %add3A_757 = arith.addf %gather3A_752, %mul3A_756 : vector<16xf32>
        %mul3A_758 = arith.mulf %add3A_755, %add3A_757 : vector<16xf32>
        %add3A_759 = arith.addf %add3A_747, %mul3A_758 : vector<16xf32>
        %broadcast_in_dim3A_760 = arith.constant 31 : i32
        %broadcast_in_dim3A_761 = vector.broadcast %broadcast_in_dim3A_760 : i32 to vector<16xi32>
        %gather3A_762 = tpu.vector_load_idx %arg18[%add3A_380, %broadcast_in_dim3A_761] : memref<512x32xf32, #tpu.memory_space<vmem>>[vector<16xi32>, vector<16xi32>], vector<16xf32>,
        %gather3A_763 = tpu.vector_load_idx %arg20[%add3A_380, %broadcast_in_dim3A_761] : memref<512x32xf32, #tpu.memory_space<vmem>>[vector<16xi32>, vector<16xi32>], vector<16xf32>,
        %gather3A_764 = tpu.vector_load_idx %arg19[%add3A_380, %broadcast_in_dim3A_761] : memref<512x32xf32, #tpu.memory_space<vmem>>[vector<16xi32>, vector<16xi32>], vector<16xf32>,
        %gather3A_765 = tpu.vector_load_idx %arg21[%add3A_380, %broadcast_in_dim3A_761] : memref<512x32xf32, #tpu.memory_space<vmem>>[vector<16xi32>, vector<16xi32>], vector<16xf32>,
        %mul3A_766 = arith.mulf %get3A_383, %gather3A_763 : vector<16xf32>
        %add3A_767 = arith.addf %gather3A_762, %mul3A_766 : vector<16xf32>
        %mul3A_768 = arith.mulf %get3A_387, %gather3A_765 : vector<16xf32>
        %add3A_769 = arith.addf %gather3A_764, %mul3A_768 : vector<16xf32>
        %mul3A_770 = arith.mulf %add3A_767, %add3A_769 : vector<16xf32>
        %add3A_771 = arith.addf %add3A_759, %mul3A_770 : vector<16xf32>
        %mul3A_772 = arith.constant 16 : i32
        %mul3A_773 = arith.muli %scan3A_376, %mul3A_772 : i32
        %swap3A = arith.index_cast %mul3A_773 : i32 to index
        %swap3A_774 = tpu.vector_load %arg22[%swap3A] {strides = array<i32>} : memref<512xf32, #tpu.memory_space<vmem>>, vector<16xf32>,
        tpu.vector_store %arg22[%swap3A], %add3A_771 {strides = array<i32>} : memref<512xf32, #tpu.memory_space<vmem>>, vector<16xf32>,
      }
      %scan3A_375 = arith.constant 32 : i32
      "tpu.region"() ({
        %run_scoped3A = tpu.sem_alloc : memref<!tpu.dma_semaphore, #tpu.memory_space<semaphore_mem>>
        %dma_start3A_376 = tpu.memref_slice %arg9[%add3A_13] : memref<65536xf32, #tpu.memory_space<hbm>> -> memref<512xf32, #tpu.memory_space<hbm>>
        %dma_start3A_377 = tpu.memref_slice %arg9[%add3A_13] : memref<65536xf32, #tpu.memory_space<hbm>> -> memref<512xf32, #tpu.memory_space<hbm>>
        tpu.enqueue_dma source(%arg22 : memref<512xf32, #tpu.memory_space<vmem>>) target(%dma_start3A_377 : memref<512xf32, #tpu.memory_space<hbm>>) target_semaphore(%run_scoped3A : memref<!tpu.dma_semaphore, #tpu.memory_space<semaphore_mem>>)
        %dma_wait3A_378 = tpu.memref_slice %arg9[%add3A_13] : memref<65536xf32, #tpu.memory_space<hbm>> -> memref<512xf32, #tpu.memory_space<hbm>>
        %dma_wait3A_379 = tpu.memref_slice %arg9[%add3A_13] : memref<65536xf32, #tpu.memory_space<hbm>> -> memref<512xf32, #tpu.memory_space<hbm>>
        tpu.wait_dma2 semaphore(%run_scoped3A : memref<!tpu.dma_semaphore, #tpu.memory_space<semaphore_mem>>) src(%arg22 : memref<512xf32, #tpu.memory_space<vmem>>) dst(%dma_wait3A_379 : memref<512xf32, #tpu.memory_space<hbm>>)
        tpu.yield
      }) : () -> ()
    }
    %scan3A_7 = arith.constant 4 : i32
    return
  }
}

#map = affine_map<(d0, d1) -> (0)>
module attributes {stable_mosaic.version = 14 : i64} {
  func.func @_build_maps(%arg0: i32, %arg1: i32, %arg2: memref<16384xi32, #tpu.memory_space<hbm>>, %arg3: memref<16384xi32, #tpu.memory_space<hbm>>, %arg4: memref<1048576xi32, #tpu.memory_space<hbm>>, %arg5: memref<1048576xi32, #tpu.memory_space<hbm>>, %arg6: memref<32768xi32, #tpu.memory_space<vmem>>, %arg7: memref<32768xi32, #tpu.memory_space<vmem>>, %arg8: memref<16384xi32, #tpu.memory_space<vmem>>, %arg9: memref<16384xi32, #tpu.memory_space<vmem>>, %arg10: memref<16xi32, #tpu.memory_space<vmem>>) attributes {dimension_semantics = [#tpu.dimension_semantics<core_parallel>, #tpu.dimension_semantics<subcore_parallel>], iteration_bounds = array<i64: 2, 16>, scalar_prefetch = 0 : i64, scratch_operands = 5 : i64, tpu.core_type = #tpu.core_type<sc_vector_subcore>, window_params = [{transform_indices = #map}, {transform_indices = #map}, {transform_indices = #map}, {transform_indices = #map}]} {
    %mul3A = arith.constant 2 : i32
    %mul3A_0 = arith.muli %arg1, %mul3A : i32
    %add3A = arith.addi %mul3A_0, %arg0 : i32
    %mul3A_1 = arith.constant 32768 : i32
    %mul3A_2 = arith.muli %add3A, %mul3A_1 : i32
    %broadcast_in_dim3A = arith.constant -1 : i32
    %broadcast_in_dim3A_3 = vector.broadcast %broadcast_in_dim3A : i32 to vector<16xi32>
    %scan3A = arith.constant 0 : i32
    %scan3A_4 = arith.constant 0 : i32
    %scan3A_5 = arith.constant 2048 : i32
    %scan3A_6 = arith.addi %scan3A_4, %scan3A_5 : i32
    %scan3A_7 = arith.constant 4 : i32
    scf.for %scan3A_22 = %scan3A_4 to %scan3A_6 step %scan3A_7  : i32 {
      %mul3A_23 = arith.constant 16 : i32
      %mul3A_24 = arith.muli %scan3A_22, %mul3A_23 : i32
      %swap3A = arith.index_cast %mul3A_24 : i32 to index
      %swap3A_25 = tpu.vector_load %arg6[%swap3A] {strides = array<i32>} : memref<32768xi32, #tpu.memory_space<vmem>>, vector<16xi32>,
      tpu.vector_store %arg6[%swap3A], %broadcast_in_dim3A_3 {strides = array<i32>} : memref<32768xi32, #tpu.memory_space<vmem>>, vector<16xi32>,
      %mul3A_26 = arith.constant 16 : i32
      %mul3A_27 = arith.muli %scan3A_22, %mul3A_26 : i32
      %swap3A_28 = arith.index_cast %mul3A_27 : i32 to index
      %swap3A_29 = tpu.vector_load %arg7[%swap3A_28] {strides = array<i32>} : memref<32768xi32, #tpu.memory_space<vmem>>, vector<16xi32>,
      tpu.vector_store %arg7[%swap3A_28], %broadcast_in_dim3A_3 {strides = array<i32>} : memref<32768xi32, #tpu.memory_space<vmem>>, vector<16xi32>,
      %scan3A_30 = arith.constant 1 : i32
      %scan3A_31 = arith.addi %scan3A_22, %scan3A_30 : i32
      %mul3A_32 = arith.constant 16 : i32
      %mul3A_33 = arith.muli %scan3A_31, %mul3A_32 : i32
      %swap3A_34 = arith.index_cast %mul3A_33 : i32 to index
      %swap3A_35 = tpu.vector_load %arg6[%swap3A_34] {strides = array<i32>} : memref<32768xi32, #tpu.memory_space<vmem>>, vector<16xi32>,
      tpu.vector_store %arg6[%swap3A_34], %broadcast_in_dim3A_3 {strides = array<i32>} : memref<32768xi32, #tpu.memory_space<vmem>>, vector<16xi32>,
      %mul3A_36 = arith.constant 16 : i32
      %mul3A_37 = arith.muli %scan3A_31, %mul3A_36 : i32
      %swap3A_38 = arith.index_cast %mul3A_37 : i32 to index
      %swap3A_39 = tpu.vector_load %arg7[%swap3A_38] {strides = array<i32>} : memref<32768xi32, #tpu.memory_space<vmem>>, vector<16xi32>,
      tpu.vector_store %arg7[%swap3A_38], %broadcast_in_dim3A_3 {strides = array<i32>} : memref<32768xi32, #tpu.memory_space<vmem>>, vector<16xi32>,
      %scan3A_40 = arith.constant 2 : i32
      %scan3A_41 = arith.addi %scan3A_22, %scan3A_40 : i32
      %mul3A_42 = arith.constant 16 : i32
      %mul3A_43 = arith.muli %scan3A_41, %mul3A_42 : i32
      %swap3A_44 = arith.index_cast %mul3A_43 : i32 to index
      %swap3A_45 = tpu.vector_load %arg6[%swap3A_44] {strides = array<i32>} : memref<32768xi32, #tpu.memory_space<vmem>>, vector<16xi32>,
      tpu.vector_store %arg6[%swap3A_44], %broadcast_in_dim3A_3 {strides = array<i32>} : memref<32768xi32, #tpu.memory_space<vmem>>, vector<16xi32>,
      %mul3A_46 = arith.constant 16 : i32
      %mul3A_47 = arith.muli %scan3A_41, %mul3A_46 : i32
      %swap3A_48 = arith.index_cast %mul3A_47 : i32 to index
      %swap3A_49 = tpu.vector_load %arg7[%swap3A_48] {strides = array<i32>} : memref<32768xi32, #tpu.memory_space<vmem>>, vector<16xi32>,
      tpu.vector_store %arg7[%swap3A_48], %broadcast_in_dim3A_3 {strides = array<i32>} : memref<32768xi32, #tpu.memory_space<vmem>>, vector<16xi32>,
      %scan3A_50 = arith.constant 3 : i32
      %scan3A_51 = arith.addi %scan3A_22, %scan3A_50 : i32
      %mul3A_52 = arith.constant 16 : i32
      %mul3A_53 = arith.muli %scan3A_51, %mul3A_52 : i32
      %swap3A_54 = arith.index_cast %mul3A_53 : i32 to index
      %swap3A_55 = tpu.vector_load %arg6[%swap3A_54] {strides = array<i32>} : memref<32768xi32, #tpu.memory_space<vmem>>, vector<16xi32>,
      tpu.vector_store %arg6[%swap3A_54], %broadcast_in_dim3A_3 {strides = array<i32>} : memref<32768xi32, #tpu.memory_space<vmem>>, vector<16xi32>,
      %mul3A_56 = arith.constant 16 : i32
      %mul3A_57 = arith.muli %scan3A_51, %mul3A_56 : i32
      %swap3A_58 = arith.index_cast %mul3A_57 : i32 to index
      %swap3A_59 = tpu.vector_load %arg7[%swap3A_58] {strides = array<i32>} : memref<32768xi32, #tpu.memory_space<vmem>>, vector<16xi32>,
      tpu.vector_store %arg7[%swap3A_58], %broadcast_in_dim3A_3 {strides = array<i32>} : memref<32768xi32, #tpu.memory_space<vmem>>, vector<16xi32>,
    }
    %scan3A_8 = arith.constant 2048 : i32
    "tpu.region"() ({
      %run_scoped3A = tpu.sem_alloc : memref<!tpu.dma_semaphore, #tpu.memory_space<semaphore_mem>>
      tpu.enqueue_dma source(%arg2 : memref<16384xi32, #tpu.memory_space<hbm>>) target(%arg8 : memref<16384xi32, #tpu.memory_space<vmem>>) target_semaphore(%run_scoped3A : memref<!tpu.dma_semaphore, #tpu.memory_space<semaphore_mem>>)
      tpu.wait_dma2 semaphore(%run_scoped3A : memref<!tpu.dma_semaphore, #tpu.memory_space<semaphore_mem>>) src(%arg2 : memref<16384xi32, #tpu.memory_space<hbm>>) dst(%arg8 : memref<16384xi32, #tpu.memory_space<vmem>>)
      tpu.yield
    }) : () -> ()
    "tpu.region"() ({
      %run_scoped3A = tpu.sem_alloc : memref<!tpu.dma_semaphore, #tpu.memory_space<semaphore_mem>>
      tpu.enqueue_dma source(%arg3 : memref<16384xi32, #tpu.memory_space<hbm>>) target(%arg9 : memref<16384xi32, #tpu.memory_space<vmem>>) target_semaphore(%run_scoped3A : memref<!tpu.dma_semaphore, #tpu.memory_space<semaphore_mem>>)
      tpu.wait_dma2 semaphore(%run_scoped3A : memref<!tpu.dma_semaphore, #tpu.memory_space<semaphore_mem>>) src(%arg3 : memref<16384xi32, #tpu.memory_space<hbm>>) dst(%arg9 : memref<16384xi32, #tpu.memory_space<vmem>>)
      tpu.yield
    }) : () -> ()
    %iota3A = tpu.iota {dimensions = array<i32: 0>} : vector<16xi32>
    %add3A_9 = arith.constant 1 : i32
    %add3A_10 = vector.broadcast %add3A_9 : i32 to vector<16xi32>
    %add3A_11 = arith.addi %iota3A, %add3A_10 : vector<16xi32>
    %min3A = arith.constant 15 : i32
    %min3A_12 = vector.broadcast %min3A : i32 to vector<16xi32>
    %min3A_13 = arith.minsi %add3A_11, %min3A_12 : vector<16xi32>
    %eq3A = arith.constant 15 : i32
    %eq3A_14 = vector.broadcast %eq3A : i32 to vector<16xi32>
    %eq3A_15 = arith.cmpi eq, %iota3A, %eq3A_14 : vector<16xi32>
    %scan3A_16 = arith.constant 0 : i32
    %scan3A_17 = arith.constant 0 : i32
    %scan3A_18 = arith.constant 1024 : i32
    %scan3A_19 = arith.addi %scan3A_17, %scan3A_18 : i32
    %scan3A_20 = arith.constant 1 : i32
    scf.for %scan3A_22 = %scan3A_17 to %scan3A_19 step %scan3A_20  : i32 {
      %mul3A_23 = arith.constant 16 : i32
      %mul3A_24 = arith.muli %scan3A_22, %mul3A_23 : i32
      %get3A = arith.index_cast %mul3A_24 : i32 to index
      %get3A_25 = tpu.vector_load %arg8[%get3A] {strides = array<i32>} : memref<16384xi32, #tpu.memory_space<vmem>>, vector<16xi32>,
      %shift_left3A = arith.constant 4 : i32
      %shift_left3A_26 = vector.broadcast %shift_left3A : i32 to vector<16xi32>
      %shift_left3A_27 = arith.shli %get3A_25, %shift_left3A_26 : vector<16xi32>
      %or3A = arith.ori %shift_left3A_27, %iota3A : vector<16xi32>
      %mul3A_28 = arith.constant 16 : i32
      %mul3A_29 = arith.muli %scan3A_22, %mul3A_28 : i32
      %add3A_30 = vector.broadcast %mul3A_29 : i32 to vector<16xi32>
      %add3A_31 = arith.addi %add3A_30, %iota3A : vector<16xi32>
      %masked_sort3A = arith.constant dense<true> : vector<16xi1>
      %masked_sort3A_32 = arith.constant -2147483648 : i32
      %masked_sort3A_33 = vector.broadcast %masked_sort3A_32 : i32 to vector<16xi32>
      %masked_sort3A_34 = arith.xori %or3A, %masked_sort3A_33 : vector<16xi32>
      %masked_sort3A_35, %masked_sort3A_36, %masked_sort3A_37 = tpu.sort %masked_sort3A_34, %add3A_31 masked %masked_sort3A : (vector<16xi32>, vector<16xi32>, vector<16xi1>) -> (vector<16xi1>, vector<16xi32>, vector<16xi32>)
      %masked_sort3A_38 = arith.xori %masked_sort3A_36, %masked_sort3A_33 : vector<16xi32>
      %shift_right_arithmetic3A = arith.constant 4 : i32
      %shift_right_arithmetic3A_39 = vector.broadcast %shift_right_arithmetic3A : i32 to vector<16xi32>
      %shift_right_arithmetic3A_40 = arith.shrsi %masked_sort3A_38, %shift_right_arithmetic3A_39 : vector<16xi32>
      %swap3A = arith.constant 0 : index
      %swap3A_41 = tpu.vector_load %arg10[%swap3A] {strides = array<i32>} : memref<16xi32, #tpu.memory_space<vmem>>, vector<16xi32>,
      tpu.vector_store %arg10[%swap3A], %shift_right_arithmetic3A_40 {strides = array<i32>} : memref<16xi32, #tpu.memory_space<vmem>>, vector<16xi32>,
      %gather3A = tpu.vector_load_idx %arg10[%min3A_13] : memref<16xi32, #tpu.memory_space<vmem>>[vector<16xi32>], vector<16xi32>,
      %ne3A = arith.cmpi ne, %shift_right_arithmetic3A_40, %gather3A : vector<16xi32>
      %or3A_42 = arith.ori %ne3A, %eq3A_15 : vector<16xi1>
      %sub3A = vector.broadcast %mul3A_2 : i32 to vector<16xi32>
      %sub3A_43 = arith.subi %shift_right_arithmetic3A_40, %sub3A : vector<16xi32>
      %bitcast3A = vector.bitcast %sub3A_43 : vector<16xi32> to vector<16xi32>
      %lt3A = arith.constant 32768 : i32
      %lt3A_44 = vector.broadcast %lt3A : i32 to vector<16xi32>
      %lt3A_45 = arith.cmpi ult, %bitcast3A, %lt3A_44 : vector<16xi32>
      %and3A = arith.constant 32767 : i32
      %and3A_46 = vector.broadcast %and3A : i32 to vector<16xi32>
      %and3A_47 = arith.andi %sub3A_43, %and3A_46 : vector<16xi32>
      %and3A_48 = arith.andi %or3A_42, %lt3A_45 : vector<16xi1>
      tpu.vector_store_idx %arg6[%and3A_47], %masked_sort3A_37 masked %and3A_48 : memref<32768xi32, #tpu.memory_space<vmem>>[vector<16xi32>], vector<16xi32>, vector<16xi1>
      %mul3A_49 = arith.constant 16 : i32
      %mul3A_50 = arith.muli %scan3A_22, %mul3A_49 : i32
      %get3A_51 = arith.index_cast %mul3A_50 : i32 to index
      %get3A_52 = tpu.vector_load %arg9[%get3A_51] {strides = array<i32>} : memref<16384xi32, #tpu.memory_space<vmem>>, vector<16xi32>,
      %shift_left3A_53 = arith.constant 4 : i32
      %shift_left3A_54 = vector.broadcast %shift_left3A_53 : i32 to vector<16xi32>
      %shift_left3A_55 = arith.shli %get3A_52, %shift_left3A_54 : vector<16xi32>
      %or3A_56 = arith.ori %shift_left3A_55, %iota3A : vector<16xi32>
      %mul3A_57 = arith.constant 16 : i32
      %mul3A_58 = arith.muli %scan3A_22, %mul3A_57 : i32
      %add3A_59 = vector.broadcast %mul3A_58 : i32 to vector<16xi32>
      %add3A_60 = arith.addi %add3A_59, %iota3A : vector<16xi32>
      %masked_sort3A_61 = arith.constant dense<true> : vector<16xi1>
      %masked_sort3A_62 = arith.constant -2147483648 : i32
      %masked_sort3A_63 = vector.broadcast %masked_sort3A_62 : i32 to vector<16xi32>
      %masked_sort3A_64 = arith.xori %or3A_56, %masked_sort3A_63 : vector<16xi32>
      %masked_sort3A_65, %masked_sort3A_66, %masked_sort3A_67 = tpu.sort %masked_sort3A_64, %add3A_60 masked %masked_sort3A_61 : (vector<16xi32>, vector<16xi32>, vector<16xi1>) -> (vector<16xi1>, vector<16xi32>, vector<16xi32>)
      %masked_sort3A_68 = arith.xori %masked_sort3A_66, %masked_sort3A_63 : vector<16xi32>
      %shift_right_arithmetic3A_69 = arith.constant 4 : i32
      %shift_right_arithmetic3A_70 = vector.broadcast %shift_right_arithmetic3A_69 : i32 to vector<16xi32>
      %shift_right_arithmetic3A_71 = arith.shrsi %masked_sort3A_68, %shift_right_arithmetic3A_70 : vector<16xi32>
      %swap3A_72 = arith.constant 0 : index
      %swap3A_73 = tpu.vector_load %arg10[%swap3A_72] {strides = array<i32>} : memref<16xi32, #tpu.memory_space<vmem>>, vector<16xi32>,
      tpu.vector_store %arg10[%swap3A_72], %shift_right_arithmetic3A_71 {strides = array<i32>} : memref<16xi32, #tpu.memory_space<vmem>>, vector<16xi32>,
      %gather3A_74 = tpu.vector_load_idx %arg10[%min3A_13] : memref<16xi32, #tpu.memory_space<vmem>>[vector<16xi32>], vector<16xi32>,
      %ne3A_75 = arith.cmpi ne, %shift_right_arithmetic3A_71, %gather3A_74 : vector<16xi32>
      %or3A_76 = arith.ori %ne3A_75, %eq3A_15 : vector<16xi1>
      %sub3A_77 = vector.broadcast %mul3A_2 : i32 to vector<16xi32>
      %sub3A_78 = arith.subi %shift_right_arithmetic3A_71, %sub3A_77 : vector<16xi32>
      %bitcast3A_79 = vector.bitcast %sub3A_78 : vector<16xi32> to vector<16xi32>
      %lt3A_80 = arith.constant 32768 : i32
      %lt3A_81 = vector.broadcast %lt3A_80 : i32 to vector<16xi32>
      %lt3A_82 = arith.cmpi ult, %bitcast3A_79, %lt3A_81 : vector<16xi32>
      %and3A_83 = arith.constant 32767 : i32
      %and3A_84 = vector.broadcast %and3A_83 : i32 to vector<16xi32>
      %and3A_85 = arith.andi %sub3A_78, %and3A_84 : vector<16xi32>
      %and3A_86 = arith.andi %or3A_76, %lt3A_82 : vector<16xi1>
      tpu.vector_store_idx %arg7[%and3A_85], %masked_sort3A_67 masked %and3A_86 : memref<32768xi32, #tpu.memory_space<vmem>>[vector<16xi32>], vector<16xi32>, vector<16xi1>
    }
    %scan3A_21 = arith.constant 1024 : i32
    "tpu.region"() ({
      %run_scoped3A = tpu.sem_alloc : memref<!tpu.dma_semaphore, #tpu.memory_space<semaphore_mem>>
      %dma_start3A = tpu.memref_slice %arg4[%mul3A_2] : memref<1048576xi32, #tpu.memory_space<hbm>> -> memref<32768xi32, #tpu.memory_space<hbm>>
      %dma_start3A_22 = tpu.memref_slice %arg4[%mul3A_2] : memref<1048576xi32, #tpu.memory_space<hbm>> -> memref<32768xi32, #tpu.memory_space<hbm>>
      tpu.enqueue_dma source(%arg6 : memref<32768xi32, #tpu.memory_space<vmem>>) target(%dma_start3A_22 : memref<32768xi32, #tpu.memory_space<hbm>>) target_semaphore(%run_scoped3A : memref<!tpu.dma_semaphore, #tpu.memory_space<semaphore_mem>>)
      %dma_wait3A = tpu.memref_slice %arg4[%mul3A_2] : memref<1048576xi32, #tpu.memory_space<hbm>> -> memref<32768xi32, #tpu.memory_space<hbm>>
      %dma_wait3A_23 = tpu.memref_slice %arg4[%mul3A_2] : memref<1048576xi32, #tpu.memory_space<hbm>> -> memref<32768xi32, #tpu.memory_space<hbm>>
      tpu.wait_dma2 semaphore(%run_scoped3A : memref<!tpu.dma_semaphore, #tpu.memory_space<semaphore_mem>>) src(%arg6 : memref<32768xi32, #tpu.memory_space<vmem>>) dst(%dma_wait3A_23 : memref<32768xi32, #tpu.memory_space<hbm>>)
      tpu.yield
    }) : () -> ()
    "tpu.region"() ({
      %run_scoped3A = tpu.sem_alloc : memref<!tpu.dma_semaphore, #tpu.memory_space<semaphore_mem>>
      %dma_start3A = tpu.memref_slice %arg5[%mul3A_2] : memref<1048576xi32, #tpu.memory_space<hbm>> -> memref<32768xi32, #tpu.memory_space<hbm>>
      %dma_start3A_22 = tpu.memref_slice %arg5[%mul3A_2] : memref<1048576xi32, #tpu.memory_space<hbm>> -> memref<32768xi32, #tpu.memory_space<hbm>>
      tpu.enqueue_dma source(%arg7 : memref<32768xi32, #tpu.memory_space<vmem>>) target(%dma_start3A_22 : memref<32768xi32, #tpu.memory_space<hbm>>) target_semaphore(%run_scoped3A : memref<!tpu.dma_semaphore, #tpu.memory_space<semaphore_mem>>)
      %dma_wait3A = tpu.memref_slice %arg5[%mul3A_2] : memref<1048576xi32, #tpu.memory_space<hbm>> -> memref<32768xi32, #tpu.memory_space<hbm>>
      %dma_wait3A_23 = tpu.memref_slice %arg5[%mul3A_2] : memref<1048576xi32, #tpu.memory_space<hbm>> -> memref<32768xi32, #tpu.memory_space<hbm>>
      tpu.wait_dma2 semaphore(%run_scoped3A : memref<!tpu.dma_semaphore, #tpu.memory_space<semaphore_mem>>) src(%arg7 : memref<32768xi32, #tpu.memory_space<vmem>>) dst(%dma_wait3A_23 : memref<32768xi32, #tpu.memory_space<hbm>>)
      tpu.yield
    }) : () -> ()
    return
  }
}

</mosaic_0001>

<sc_bundles>
// kernel: kernel.4.cloned.1.call-start
scs
__scs_entry_jumppad:
0x0: {  	(pc) =	sbr.rel $0x88, $3  }
0x1: {  	(tag) =	ssettag $0x0;
	lr =	simm.s32 $0x1  }
0x2: {  	[smem:$0x3F9A] =	sst lr;
	_ =	strace $0xD0000000  }
0x3: {  	_ = 	snop  }
0x4: {  	_ = 	snop  }
0x5: {  	_ = 	snop  }
0x6: {  	_ = 	snop  }
0x7: {  	_ = 	snop  }
__scs_overlays_trampoline_lowered:
0x8: {  	[smem:$0x3FA9] =	sst s0  }
0x9: {  	[smem:$0x3FAA] =	sst s1  }
0xa: {  	[smem:$0x3FAB] =	sst s2  }
0xb: {  	[smem:$0x3FAC] =	sst s3  }
0xc: {  	[smem:$0x3FAD] =	sst s4  }
0xd: {  	[smem:$0x3FAE] =	sst s5  }
0xe: {  	[smem:$0x3FAF] =	sst s6  }
0xf: {  	[smem:$0x3FB0] =	sst s7  }
0x10: {  	[smem:$0x3FB1] =	sst s8  }
0x11: {  	[smem:$0x3FB2] =	sst s9;
	s0 =	simm.s32 @!p0 $0x0  }
0x12: {  	s1 =	sld [smem:$0x3F98];
	s0 =	simm.s32 @p0 $0x1  }
0x13: {  	[smem:$0x3FB3] =	sst s0;
	s0 =	simm.s32 @!p1 $0x0  }
0x14: {  	s2 =	sld [smem:$0x3F97];
	s0 =	simm.s32 @p1 $0x1  }
0x15: {  	[smem:$0x3FB4] =	sst s0;
	s0 =	simm.s32 @!p2 $0x0  }
0x16: {  	s3 =	sld [smem:$0x3FDB];
	s0 =	simm.s32 @p2 $0x1  }
0x17: {  	s4 =	simm.s32 $0x1BF5;
	[smem:$0x3FB6] =	sst s0  }
0x18: {  	s0 =	sld [smem:$0x3F99];
	_ =	swait.ge [sflag:s4], $0x0  }
0x19: {  	s7 =	sld [smem:$0x3F9A]  }
0x1a: {  	s8 =	sadd.s32 $0xFFFFE003, lr  }
0x1b: {  	s9 =	sadd.s32 $0xFFFFFEF7, lr;
	s5 =	simm.s32 $0xFFFFFFFF;
	p2 =	slt.u32 s8, $0xFFFFF086  }
0x1c: {  	p1 =	slt.u32 s9, $0xF7A;
	s5 =	simm.s32 @!p2 $0x0  }
0x1d: {  	s5 =	simm.s32 @p1 $0x1;
	p0 =	seq.s32 s7, s2  }
0x1e: {  	s7 =	smul.u32 @!p0 $0xF7A, s2;
	p2 =	seq.s32 @!p0 s5, $0x0  }
0x1f: {  	s9 =	smul.u32 $0xF7A, s1;
	s8 =	simm.s32 @!p0 $0x1BF5;
	p2 =	por !p2, p0  }
0x20: {  	[sflag:s8] =	ssyncset.s32 @!p0 $0xFFFFF086;
	s6 =	sadd.s32 @!p0 s3, s7;
	s7 =	simm.s32 @!p0 $0x108  }
0x21: {  	s3 =	sadd.s32 s3, s9;
	s6 =	sadd.s32 @!p0 $0x88, s6;
	s7 =	simm.s32 @p2 $0x1082  }
0x22: {  	[simem:s7], [sflag:s8] =	dma.local @!p0 [hbm:s6], $0xF7A  }
0x23: {  	s9 =	sor.u32 $0xD0000000, s2;
	s6 =	simm.s32 $0x108;
	_ =	swait.ge @!p0 [sflag:s8], $0x0  }
0x24: {  	s3 =	sadd.s32 $0x88, s3;
	s6 =	simm.s32 @!p1 $0x1082;
	[sflag:s4] =	ssyncset.s32 $0xFFFFF086  }
0x25: {  	[simem:s6], [sflag:s4] =	dma.local [hbm:s3], $0xF7A  }
0x26: {  	[smem:$0x3F9A] =	sst s1;
	(tag) =	ssettag s2;
	_ =	strace s9  }
0x27: {  	s1 =	sld [smem:$0x3FAA]  }
0x28: {  	s2 =	sld [smem:$0x3FAB]  }
0x29: {  	s4 =	sld [smem:$0x3FAD]  }
0x2a: {  	p0 =	seq.s32 s5, $0x0;
	s5 =	sld [smem:$0x3FAE]  }
0x2b: {  	s6 =	sld [smem:$0x3FAF]  }
0x2c: {  	s7 =	sld [smem:$0x3FB0]  }
0x2d: {  	s3 =	simm.s32 $0x108;
	s8 =	sld [smem:$0x3FB1]  }
0x2e: {  	s3 =	simm.s32 @!p0 $0x1082;
	s9 =	sld [smem:$0x3FB2]  }
0x2f: {  	lr =	sadd.s32 s0, s3;
	s0 =	sld [smem:$0x3FA9]  }
0x30: {  	s3 =	sld [smem:$0x3FAC]  }
0x31: {  	[smem:$0x3FB5] =	sst s10  }
0x32: {  	s10 =	sld [smem:$0x3FB3];
	_ =	sdelay $0x3  }
0x33: {  	p0 =	seq.s32 s10, $0x1;
	s10 =	sld [smem:$0x3FB5];
	_ =	sdelay $0x3  }
0x34: {  	[smem:$0x3FB5] =	sst s10  }
0x35: {  	s10 =	sld [smem:$0x3FB4];
	_ =	sdelay $0x3  }
0x36: {  	p1 =	seq.s32 s10, $0x1;
	s10 =	sld [smem:$0x3FB5];
	_ =	sdelay $0x3  }
0x37: {  	[smem:$0x3FB5] =	sst s10  }
0x38: {  	s10 =	sld [smem:$0x3FB6]  }
0x39: {  	_ = 	snop;
	(pc) =	sbr.ind lr, $3  }
0x3a: {  	_ = 	snop  }
0x3b: {  	_ = 	snop  }
0x3c: {  	p2 =	seq.s32 s10, $0x1;
	s10 =	sld [smem:$0x3FB5]  }
0x3d: {  	_ =	shalt  }
0x3e: {  	_ =	shalt  }
0x3f: {  	_ =	shalt  }
0x40: {  	_ =	shalt  }
0x41: {  	_ =	shalt  }
0x42: {  	_ =	shalt  }
0x43: {  	_ =	shalt  }
0x44: {  	_ =	shalt  }
0x45: {  	_ =	shalt  }
0x46: {  	_ =	shalt  }
0x47: {  	_ =	shalt  }
0x48: {  	_ =	shalt  }
0x49: {  	_ =	shalt  }
0x4a: {  	_ =	shalt  }
0x4b: {  	_ =	shalt  }
0x4c: {  	_ =	shalt  }
0x4d: {  	_ =	shalt  }
0x4e: {  	_ =	shalt  }
0x4f: {  	_ =	shalt  }
0x50: {  	_ =	shalt  }
0x51: {  	_ =	shalt  }
0x52: {  	_ =	shalt  }
0x53: {  	_ =	shalt  }
0x54: {  	_ =	shalt  }
0x55: {  	_ =	shalt  }
0x56: {  	_ =	shalt  }
0x57: {  	_ =	shalt  }
0x58: {  	_ =	shalt  }
0x59: {  	_ =	shalt  }
0x5a: {  	_ =	shalt  }
0x5b: {  	_ =	shalt  }
0x5c: {  	_ =	shalt  }
0x5d: {  	_ =	shalt  }
0x5e: {  	_ =	shalt  }
0x5f: {  	_ =	shalt  }
0x60: {  	_ =	shalt  }
0x61: {  	_ =	shalt  }
0x62: {  	_ =	shalt  }
0x63: {  	_ =	shalt  }
0x64: {  	_ =	shalt  }
0x65: {  	_ =	shalt  }
0x66: {  	_ =	shalt  }
0x67: {  	_ =	shalt  }
0x68: {  	_ =	shalt  }
0x69: {  	_ =	shalt  }
0x6a: {  	_ =	shalt  }
0x6b: {  	_ =	shalt  }
0x6c: {  	_ =	shalt  }
0x6d: {  	_ =	shalt  }
0x6e: {  	_ =	shalt  }
0x6f: {  	_ =	shalt  }
0x70: {  	_ =	shalt  }
0x71: {  	_ =	shalt  }
0x72: {  	_ =	shalt  }
0x73: {  	_ =	shalt  }
0x74: {  	_ =	shalt  }
0x75: {  	_ =	shalt  }
0x76: {  	_ =	shalt  }
0x77: {  	_ =	shalt  }
0x78: {  	_ =	shalt  }
0x79: {  	_ =	shalt  }
0x7a: {  	_ =	shalt  }
0x7b: {  	_ =	shalt  }
0x7c: {  	_ =	shalt  }
0x7d: {  	_ =	shalt  }
0x7e: {  	_ =	shalt  }
0x7f: {  	_ =	shalt  }
0x80: {  	_ =	shalt  }
0x81: {  	_ =	shalt  }
0x82: {  	_ =	shalt  }
0x83: {  	_ =	shalt  }
0x84: {  	_ =	shalt  }
0x85: {  	_ =	shalt  }
0x86: {  	_ =	shalt  }
0x87: {  	_ =	shalt  }
.Lfunc_end0:
.L_simem_size_0:
called_computation_lowered:
.L_overlay_start_0:
0x88: {  	s2 =	sld [smem:$0x3FD9]  }
0x89: {  	s3 =	sld [smem:$0x3FFE];
	_ =	sdelay $0x1  }
0x8a: {  	s1 =	srdreg.scid  }
0x8b: {  	s0 =	sand.u32 $0x1, s1  }
0x8c: {  	s17 =	sshll.u32 s0, $0xA;
	s2 =	sadd.s32 s3, s2  }
0x8d: {  	s2 =	sadd.s32 s2, s17  }
0x8e: {  	[smem:$0x3FC1] =	sst s2  }
0x8f: {  	_ = 	snop  }
0x90: {  	s2 =	sld [smem:$0x3FC6]  }
0x91: {  	s18 =	sld [smem:$0x3FC5];
	(tm) =	ssettm $0x1  }
0x92: {  	s4 =	sld [smem:$0x3FFB];
	_ =	sdelay $0x3  }
0x93: {  	_ =	strace s4  }
0x94: {  	s4 =	sld [smem:$0x3FFC];
	_ =	sdelay $0x3  }
0x95: {  	_ =	strace s4  }
0x96: {  	s4 =	sld [smem:$0x3FFD];
	_ =	sdelay $0x3  }
0x97: {  	_ =	strace s4  }
0x98: {  	_ =	strace $0x8FFFFFFF  }
0x99: {  	s19 =	sld [smem:$0x3FDB];
	_ =	sdelay $0x1  }
0x9a: {  	s5 =	simm.s32 $_scs_section_size  }
0x9b: {  	s6 =	simm.s32 $_size__tile_overlayer_lowered;
	s7 =	simm.s32 $_tile_overlayer_lowered  }
0x9c: {  	s22 =	simm.s32 $0x1BFF;
	s21 =	sshll.u32 s7, $0x1;
	s4 =	sadd.s32 s5, s19  }
0x9d: {  	s8 =	simm.s32 $0x0;
	s20 =	sshll.u32 s6, $0x1;
	s6 =	sadd.s32 s21, s4  }
0x9e: {  	[timem:s8], [sflag:s22] =	dma.local [hbm:s6], s20  }
0x9f: {  	_ =	swait.ge [sflag:s22], s20  }
0xa0: {  	s5 =	ssub.s32 $0x0, s20;
	[sflag:s22] =	ssyncset.done $0x0  }
0xa1: {  	[sflag:s22] =	ssyncadd.s32 s5;
	_ =	sdelay $0x1  }
0xa2: {  	s23 =	simm.s32 $0x1B8B  }
0xa3: {  	_ =	swait.ge [sflag:s23], $0x1  }
0xa4: {  	[sflag:s23] =	ssyncset.done $0x0  }
0xa5: {  	s25 =	simm.s32 $0x1B8E;
	s24 =	sld [smem:$0x3FFE];
	[sflag:s23] =	ssyncadd.s32 $0xFFFFFFFF  }
0xa6: {  	s26 =	simm.s32 $execute0_lowered;
	[smem:$0x3FD2] =	sst s25  }
0xa7: {  	s6 =	sshll.u32 s26, $0x1;
	_ =	strace $0x80000046;
	[dreg:$0x1] =	wrdreg $0xFFFFFFFF  }
0xa8: {  	s28 =	simm.s32 $_size_execute0_lowered;
	s4 =	sadd.s32 s4, s6;
	[dreg:$0x0] =	wrdreg $0x0  }
0xa9: {  	s6 =	sshll.u32 s28, $0x1;
	[dreg:$0x2] =	wrdreg s4  }
0xaa: {  	[dreg:$0x3] =	wrdreg s6  }
0xab: {  	[dreg:$0x4] =	wrdreg $0xC0  }
0xac: {  	_ =	task [dreg:s8], $0x5FFFF  }
0xad: {  	[dreg:$0x1] =	wrdreg $0xFFFFFFFF  }
0xae: {  	[dreg:$0x0] =	wrdreg $0x60  }
0xaf: {  	[dreg:$0x2] =	wrdreg s2  }
0xb0: {  	[dreg:$0x3] =	wrdreg s18  }
0xb1: {  	[dreg:$0x4] =	wrdreg s24  }
0xb2: {  	[dreg:$0x5] =	wrdreg $0x9  }
0xb3: {  	_ =	task.clear_ibuf [dreg:s8], $0x6FFFF;
	_ =	strace $0x90000046  }
0xb4: {  	s29 =	simm.s32 $0x9;
	_ =	strace $0x80000048  }
0xb5: {  	_ =	swait.ge [sflag:s29], $0x1  }
0xb6: {  	[sflag:s29] =	ssyncadd.s32 $0xFFFFFFFF  }
0xb7: {  	_ =	strace $0x90000048  }
0xb8: {  	_ =	sfence  }
0xb9: {  	s30 =	sld [smem:$0x0];
	_ =	sdelay $0x2  }
0xba: {  	s31 =	sshll.u32 s1, $0xD;
	s1 =	sshrl.u32 s1, $0x2  }
0xbb: {  	s3 =	sand.u32 $0x4000, s31;
	s1 =	sadd.s32 s1, s30  }
0xbc: {  	s0 =	sor.u32 s3, s0;
	s1 =	sshll.u32 s1, $0x11  }
0xbd: {  	s0 =	sor.u32 s1, s0  }
0xbe: {  	s0 =	sadd.s32 $0x8F2B, s0  }
0xbf: {  	[sflag:s0] =	ssyncadd.remote.s32 $0x1  }
0xc0: {  	_ =	sfence.sel $0xFFFF  }
0xc1: {  	[dreg:$0x0] =	wrdreg $0xFFFFFFFF;
	(pc) =	sbr.abs _section_cstart, $3  }
0xc2: {  	[dreg:$0x1] =	wrdreg $0xFFFFFFFF  }
0xc3: {  	_ =	task.clear_ibuf [dreg:s8], $0x2FFFF;
	_ =	strace $0x9FFFFFFF  }
0xc4: {  	(tm) =	ssettm $0x7FFFFFFF  }
0xc5: {  	_ =	shalt  }
tec
execute0_lowered:
.L_overlay_start_1:
0x0: {  	(tag) =	ssettag $0x1  }
0x1: {  	s1 =	rddreg [dreg:$0x0];
	s3 =	srdreg.scid  }
0x2: {  	s2 =	rddreg [dreg:$0x1];
	s0 =	stileid.u32;
	v0 =	vimm.s32 $0xFFEDCBA9;
	v1 =	vimm.s32 $0x87654321  }
0x3: {  	s6 =	rddreg [dreg:$0x2];
	s9 =	simm.s32 $0x18000;
	s5 =	sand.u32 $0x1, s3;
	v0 =	vunpack.c.l.s4.s8 v0;
	v1 =	vunpack.c.l.s4.s8 v1  }
0x4: {  	s10 =	simm.s32 $0x8000;
	s4 =	sshll.u32 s0, $0x10;
	s7 =	sshll.u32 s5, $0xF  }
0x5: {  	s11 =	simm.s32 $0x0;
	s3 =	rddreg [dreg:$0x3];
	s7 =	sor.u32 s7, s4;
	v0 =	vunpack.c.0.s8.s32 v0;
	v1 =	vunpack.c.0.s8.s32 v1  }
0x6: {  	s5 =	ssub.s32 $0x2, s5;
	s4 =	simm.s32 $0x0;
	s8 =	sshrl.u32 s7, $0x3  }
0x7: {  	v2 =	vlaneseq.u32;
	s31 =	sshrl.u32 s5, $0x1;
	[smem:$0x7FF] =	sst s4;
	s6 =	sadd.s32 s8, s6;
	v4 =	vcombine.low v1, v0  }
0x8: {  	vm0 =	vcmask $0x3F3C;
	v3 =	vor.u32 $0x80000000, v2;
	_ =	strace $0x80000047;
	s8 =	ssub.s32 s5, s31;
	s5 =	sadd.s32 $0xC00, s6  }
0x9: {  	v0 =	vmov s7;
	v1 =	vimm.s32 $0xFFFFFFFF;
	s6 =	sadd.s32 $0x20C00, s6;
	s7 =	smax.u32 s8, $0x1;
	s8 =	simm.s32 $0x1;
	v4 =	vand.u32 $0xF, v4  }
.LBB2_1:
0xa: {  	s13 =	simm.s32 $0x20  }
0xb: {  	s12 =	simm.s32 $0x8020;
	[tilespmem:s13+$0xFFFFFFE0] =	vst v1  }
0xc: {  	[tilespmem:s12+$0xFFFFFFE0] =	vst v1  }
0xd: {  	[tilespmem:s13+$0xFFFFFFF0] =	vst v1  }
0xe: {  	[tilespmem:s12+$0xFFFFFFF0] =	vst v1  }
0xf: {  	[tilespmem:s13+$0x0] =	vst v1  }
0x10: {  	[tilespmem:s12+$0x0] =	vst v1  }
0x11: {  	[tilespmem:s13+$0x10] =	vst v1  }
0x12: {  	s14 =	simm.s32 $0x60;
	s13 =	simm.s32 $0x0;
	[tilespmem:s12+$0x10] =	vst v1  }
.LBB2_2:
0x13: {  	[tilespmem:s14+$0xFFFFFFE0] =	vst v1;
	s12 =	sadd.s32 $0x40, s12  }
0x14: {  	s13 =	sadd.s32 $0x4, s13;
	[tilespmem:s12+$0xFFFFFFE0] =	vst v1  }
0x15: {  	p0 =	slt.u32 s13, $0x7FC;
	[tilespmem:s14+$0xFFFFFFF0] =	vst v1  }
.Ltmp0:
0x16: {  	[tilespmem:s12+$0xFFFFFFF0] =	vst v1;
	(pc) =	sbr.rel @p0 .LBB2_2-.Ltmp0, $4  }
0x17: {  	[tilespmem:s14+$0x0] =	vst v1  }
0x18: {  	[tilespmem:s12+$0x0] =	vst v1  }
0x19: {  	[tilespmem:s14+$0x10] =	vst v1  }
0x1a: {  	s14 =	sadd.s32 $0x40, s14;
	[tilespmem:s12+$0x10] =	vst v1  }
0x1b: {  	s12 =	simm.s32 $0x0;
	s13 =	simm.s32 $0x10000  }
0x1c: {  	[tilespmem:s13], [sflag:$0x1] =	stream.linear.gather [hbm4b:s1+s12], $0x4000, $0x38;
	[tilespmem:$0x18010] =	vst v63  }
0x1d: {  	_ =	swait.ge [sflag:s8], $0x4000  }
0x1e: {  	[sflag:s8] =	ssyncset.done $0x0  }
0x1f: {  	s14 =	simm.s32 $0x14000;
	[sflag:s8] =	ssyncadd.s32 $0xFFFFC000  }
0x20: {  	[tilespmem:s14], [sflag:$0x1] =	stream.linear.gather [hbm4b:s2+s12], $0x4000, $0x38;
	[tilespmem:$0x18010] =	vst v63  }
0x21: {  	_ =	swait.ge [sflag:s8], $0x4000  }
0x22: {  	[sflag:s8] =	ssyncset.done $0x0  }
0x23: {  	[sflag:s8] =	ssyncadd.s32 $0xFFFFC000  }
.LBB2_4:
0x24: {  	v5 =	vld [tilespmem:s13+$0x0];
	_ =	sdelay $0x4  }
0x25: {  	v5 =	vshll.u32 v5, $0x4  }
0x26: {  	v6 =	vor.u32 s12, v2;
	v5 =	vxor.u32 v3, v5  }
0x27: {  	(xrf1) =	vsort.ascd.msk.u32 $0xffff, v5, v6;
	_ =	sdelay $0xd  }
0x28: {  	v5, v7, _ =	vpop (xrf1)  }
0x29: {  	v5 =	vshra.s32 v5, $0x4  }
0x2a: {  	v8 =	vxor.u32 $0xF8000000, v5  }
0x2b: {  	[tilespmem:$0x18000] =	vst v8  }
0x2c: {  	v9 =	vld.idx.msk [tilespmem:v4+s9+$0x0], $0xffff;
	_ =	sdelay $0x4  }
0x2d: {  	vm1 =	vne.s32 v8, v9;
	v8 =	vsub.s32 v8, v0  }
0x2e: {  	vm1 =	vmor vm1, vm0;
	vm2 =	vlt.u32 v8, $0x8000  }
0x2f: {  	vm1 =	vmand vm1, vm2  }
0x30: {  	v5 =	vand.u32 $0x7FFF, v5;
	_ =	sdelay $0x4  }
0x31: {  	[tilespmem:v5+s4+$0x0] =	vst.idx.msk vm1, v7  }
0x32: {  	v5 =	vld [tilespmem:s14+$0x0];
	_ =	sdelay $0x4  }
0x33: {  	v5 =	vshll.u32 v5, $0x4  }
0x34: {  	v5 =	vxor.u32 v3, v5  }
0x35: {  	(xrf1) =	vsort.ascd.msk.u32 $0xffff, v5, v6;
	_ =	sdelay $0xd  }
0x36: {  	v5, v6, _ =	vpop (xrf1)  }
0x37: {  	v5 =	vshra.s32 v5, $0x4  }
0x38: {  	v7 =	vxor.u32 $0xF8000000, v5  }
0x39: {  	[tilespmem:$0x18000] =	vst v7  }
0x3a: {  	v63 =	vld.idx.msk [tilespmem:v4+s9+$0x0], $0xffff;
	_ =	sdelay $0x4  }
0x3b: {  	vm1 =	vne.s32 v7, v63;
	v7 =	vsub.s32 v7, v0  }
0x3c: {  	vm1 =	vmor vm1, vm0;
	vm2 =	vlt.u32 v7, $0x8000  }
0x3d: {  	vm1 =	vmand vm1, vm2  }
0x3e: {  	p0 =	sne.s32 s12, $0x3FF0;
	v5 =	vand.u32 $0x7FFF, v5  }
.Ltmp1:
0x3f: {  	_ = 	snop;
	(pc) =	sbr.rel @p0 .LBB2_4-.Ltmp1, $2  }
0x40: {  	_ =	sdelay $0x2  }
0x41: {  	s13 =	sadd.s32 $0x10, s13;
	s12 =	sadd.s32 $0x10, s12;
	s14 =	sadd.s32 $0x10, s14;
	[tilespmem:v5+s10+$0x0] =	vst.idx.msk vm1, v6  }
0x42: {  	[hbm4b:s5+s4] =	stream.linear.scatter [tilespmem:s4], [sflag:$0x1], $0x8000, $0x38;
	[tilespmem:$0x18010] =	vst v63  }
0x43: {  	s11 =	sadd.s32 $0x1, s11;
	_ =	swait.ge [sflag:s8], $0x8000  }
0x44: {  	p0 =	sne.s32 s11, s7;
	[sflag:s8] =	ssyncset.done $0x0  }
.Ltmp2:
0x45: {  	[sflag:s8] =	ssyncadd.s32 $0xFFFF8000;
	(pc) =	sbr.rel @p0 .LBB2_1-.Ltmp2, $4  }
0x46: {  	[hbm4b:s6+s4] =	stream.linear.scatter [tilespmem:s10], [sflag:$0x1], $0x8000, $0x38;
	[tilespmem:$0x18010] =	vst v63  }
0x47: {  	_ =	swait.ge [sflag:s8], $0x8000  }
0x48: {  	[sflag:s8] =	ssyncset.done $0x0  }
0x49: {  	[sflag:s8] =	ssyncadd.s32 $0xFFFF8000  }
0x4a: {  	_ =	sfence.sel $0x180000  }
0x4b: {  	[bflag:$0x0] =	sbarrier.arrive $0xFFFF  }
0x4c: {  	p0 =	sne.s32 s0, $0x0;
	_ =	strace $0x90000047  }
0x4d: {  	s0 =	sadd.s32 @!p0 $0x100000, s3;
	[bflag:$0x2] =	sbarrier.arrive $0xFFFF  }
0x4e: {  	[sflag:s0] =	ssyncadd.tile.s32 @!p0 $0x1;
	_ =	shalt  }
.Lfunc_end2:
_tile_overlayer_lowered:
.L_overlay_start_2:
0x4f: {  	(tag) =	ssettag $0x2  }
0x50: {  	s0 =	rddreg [dreg:$0x0];
	s2 =	stileid.u32  }
0x51: {  	s1 =	rddreg [dreg:$0x1];
	p0 =	sne.s32 s2, $0x0  }
0x52: {  	s3 =	rddreg [dreg:$0x2];
	[bflag:$0x3] =	sbarrier.arrive $0xFFFF;
	s2 =	simm.s32 @!p0 $0x1C01  }
0x53: {  	[timem:s3], [sflag:s2] =	dma.local @!p0 [hbm:s0], s1  }
0x54: {  	s0 =	simm.s32 @!p0 $0x1  }
0x55: {  	_ =	swait.ge @!p0 [sflag:s0], s1  }
0x56: {  	s1 =	ssub.s32 @!p0 $0x0, s1;
	[sflag:s0] =	ssyncset.done @!p0 $0x0  }
0x57: {  	[sflag:s0] =	ssyncadd.s32 @!p0 s1  }
0x58: {  	[bflag:$0x3] =	sbarrier.arrive $0xFFFF  }
0x59: {  	_ =	shalt  }

// kernel: kernel.7.cloned.1.call-start
scs
__scs_entry_jumppad:
0x0: {  	(pc) =	sbr.rel $0x88, $3  }
0x1: {  	(tag) =	ssettag $0x0;
	lr =	simm.s32 $0x1  }
0x2: {  	[smem:$0x3F9A] =	sst lr;
	_ =	strace $0xD0000000  }
0x3: {  	_ = 	snop  }
0x4: {  	_ = 	snop  }
0x5: {  	_ = 	snop  }
0x6: {  	_ = 	snop  }
0x7: {  	_ = 	snop  }
__scs_overlays_trampoline_lowered:
0x8: {  	[smem:$0x3FA9] =	sst s0  }
0x9: {  	[smem:$0x3FAA] =	sst s1  }
0xa: {  	[smem:$0x3FAB] =	sst s2  }
0xb: {  	[smem:$0x3FAC] =	sst s3  }
0xc: {  	[smem:$0x3FAD] =	sst s4  }
0xd: {  	[smem:$0x3FAE] =	sst s5  }
0xe: {  	[smem:$0x3FAF] =	sst s6  }
0xf: {  	[smem:$0x3FB0] =	sst s7  }
0x10: {  	[smem:$0x3FB1] =	sst s8  }
0x11: {  	[smem:$0x3FB2] =	sst s9;
	s0 =	simm.s32 @!p0 $0x0  }
0x12: {  	s1 =	sld [smem:$0x3F98];
	s0 =	simm.s32 @p0 $0x1  }
0x13: {  	[smem:$0x3FB3] =	sst s0;
	s0 =	simm.s32 @!p1 $0x0  }
0x14: {  	s2 =	sld [smem:$0x3F97];
	s0 =	simm.s32 @p1 $0x1  }
0x15: {  	[smem:$0x3FB4] =	sst s0;
	s0 =	simm.s32 @!p2 $0x0  }
0x16: {  	s3 =	sld [smem:$0x3FDB];
	s0 =	simm.s32 @p2 $0x1  }
0x17: {  	s4 =	simm.s32 $0x1BF5;
	[smem:$0x3FB6] =	sst s0  }
0x18: {  	s0 =	sld [smem:$0x3F99];
	_ =	swait.ge [sflag:s4], $0x0  }
0x19: {  	s7 =	sld [smem:$0x3F9A]  }
0x1a: {  	s8 =	sadd.s32 $0xFFFFE003, lr  }
0x1b: {  	s9 =	sadd.s32 $0xFFFFFEF7, lr;
	s5 =	simm.s32 $0xFFFFFFFF;
	p2 =	slt.u32 s8, $0xFFFFF086  }
0x1c: {  	p1 =	slt.u32 s9, $0xF7A;
	s5 =	simm.s32 @!p2 $0x0  }
0x1d: {  	s5 =	simm.s32 @p1 $0x1;
	p0 =	seq.s32 s7, s2  }
0x1e: {  	s7 =	smul.u32 @!p0 $0xF7A, s2;
	p2 =	seq.s32 @!p0 s5, $0x0  }
0x1f: {  	s9 =	smul.u32 $0xF7A, s1;
	s8 =	simm.s32 @!p0 $0x1BF5;
	p2 =	por !p2, p0  }
0x20: {  	[sflag:s8] =	ssyncset.s32 @!p0 $0xFFFFF086;
	s6 =	sadd.s32 @!p0 s3, s7;
	s7 =	simm.s32 @!p0 $0x108  }
0x21: {  	s3 =	sadd.s32 s3, s9;
	s6 =	sadd.s32 @!p0 $0x88, s6;
	s7 =	simm.s32 @p2 $0x1082  }
0x22: {  	[simem:s7], [sflag:s8] =	dma.local @!p0 [hbm:s6], $0xF7A  }
0x23: {  	s9 =	sor.u32 $0xD0000000, s2;
	s6 =	simm.s32 $0x108;
	_ =	swait.ge @!p0 [sflag:s8], $0x0  }
0x24: {  	s3 =	sadd.s32 $0x88, s3;
	s6 =	simm.s32 @!p1 $0x1082;
	[sflag:s4] =	ssyncset.s32 $0xFFFFF086  }
0x25: {  	[simem:s6], [sflag:s4] =	dma.local [hbm:s3], $0xF7A  }
0x26: {  	[smem:$0x3F9A] =	sst s1;
	(tag) =	ssettag s2;
	_ =	strace s9  }
0x27: {  	s1 =	sld [smem:$0x3FAA]  }
0x28: {  	s2 =	sld [smem:$0x3FAB]  }
0x29: {  	s4 =	sld [smem:$0x3FAD]  }
0x2a: {  	p0 =	seq.s32 s5, $0x0;
	s5 =	sld [smem:$0x3FAE]  }
0x2b: {  	s6 =	sld [smem:$0x3FAF]  }
0x2c: {  	s7 =	sld [smem:$0x3FB0]  }
0x2d: {  	s3 =	simm.s32 $0x108;
	s8 =	sld [smem:$0x3FB1]  }
0x2e: {  	s3 =	simm.s32 @!p0 $0x1082;
	s9 =	sld [smem:$0x3FB2]  }
0x2f: {  	lr =	sadd.s32 s0, s3;
	s0 =	sld [smem:$0x3FA9]  }
0x30: {  	s3 =	sld [smem:$0x3FAC]  }
0x31: {  	[smem:$0x3FB5] =	sst s10  }
0x32: {  	s10 =	sld [smem:$0x3FB3];
	_ =	sdelay $0x3  }
0x33: {  	p0 =	seq.s32 s10, $0x1;
	s10 =	sld [smem:$0x3FB5];
	_ =	sdelay $0x3  }
0x34: {  	[smem:$0x3FB5] =	sst s10  }
0x35: {  	s10 =	sld [smem:$0x3FB4];
	_ =	sdelay $0x3  }
0x36: {  	p1 =	seq.s32 s10, $0x1;
	s10 =	sld [smem:$0x3FB5];
	_ =	sdelay $0x3  }
0x37: {  	[smem:$0x3FB5] =	sst s10  }
0x38: {  	s10 =	sld [smem:$0x3FB6]  }
0x39: {  	_ = 	snop;
	(pc) =	sbr.ind lr, $3  }
0x3a: {  	_ = 	snop  }
0x3b: {  	_ = 	snop  }
0x3c: {  	p2 =	seq.s32 s10, $0x1;
	s10 =	sld [smem:$0x3FB5]  }
0x3d: {  	_ =	shalt  }
0x3e: {  	_ =	shalt  }
0x3f: {  	_ =	shalt  }
0x40: {  	_ =	shalt  }
0x41: {  	_ =	shalt  }
0x42: {  	_ =	shalt  }
0x43: {  	_ =	shalt  }
0x44: {  	_ =	shalt  }
0x45: {  	_ =	shalt  }
0x46: {  	_ =	shalt  }
0x47: {  	_ =	shalt  }
0x48: {  	_ =	shalt  }
0x49: {  	_ =	shalt  }
0x4a: {  	_ =	shalt  }
0x4b: {  	_ =	shalt  }
0x4c: {  	_ =	shalt  }
0x4d: {  	_ =	shalt  }
0x4e: {  	_ =	shalt  }
0x4f: {  	_ =	shalt  }
0x50: {  	_ =	shalt  }
0x51: {  	_ =	shalt  }
0x52: {  	_ =	shalt  }
0x53: {  	_ =	shalt  }
0x54: {  	_ =	shalt  }
0x55: {  	_ =	shalt  }
0x56: {  	_ =	shalt  }
0x57: {  	_ =	shalt  }
0x58: {  	_ =	shalt  }
0x59: {  	_ =	shalt  }
0x5a: {  	_ =	shalt  }
0x5b: {  	_ =	shalt  }
0x5c: {  	_ =	shalt  }
0x5d: {  	_ =	shalt  }
0x5e: {  	_ =	shalt  }
0x5f: {  	_ =	shalt  }
0x60: {  	_ =	shalt  }
0x61: {  	_ =	shalt  }
0x62: {  	_ =	shalt  }
0x63: {  	_ =	shalt  }
0x64: {  	_ =	shalt  }
0x65: {  	_ =	shalt  }
0x66: {  	_ =	shalt  }
0x67: {  	_ =	shalt  }
0x68: {  	_ =	shalt  }
0x69: {  	_ =	shalt  }
0x6a: {  	_ =	shalt  }
0x6b: {  	_ =	shalt  }
0x6c: {  	_ =	shalt  }
0x6d: {  	_ =	shalt  }
0x6e: {  	_ =	shalt  }
0x6f: {  	_ =	shalt  }
0x70: {  	_ =	shalt  }
0x71: {  	_ =	shalt  }
0x72: {  	_ =	shalt  }
0x73: {  	_ =	shalt  }
0x74: {  	_ =	shalt  }
0x75: {  	_ =	shalt  }
0x76: {  	_ =	shalt  }
0x77: {  	_ =	shalt  }
0x78: {  	_ =	shalt  }
0x79: {  	_ =	shalt  }
0x7a: {  	_ =	shalt  }
0x7b: {  	_ =	shalt  }
0x7c: {  	_ =	shalt  }
0x7d: {  	_ =	shalt  }
0x7e: {  	_ =	shalt  }
0x7f: {  	_ =	shalt  }
0x80: {  	_ =	shalt  }
0x81: {  	_ =	shalt  }
0x82: {  	_ =	shalt  }
0x83: {  	_ =	shalt  }
0x84: {  	_ =	shalt  }
0x85: {  	_ =	shalt  }
0x86: {  	_ =	shalt  }
0x87: {  	_ =	shalt  }
.Lfunc_end0:
.L_simem_size_0:
called_computation.1_lowered:
.L_overlay_start_0:
0x88: {  	s2 =	sld [smem:$0x3FD9]  }
0x89: {  	s3 =	sld [smem:$0x3FFE];
	_ =	sdelay $0x1  }
0x8a: {  	s1 =	srdreg.scid  }
0x8b: {  	s0 =	sand.u32 $0x1, s1  }
0x8c: {  	s17 =	sshll.u32 s0, $0xA;
	s2 =	sadd.s32 s3, s2  }
0x8d: {  	s2 =	sadd.s32 s2, s17  }
0x8e: {  	[smem:$0x3FC1] =	sst s2  }
0x8f: {  	_ = 	snop  }
0x90: {  	s2 =	sld [smem:$0x3FC7]  }
0x91: {  	s18 =	sld [smem:$0x3FC4]  }
0x92: {  	s4 =	sld [smem:$0x3FC3]  }
0x93: {  	s5 =	sld [smem:$0x3FD0];
	(tm) =	ssettm $0x1  }
0x94: {  	s6 =	sld [smem:$0x3FFB];
	_ =	sdelay $0x3  }
0x95: {  	_ =	strace s6  }
0x96: {  	s6 =	sld [smem:$0x3FFC];
	_ =	sdelay $0x3  }
0x97: {  	_ =	strace s6  }
0x98: {  	s6 =	sld [smem:$0x3FFD];
	_ =	sdelay $0x3  }
0x99: {  	_ =	strace s6  }
0x9a: {  	_ =	strace $0x8FFFFFFF  }
0x9b: {  	s19 =	sld [smem:$0x3FDB];
	_ =	sdelay $0x1  }
0x9c: {  	s7 =	simm.s32 $_scs_section_size  }
0x9d: {  	s8 =	simm.s32 $_size__tile_overlayer_lowered;
	s9 =	simm.s32 $_tile_overlayer_lowered  }
0x9e: {  	s22 =	simm.s32 $0x1BFF;
	s21 =	sshll.u32 s9, $0x1;
	s6 =	sadd.s32 s7, s19  }
0x9f: {  	s10 =	simm.s32 $0x0;
	s20 =	sshll.u32 s8, $0x1;
	s8 =	sadd.s32 s21, s6  }
0xa0: {  	[timem:s10], [sflag:s22] =	dma.local [hbm:s8], s20  }
0xa1: {  	_ =	swait.ge [sflag:s22], s20  }
0xa2: {  	s7 =	ssub.s32 $0x0, s20;
	[sflag:s22] =	ssyncset.done $0x0  }
0xa3: {  	[sflag:s22] =	ssyncadd.s32 s7;
	_ =	sdelay $0x1  }
0xa4: {  	s23 =	simm.s32 $0x1B8B  }
0xa5: {  	_ =	swait.ge [sflag:s23], $0x1  }
0xa6: {  	[sflag:s23] =	ssyncset.done $0x0  }
0xa7: {  	s25 =	simm.s32 $0x1B8E;
	s24 =	sld [smem:$0x3FFE];
	[sflag:s23] =	ssyncadd.s32 $0xFFFFFFFF  }
0xa8: {  	s26 =	simm.s32 $execute0_lowered;
	[smem:$0x3FD2] =	sst s25  }
0xa9: {  	s8 =	sshll.u32 s26, $0x1;
	_ =	strace $0x80000049;
	[dreg:$0x1] =	wrdreg $0xFFFFFFFF  }
0xaa: {  	s28 =	simm.s32 $_size_execute0_lowered;
	s6 =	sadd.s32 s6, s8;
	[dreg:$0x0] =	wrdreg $0x0  }
0xab: {  	s8 =	sshll.u32 s28, $0x1;
	[dreg:$0x2] =	wrdreg s6  }
0xac: {  	[dreg:$0x3] =	wrdreg s8  }
0xad: {  	[dreg:$0x4] =	wrdreg $0xC0  }
0xae: {  	_ =	task [dreg:s10], $0x5FFFF  }
0xaf: {  	[dreg:$0x1] =	wrdreg $0xFFFFFFFF  }
0xb0: {  	[dreg:$0x0] =	wrdreg $0x60  }
0xb1: {  	[dreg:$0x2] =	wrdreg s24  }
0xb2: {  	[dreg:$0x3] =	wrdreg s2  }
0xb3: {  	[dreg:$0x4] =	wrdreg s18  }
0xb4: {  	[dreg:$0x5] =	wrdreg s4  }
0xb5: {  	[dreg:$0x6] =	wrdreg s5  }
0xb6: {  	[dreg:$0x7] =	wrdreg $0x9  }
0xb7: {  	_ =	task.clear_ibuf [dreg:s10], $0x8FFFF;
	_ =	strace $0x90000049  }
0xb8: {  	s29 =	simm.s32 $0x9;
	_ =	strace $0x8000004B  }
0xb9: {  	_ =	swait.ge [sflag:s29], $0x1  }
0xba: {  	[sflag:s29] =	ssyncadd.s32 $0xFFFFFFFF  }
0xbb: {  	_ =	strace $0x9000004B  }
0xbc: {  	_ =	sfence  }
0xbd: {  	s30 =	sld [smem:$0x0];
	_ =	sdelay $0x2  }
0xbe: {  	s31 =	sshll.u32 s1, $0xD;
	s1 =	sshrl.u32 s1, $0x2  }
0xbf: {  	s3 =	sand.u32 $0x4000, s31;
	s1 =	sadd.s32 s1, s30  }
0xc0: {  	s0 =	sor.u32 s3, s0;
	s1 =	sshll.u32 s1, $0x11  }
0xc1: {  	s0 =	sor.u32 s1, s0  }
0xc2: {  	s0 =	sadd.s32 $0x8F2B, s0  }
0xc3: {  	[sflag:s0] =	ssyncadd.remote.s32 $0x1  }
0xc4: {  	_ =	sfence.sel $0xFFFF  }
0xc5: {  	[dreg:$0x0] =	wrdreg $0xFFFFFFFF;
	(pc) =	sbr.abs _section_cstart, $3  }
0xc6: {  	[dreg:$0x1] =	wrdreg $0xFFFFFFFF  }
0xc7: {  	_ =	task.clear_ibuf [dreg:s10], $0x2FFFF;
	_ =	strace $0x9FFFFFFF  }
0xc8: {  	(tm) =	ssettm $0x7FFFFFFF  }
0xc9: {  	_ =	shalt  }
tec
execute0_lowered:
.L_overlay_start_1:
0x0: {  	(tag) =	ssettag $0x1  }
0x1: {  	s0 =	rddreg [dreg:$0x0]  }
0x2: {  	s1 =	rddreg [dreg:$0x1];
	s2 =	simm.s32 $0x0;
	s26 =	srdreg.scid  }
0x3: {  	s5 =	stileid.u32;
	s14 =	simm.s32 $0x3;
	s15 =	simm.s32 $0x200  }
0x4: {  	s16 =	simm.s32 $0x80;
	s19 =	simm.s32 $0x1000;
	s20 =	simm.s32 $0x5000  }
0x5: {  	s22 =	simm.s32 $0x280;
	s29 =	simm.s32 $0x300;
	s6 =	simm.s32 $0x180  }
0x6: {  	s13 =	simm.s32 $0x380;
	s18 =	simm.s32 $0x9000;
	s23 =	simm.s32 $0xD000  }
0x7: {  	s24 =	simm.s32 $0x2;
	[smem:$0x7FF] =	sst s2;
	s2 =	sand.u32 $0x1, s26  }
0x8: {  	s7 =	sadd.s32 $0xF83000, s0;
	s8 =	sadd.s32 $0x1353A00, s0;
	s9 =	sadd.s32 $0xC00, s0  }
0x9: {  	s28 =	sshll.u32 s5, $0xC;
	s3 =	ssub.s32 $0x2, s2;
	s2 =	sshll.u32 s2, $0xB  }
0xa: {  	v17 =	vlaneseq.u32;
	s10 =	sadd.s32 $0x20C00, s0;
	s4 =	sshrl.u32 s3, $0x1;
	s11 =	sor.u32 s2, s28  }
0xb: {  	s26 =	simm.s32 $0x100;
	v50 =	vmul.u32 $0x20, v17;
	s3 =	ssub.s32 s3, s4;
	s31 =	sor.u32 $0x30, s11  }
0xc: {  	_ =	strace $0x8000004A;
	s30 =	smax.u32 s3, $0x1;
	[dreg:$0x7] =	wrdreg s31  }
0xd: {  	v18 =	vimm.f32 $0.0e+00;
	s5 =	simm.s32 $0x1;
	s2 =	simm.s32 $0x0;
	[tilespmem:$0x1FFF0] =	vst v50;
	[dreg:$0x6] =	wrdreg s30  }
.LBB2_1:
0xe: {  	[dreg:$0x8] =	wrdreg s2  }
0xf: {  	s28 =	rddreg [dreg:$0x7];
	s30 =	simm.s32 $0x0  }
.LBB2_2:
0x10: {  	s0 =	sshll.u32 s30, $0x9  }
0x11: {  	s0 =	sadd.s32 s11, s0  }
0x12: {  	s12 =	rddreg [dreg:$0x2];
	s31 =	sshrl.u32 s0, $0x3  }
0x13: {  	s2 =	simm.s32 $0x0;
	s0 =	sadd.s32 s12, s31  }
0x14: {  	[tilespmem:s2], [sflag:$0x3] =	stream.linear.gather [hbm4b:s0+s2], $0x200, $0x38;
	[tilespmem:$0x11200] =	vst v63  }
0x15: {  	_ =	swait.ge [sflag:s14], $0x200  }
0x16: {  	[sflag:s14] =	ssyncset.done $0x0  }
0x17: {  	[sflag:s14] =	ssyncadd.s32 $0xFFFFFE00  }
0x18: {  	s17 =	rddreg [dreg:$0x3]  }
0x19: {  	s0 =	sadd.s32 s17, s31  }
0x1a: {  	[tilespmem:s15], [sflag:$0x3] =	stream.linear.gather [hbm4b:s0+s2], $0x200, $0x38;
	[tilespmem:$0x11200] =	vst v63  }
0x1b: {  	_ =	swait.ge [sflag:s14], $0x200  }
0x1c: {  	[sflag:s14] =	ssyncset.done $0x0  }
0x1d: {  	s21 =	simm.s32 $0x400;
	[sflag:s14] =	ssyncadd.s32 $0xFFFFFE00  }
0x1e: {  	[tilespmem:s21], [sflag:$0x1] =	stream.indirect.gather [hbm4b:s9+s16], $0x1, s2, s16, $0xb8;
	[tilespmem:$0x11200] =	vst v63  }
0x1f: {  	s25 =	simm.s32 $0x600  }
0x20: {  	[tilespmem:s25], [sflag:$0x1] =	stream.indirect.gather [hbm4b:s10+s16], $0x1, s15, s16, $0xb8;
	[tilespmem:$0x11200] =	vst v63  }
0x21: {  	_ = 	snop  }
0x22: {  	[tilespmem:s19], [sflag:$0x2] =	stream.indirect.gather [hbm4b:s7+s16], $0x20, s2, s16, $0xb8;
	[tilespmem:$0x11200] =	vst v63  }
0x23: {  	_ = 	snop  }
0x24: {  	[tilespmem:s20], [sflag:$0x2] =	stream.indirect.gather [hbm4b:s8+s16], $0x20, s15, s16, $0xb8;
	[tilespmem:$0x11200] =	vst v63  }
0x25: {  	s3 =	simm.s32 $0x480  }
0x26: {  	[tilespmem:s3], [sflag:$0x1] =	stream.indirect.gather [hbm4b:s9+s16], $0x1, s16, s16, $0xb8;
	[tilespmem:$0x11200] =	vst v63  }
0x27: {  	s4 =	simm.s32 $0x680  }
0x28: {  	[tilespmem:s4], [sflag:$0x1] =	stream.indirect.gather [hbm4b:s10+s16], $0x1, s22, s16, $0xb8;
	[tilespmem:$0x11200] =	vst v63  }
0x29: {  	s12 =	simm.s32 $0x2000  }
0x2a: {  	[tilespmem:s12], [sflag:$0x2] =	stream.indirect.gather [hbm4b:s7+s16], $0x20, s16, s16, $0xb8;
	[tilespmem:$0x11200] =	vst v63  }
0x2b: {  	s17 =	simm.s32 $0x6000  }
0x2c: {  	[tilespmem:s17], [sflag:$0x2] =	stream.indirect.gather [hbm4b:s8+s16], $0x20, s22, s16, $0xb8;
	[tilespmem:$0x11200] =	vst v63  }
0x2d: {  	s21 =	simm.s32 $0x500  }
0x2e: {  	[tilespmem:s21], [sflag:$0x1] =	stream.indirect.gather [hbm4b:s9+s16], $0x1, s26, s16, $0xb8;
	[tilespmem:$0x11200] =	vst v63  }
0x2f: {  	s25 =	simm.s32 $0x700  }
0x30: {  	[tilespmem:s25], [sflag:$0x1] =	stream.indirect.gather [hbm4b:s10+s16], $0x1, s29, s16, $0xb8;
	[tilespmem:$0x11200] =	vst v63  }
0x31: {  	s2 =	simm.s32 $0x3000  }
0x32: {  	[tilespmem:s2], [sflag:$0x2] =	stream.indirect.gather [hbm4b:s7+s16], $0x20, s26, s16, $0xb8;
	[tilespmem:$0x11200] =	vst v63  }
0x33: {  	s3 =	simm.s32 $0x7000  }
0x34: {  	[tilespmem:s3], [sflag:$0x2] =	stream.indirect.gather [hbm4b:s8+s16], $0x20, s29, s16, $0xb8;
	[tilespmem:$0x11200] =	vst v63  }
0x35: {  	s4 =	simm.s32 $0x580  }
0x36: {  	[tilespmem:s4], [sflag:$0x1] =	stream.indirect.gather [hbm4b:s9+s16], $0x1, s6, s16, $0xb8;
	[tilespmem:$0x11200] =	vst v63  }
0x37: {  	s12 =	simm.s32 $0x780  }
0x38: {  	[tilespmem:s12], [sflag:$0x1] =	stream.indirect.gather [hbm4b:s10+s16], $0x1, s13, s16, $0xb8;
	[tilespmem:$0x11200] =	vst v63  }
0x39: {  	s17 =	simm.s32 $0x4000  }
0x3a: {  	[tilespmem:s17], [sflag:$0x2] =	stream.indirect.gather [hbm4b:s7+s16], $0x20, s6, s16, $0xb8;
	[tilespmem:$0x11200] =	vst v63  }
0x3b: {  	s21 =	simm.s32 $0x8000  }
0x3c: {  	[tilespmem:s21], [sflag:$0x2] =	stream.indirect.gather [hbm4b:s8+s16], $0x20, s13, s16, $0xb8;
	[tilespmem:$0x11200] =	vst v63  }
0x3d: {  	_ =	swait.ge [sflag:s5], $0x80  }
0x3e: {  	[sflag:s5] =	ssyncset.done $0x0  }
0x3f: {  	[sflag:s5] =	ssyncadd.s32 $0xFFFFFF80  }
0x40: {  	_ =	swait.ge [sflag:s5], $0x80  }
0x41: {  	[sflag:s5] =	ssyncset.done $0x0  }
0x42: {  	[sflag:s5] =	ssyncadd.s32 $0xFFFFFF80  }
0x43: {  	_ =	swait.ge [sflag:s5], $0x80  }
0x44: {  	[sflag:s5] =	ssyncset.done $0x0  }
0x45: {  	[sflag:s5] =	ssyncadd.s32 $0xFFFFFF80  }
0x46: {  	_ =	swait.ge [sflag:s5], $0x80  }
0x47: {  	[sflag:s5] =	ssyncset.done $0x0  }
0x48: {  	[sflag:s5] =	ssyncadd.s32 $0xFFFFFF80  }
0x49: {  	_ =	swait.ge [sflag:s5], $0x80  }
0x4a: {  	[sflag:s5] =	ssyncset.done $0x0  }
0x4b: {  	[sflag:s5] =	ssyncadd.s32 $0xFFFFFF80  }
0x4c: {  	_ =	swait.ge [sflag:s5], $0x80  }
0x4d: {  	[sflag:s5] =	ssyncset.done $0x0  }
0x4e: {  	[sflag:s5] =	ssyncadd.s32 $0xFFFFFF80  }
0x4f: {  	_ =	swait.ge [sflag:s5], $0x80  }
0x50: {  	[sflag:s5] =	ssyncset.done $0x0  }
0x51: {  	[sflag:s5] =	ssyncadd.s32 $0xFFFFFF80  }
0x52: {  	_ =	swait.ge [sflag:s5], $0x80  }
0x53: {  	[sflag:s5] =	ssyncset.done $0x0  }
0x54: {  	s0 =	simm.s32 $0x0;
	[sflag:s5] =	ssyncadd.s32 $0xFFFFFF80  }
0x55: {  	v1 =	vld [tilespmem:s0+$0x630]  }
0x56: {  	v2 =	vld [tilespmem:s0+$0x600]  }
0x57: {  	v3 =	vld [tilespmem:s0+$0x610]  }
0x58: {  	v4 =	vld [tilespmem:s0+$0x620]  }
0x59: {  	v5 =	vld [tilespmem:s0+$0x400]  }
0x5a: {  	v9 =	vld [tilespmem:s0+$0x410]  }
0x5b: {  	v0 =	vor.u32 s28, v17;
	s25 =	sadd.s32 $0xFFFFFFD0, s28;
	s3 =	sadd.s32 $0xFFFFFFE0, s28;
	v10 =	vld [tilespmem:s0+$0x420]  }
0x5c: {  	v0 =	vand.u32 $0x3FFF, v0;
	v6 =	vor.u32 s25, v17;
	v7 =	vor.u32 s3, v17;
	s4 =	sadd.s32 $0xFFFFFFF0, s28  }
0x5d: {  	v6 =	vand.u32 $0x3FFF, v6;
	v12 =	vand.u32 $0x3FFF, v7;
	v8 =	vor.u32 s4, v17  }
0x5e: {  	v13 =	vand.u32 $0x3FFF, v8;
	vm0 =	vgt.s32 v1, $0xFFFFFFFF;
	vm4 =	vgt.s32 v2, $0xFFFFFFFF  }
0x5f: {  	vm5 =	vgt.s32 v3, $0xFFFFFFFF;
	vm1 =	vgt.s32 v4, $0xFFFFFFFF;
	vm6 =	vgt.s32 v5, $0xFFFFFFFF  }
0x60: {  	vm7 =	vgt.s32 v9, $0xFFFFFFFF;
	vm3 =	vgt.s32 v10, $0xFFFFFFFF;
	v11 =	vsel vm0, v1, v0;
	v1 =	vld [tilespmem:s0+$0x430]  }
0x61: {  	v2 =	vsel vm4, v2, v6;
	v3 =	vsel vm5, v3, v12;
	v11 =	vadd.s32 $0x4000, v11  }
0x62: {  	v4 =	vsel vm1, v4, v13;
	v7 =	vsel vm6, v5, v6;
	v2 =	vadd.s32 $0x4000, v2;
	[tilespmem:s0+$0xA30] =	vst v11  }
0x63: {  	v8 =	vsel vm6, $0x37800000, v18;
	v5 =	vsel vm4, $0x37800000, v18;
	v3 =	vadd.s32 $0x4000, v3;
	[tilespmem:s0+$0xA00] =	vst v2  }
0x64: {  	v6 =	vsel vm7, $0x37800000, v18;
	v11 =	vadd.s32 $0x4000, v4;
	v4 =	vsel vm7, v9, v12;
	[tilespmem:s0+$0xA10] =	vst v3  }
0x65: {  	s2 =	simm.s32 $0x0;
	s3 =	simm.s32 $0x100;
	s12 =	smov.u32 s28;
	v3 =	vsel vm5, $0x37800000, v18;
	v2 =	vsel vm3, v10, v13;
	[tilespmem:s0+$0xA20] =	vst v11;
	vm2 =	vgt.s32 v1, $0xFFFFFFFF  }
.LBB2_3:
0x66: {  	s4 =	sshra.s32 s3, $0x2;
	s2 =	sadd.s32 $0x4, s2;
	[tilespmem:s0+$0x800] =	vst v7;
	v7 =	vsel vm3, $0x37800000, v18;
	v9 =	vsel vm1, $0x37800000, v18;
	v10 =	vsel vm2, v1, v0  }
0x67: {  	v11 =	vsel vm0, $0x37800000, v18;
	v1 =	vld [tilespmem:s4+$0x630];
	p0 =	slt.u32 s2, $0x1C;
	[tilespmem:s0+$0xC00] =	vst v8;
	v8 =	vsel vm2, $0x37800000, v18  }
0x68: {  	v12 =	vld [tilespmem:s4+$0x600];
	[tilespmem:s0+$0xE00] =	vst v5  }
0x69: {  	v5 =	vld [tilespmem:s4+$0x610];
	[tilespmem:s0+$0x810] =	vst v4  }
0x6a: {  	s12 =	sadd.s32 $0x40, s12;
	v4 =	vld [tilespmem:s4+$0x620];
	[tilespmem:s0+$0xC10] =	vst v6  }
0x6b: {  	s17 =	sadd.s32 $0xFFFFFFD0, s12;
	s21 =	sadd.s32 $0xFFFFFFE0, s12;
	s25 =	sadd.s32 $0xFFFFFFF0, s12;
	v0 =	vor.u32 s12, v17;
	v6 =	vld [tilespmem:s4+$0x400];
	[tilespmem:s0+$0xE10] =	vst v3  }
0x6c: {  	v0 =	vand.u32 $0x3FFF, v0;
	v3 =	vor.u32 s17, v17;
	v13 =	vld [tilespmem:s4+$0x410];
	vm0 =	vgt.s32 v1, $0xFFFFFFFF;
	[tilespmem:s0+$0x820] =	vst v2  }
0x6d: {  	v15 =	vor.u32 s25, v17;
	v2 =	vor.u32 s21, v17;
	v14 =	vld [tilespmem:s4+$0x420];
	v16 =	vsel vm0, v1, v0;
	[tilespmem:s0+$0xC20] =	vst v7  }
0x6e: {  	vm5 =	vgt.s32 v12, $0xFFFFFFFF;
	vm4 =	vgt.s32 v5, $0xFFFFFFFF;
	v1 =	vld [tilespmem:s4+$0x430];
	v7 =	vadd.s32 $0x4000, v16;
	[tilespmem:s0+$0xE20] =	vst v9  }
0x6f: {  	v3 =	vand.u32 $0x3FFF, v3;
	v2 =	vand.u32 $0x3FFF, v2;
	vm1 =	vgt.s32 v4, $0xFFFFFFFF;
	[tilespmem:s4+$0xA30] =	vst v7  }
0x70: {  	v9 =	vand.u32 $0x3FFF, v15;
	v7 =	vsel vm5, v12, v3;
	v5 =	vsel vm4, v5, v2;
	[tilespmem:s0+$0x830] =	vst v10  }
.Ltmp0:
0x71: {  	vm6 =	vgt.s32 v6, $0xFFFFFFFF;
	v4 =	vsel vm1, v4, v9;
	vm7 =	vgt.s32 v13, $0xFFFFFFFF;
	[tilespmem:s0+$0xC30] =	vst v8;
	(pc) =	sbr.rel @p0 .LBB2_3-.Ltmp0, $4  }
0x72: {  	v10 =	vadd.s32 $0x4000, v5;
	v8 =	vadd.s32 $0x4000, v7;
	vm3 =	vgt.s32 v14, $0xFFFFFFFF;
	[tilespmem:s0+$0xE30] =	vst v11;
	s0 =	smov.u32 s4  }
0x73: {  	v7 =	vsel vm6, v6, v3;
	v11 =	vadd.s32 $0x4000, v4;
	[tilespmem:s0+$0xA00] =	vst v8;
	vm2 =	vgt.s32 v1, $0xFFFFFFFF  }
0x74: {  	v5 =	vsel vm5, $0x37800000, v18;
	v4 =	vsel vm7, v13, v2;
	v8 =	vsel vm6, $0x37800000, v18;
	[tilespmem:s0+$0xA10] =	vst v10  }
0x75: {  	s3 =	sadd.s32 $0x100, s3;
	v3 =	vsel vm4, $0x37800000, v18;
	v6 =	vsel vm7, $0x37800000, v18;
	v2 =	vsel vm3, v14, v9;
	[tilespmem:s0+$0xA20] =	vst v11  }
0x76: {  	[tilespmem:s0+$0x800] =	vst v7  }
0x77: {  	[tilespmem:s0+$0xC00] =	vst v8  }
0x78: {  	[tilespmem:s0+$0xE00] =	vst v5  }
0x79: {  	[tilespmem:s0+$0x810] =	vst v4  }
0x7a: {  	[tilespmem:s0+$0xC10] =	vst v6  }
0x7b: {  	[tilespmem:s0+$0xE10] =	vst v3  }
0x7c: {  	v3 =	vsel vm3, $0x37800000, v18;
	[tilespmem:s0+$0x820] =	vst v2  }
0x7d: {  	v2 =	vsel vm1, $0x37800000, v18;
	[tilespmem:s0+$0xC20] =	vst v3  }
0x7e: {  	v0 =	vsel vm2, v1, v0;
	[tilespmem:s0+$0xE20] =	vst v2  }
0x7f: {  	v1 =	vsel vm2, $0x37800000, v18;
	[tilespmem:s0+$0x830] =	vst v0  }
0x80: {  	v0 =	vsel vm0, $0x37800000, v18;
	[tilespmem:s0+$0xC30] =	vst v1  }
0x81: {  	s17 =	simm.s32 $0x800;
	[tilespmem:s0+$0xE30] =	vst v0  }
0x82: {  	[tilespmem:s18], [sflag:$0x1] =	stream.indirect.gather [hbm4b:s1+s16], $0x20, s17, s16, $0xb8;
	[tilespmem:$0x11200] =	vst v63  }
0x83: {  	s21 =	simm.s32 $0xA00  }
0x84: {  	[tilespmem:s23], [sflag:$0x1] =	stream.indirect.gather [hbm4b:s1+s16], $0x20, s21, s16, $0xb8;
	[tilespmem:$0x11200] =	vst v63  }
0x85: {  	s25 =	simm.s32 $0x880;
	s2 =	simm.s32 $0xA000  }
0x86: {  	[tilespmem:s2], [sflag:$0x1] =	stream.indirect.gather [hbm4b:s1+s16], $0x20, s25, s16, $0xb8;
	[tilespmem:$0x11200] =	vst v63  }
0x87: {  	s3 =	simm.s32 $0xA80;
	s4 =	simm.s32 $0xE000  }
0x88: {  	[tilespmem:s4], [sflag:$0x1] =	stream.indirect.gather [hbm4b:s1+s16], $0x20, s3, s16, $0xb8;
	[tilespmem:$0x11200] =	vst v63  }
0x89: {  	s12 =	simm.s32 $0x900;
	s17 =	simm.s32 $0xB000  }
0x8a: {  	[tilespmem:s17], [sflag:$0x1] =	stream.indirect.gather [hbm4b:s1+s16], $0x20, s12, s16, $0xb8;
	[tilespmem:$0x11200] =	vst v63  }
0x8b: {  	s21 =	simm.s32 $0xB00;
	s25 =	simm.s32 $0xF000  }
0x8c: {  	[tilespmem:s25], [sflag:$0x1] =	stream.indirect.gather [hbm4b:s1+s16], $0x20, s21, s16, $0xb8;
	[tilespmem:$0x11200] =	vst v63  }
0x8d: {  	s3 =	simm.s32 $0x980;
	s4 =	simm.s32 $0xC000  }
0x8e: {  	[tilespmem:s4], [sflag:$0x1] =	stream.indirect.gather [hbm4b:s1+s16], $0x20, s3, s16, $0xb8;
	[tilespmem:$0x11200] =	vst v63  }
0x8f: {  	s12 =	simm.s32 $0xB80;
	s17 =	simm.s32 $0x10000  }
0x90: {  	[tilespmem:s17], [sflag:$0x1] =	stream.indirect.gather [hbm4b:s1+s16], $0x20, s12, s16, $0xb8;
	[tilespmem:$0x11200] =	vst v63  }
0x91: {  	_ =	swait.ge [sflag:s24], $0x1000  }
0x92: {  	[sflag:s24] =	ssyncset.done $0x0  }
0x93: {  	[sflag:s24] =	ssyncadd.s32 $0xFFFFF000  }
0x94: {  	_ =	swait.ge [sflag:s24], $0x1000  }
0x95: {  	[sflag:s24] =	ssyncset.done $0x0  }
0x96: {  	[sflag:s24] =	ssyncadd.s32 $0xFFFFF000  }
0x97: {  	_ =	swait.ge [sflag:s5], $0x1000  }
0x98: {  	[sflag:s5] =	ssyncset.done $0x0  }
0x99: {  	[sflag:s5] =	ssyncadd.s32 $0xFFFFF000  }
0x9a: {  	_ =	swait.ge [sflag:s5], $0x1000  }
0x9b: {  	[sflag:s5] =	ssyncset.done $0x0  }
0x9c: {  	[sflag:s5] =	ssyncadd.s32 $0xFFFFF000  }
0x9d: {  	_ =	swait.ge [sflag:s24], $0x1000  }
0x9e: {  	[sflag:s24] =	ssyncset.done $0x0  }
0x9f: {  	[sflag:s24] =	ssyncadd.s32 $0xFFFFF000  }
0xa0: {  	_ =	swait.ge [sflag:s24], $0x1000  }
0xa1: {  	[sflag:s24] =	ssyncset.done $0x0  }
0xa2: {  	[sflag:s24] =	ssyncadd.s32 $0xFFFFF000  }
0xa3: {  	_ =	swait.ge [sflag:s5], $0x1000  }
0xa4: {  	[sflag:s5] =	ssyncset.done $0x0  }
0xa5: {  	[sflag:s5] =	ssyncadd.s32 $0xFFFFF000  }
0xa6: {  	_ =	swait.ge [sflag:s5], $0x1000  }
0xa7: {  	[sflag:s5] =	ssyncset.done $0x0  }
0xa8: {  	[sflag:s5] =	ssyncadd.s32 $0xFFFFF000  }
0xa9: {  	_ =	swait.ge [sflag:s24], $0x1000  }
0xaa: {  	[sflag:s24] =	ssyncset.done $0x0  }
0xab: {  	[sflag:s24] =	ssyncadd.s32 $0xFFFFF000  }
0xac: {  	_ =	swait.ge [sflag:s24], $0x1000  }
0xad: {  	[sflag:s24] =	ssyncset.done $0x0  }
0xae: {  	[sflag:s24] =	ssyncadd.s32 $0xFFFFF000  }
0xaf: {  	_ =	swait.ge [sflag:s5], $0x1000  }
0xb0: {  	[sflag:s5] =	ssyncset.done $0x0  }
0xb1: {  	[sflag:s5] =	ssyncadd.s32 $0xFFFFF000  }
0xb2: {  	_ =	swait.ge [sflag:s5], $0x1000  }
0xb3: {  	[sflag:s5] =	ssyncset.done $0x0  }
0xb4: {  	[sflag:s5] =	ssyncadd.s32 $0xFFFFF000  }
0xb5: {  	_ =	swait.ge [sflag:s24], $0x1000  }
0xb6: {  	[sflag:s24] =	ssyncset.done $0x0  }
0xb7: {  	[sflag:s24] =	ssyncadd.s32 $0xFFFFF000  }
0xb8: {  	s21 =	simm.s32 $0x0;
	_ =	swait.ge [sflag:s24], $0x1000  }
0xb9: {  	v0 =	vmov s21;
	[sflag:s24] =	ssyncset.done $0x0  }
0xba: {  	v0 =	vshll.u32 v0, $0x5;
	[sflag:s24] =	ssyncadd.s32 $0xFFFFF000  }
0xbb: {  	v26 =	vor.u32 v50, v0;
	_ =	swait.ge [sflag:s5], $0x1000  }
0xbc: {  	v20 =	vor.u32 $0x1E, v26;
	[sflag:s5] =	ssyncset.done $0x0  }
0xbd: {  	v2 =	vor.u32 $0xC, v26;
	[sflag:s5] =	ssyncadd.s32 $0xFFFFF000  }
0xbe: {  	v7 =	vor.u32 $0xA, v26;
	_ =	swait.ge [sflag:s5], $0x1000  }
0xbf: {  	v6 =	vor.u32 $0xB, v26;
	[sflag:s5] =	ssyncset.done $0x0  }
0xc0: {  	v8 =	vor.u32 $0x9, v26;
	[sflag:s5] =	ssyncadd.s32 $0xFFFFF000  }
0xc1: {  	v0 =	vld.idx.msk [tilespmem:v20+s19+$0x0], $0xffff  }
0xc2: {  	v9 =	vor.u32 $0x8, v26;
	v29 =	vld.idx.msk [tilespmem:v2+s18+$0x0], $0xffff  }
0xc3: {  	v32 =	vld.idx.msk [tilespmem:v7+s19+$0x0], $0xffff  }
0xc4: {  	v10 =	vor.u32 $0x7, v26;
	v33 =	vld.idx.msk [tilespmem:v6+s18+$0x0], $0xffff  }
0xc5: {  	v38 =	vld.idx.msk [tilespmem:v8+s19+$0x0], $0xffff  }
0xc6: {  	v11 =	vor.u32 $0x6, v26;
	v36 =	vld.idx.msk [tilespmem:v7+s18+$0x0], $0xffff  }
0xc7: {  	v46 =	vld.idx.msk [tilespmem:v9+s19+$0x0], $0xffff  }
0xc8: {  	v12 =	vor.u32 $0x5, v26;
	v42 =	vld.idx.msk [tilespmem:v8+s18+$0x0], $0xffff  }
0xc9: {  	v50 =	vld.idx.msk [tilespmem:v10+s19+$0x0], $0xffff  }
0xca: {  	v13 =	vor.u32 $0x4, v26;
	v51 =	vld.idx.msk [tilespmem:v9+s18+$0x0], $0xffff  }
0xcb: {  	v52 =	vld.idx.msk [tilespmem:v11+s19+$0x0], $0xffff  }
0xcc: {  	v14 =	vor.u32 $0x3, v26;
	v53 =	vld.idx.msk [tilespmem:v10+s18+$0x0], $0xffff  }
0xcd: {  	v37 =	vld.idx.msk [tilespmem:v12+s19+$0x0], $0xffff  }
0xce: {  	v16 =	vor.u32 $0x2, v26;
	v41 =	vld.idx.msk [tilespmem:v11+s18+$0x0], $0xffff  }
0xcf: {  	v31 =	vld.idx.msk [tilespmem:v13+s19+$0x0], $0xffff  }
0xd0: {  	v17 =	vor.u32 $0x1, v26;
	v35 =	vld.idx.msk [tilespmem:v12+s18+$0x0], $0xffff  }
0xd1: {  	v22 =	vld.idx.msk [tilespmem:v14+s19+$0x0], $0xffff  }
0xd2: {  	v23 =	vld.idx.msk [tilespmem:v13+s18+$0x0], $0xffff  }
0xd3: {  	v18 =	vld.idx.msk [tilespmem:v16+s19+$0x0], $0xffff  }
0xd4: {  	v30 =	vld.idx.msk [tilespmem:v14+s18+$0x0], $0xffff  }
0xd5: {  	v27 =	vld.idx.msk [tilespmem:v17+s19+$0x0], $0xffff  }
0xd6: {  	v1 =	vor.u32 $0xE, v26;
	v34 =	vld.idx.msk [tilespmem:v17+s20+$0x0], $0xffff  }
0xd7: {  	v21 =	vld.idx.msk [tilespmem:v17+s18+$0x0], $0xffff  }
0xd8: {  	v39 =	vld.idx.msk [tilespmem:v26+s18+$0x0], $0xffff  }
0xd9: {  	v44 =	vld.idx.msk [tilespmem:v26+s23+$0x0], $0xffff  }
0xda: {  	v17 =	vld.idx.msk [tilespmem:v17+s23+$0x0], $0xffff  }
0xdb: {  	v5 =	vor.u32 $0xD, v26;
	[tilespmem:$0x1FD80] =	vst v0;
	v0 =	vld.idx.msk [tilespmem:v1+s19+$0x0], $0xffff  }
0xdc: {  	v48 =	vld.idx.msk [tilespmem:v16+s18+$0x0], $0xffff  }
0xdd: {  	v54 =	vld.idx.msk [tilespmem:v16+s23+$0x0], $0xffff  }
0xde: {  	v55 =	vld.idx.msk [tilespmem:v14+s23+$0x0], $0xffff  }
0xdf: {  	v56 =	vld.idx.msk [tilespmem:v16+s20+$0x0], $0xffff  }
0xe0: {  	[tilespmem:$0x1FD20] =	vst v0;
	v0 =	vld.idx.msk [tilespmem:v5+s19+$0x0], $0xffff  }
0xe1: {  	v57 =	vld.idx.msk [tilespmem:v13+s23+$0x0], $0xffff  }
0xe2: {  	v58 =	vld.idx.msk [tilespmem:v14+s20+$0x0], $0xffff  }
0xe3: {  	v59 =	vld.idx.msk [tilespmem:v12+s23+$0x0], $0xffff  }
0xe4: {  	v60 =	vld.idx.msk [tilespmem:v13+s20+$0x0], $0xffff  }
0xe5: {  	[tilespmem:$0x1FD00] =	vst v0;
	v0 =	vld.idx.msk [tilespmem:v1+s18+$0x0], $0xffff  }
0xe6: {  	v61 =	vld.idx.msk [tilespmem:v11+s23+$0x0], $0xffff  }
0xe7: {  	v62 =	vld.idx.msk [tilespmem:v12+s20+$0x0], $0xffff  }
0xe8: {  	v63 =	vld.idx.msk [tilespmem:v10+s23+$0x0], $0xffff  }
0xe9: {  	v3 =	vld.idx.msk [tilespmem:v11+s20+$0x0], $0xffff  }
0xea: {  	[tilespmem:$0x1FD10] =	vst v0;
	v0 =	vld.idx.msk [tilespmem:v2+s19+$0x0], $0xffff  }
0xeb: {  	v12 =	vld.idx.msk [tilespmem:v9+s23+$0x0], $0xffff  }
0xec: {  	v14 =	vld.idx.msk [tilespmem:v8+s23+$0x0], $0xffff  }
0xed: {  	v15 =	vld.idx.msk [tilespmem:v8+s20+$0x0], $0xffff  }
0xee: {  	v4 =	vor.u32 $0x1F, v26;
	v25 =	vld.idx.msk [tilespmem:v2+s23+$0x0], $0xffff  }
0xef: {  	[tilespmem:$0x1FCE0] =	vst v0;
	v0 =	vld.idx.msk [tilespmem:v5+s18+$0x0], $0xffff  }
0xf0: {  	v47 =	vld.idx.msk [tilespmem:v5+s23+$0x0], $0xffff  }
0xf1: {  	v49 =	vld.idx.msk [tilespmem:v2+s20+$0x0], $0xffff  }
0xf2: {  	v43 =	vld.idx.msk [tilespmem:v1+s23+$0x0], $0xffff  }
0xf3: {  	v8 =	vor.u32 $0x1D, v26;
	v16 =	vld.idx.msk [tilespmem:v4+s18+$0x0], $0xffff  }
0xf4: {  	[tilespmem:$0x1FCF0] =	vst v0;
	v0 =	vld.idx.msk [tilespmem:v6+s19+$0x0], $0xffff  }
0xf5: {  	v45 =	vld.idx.msk [tilespmem:v5+s20+$0x0], $0xffff  }
0xf6: {  	v40 =	vld.idx.msk [tilespmem:v1+s20+$0x0], $0xffff  }
0xf7: {  	v28 =	vld.idx.msk [tilespmem:v20+s18+$0x0], $0xffff  }
0xf8: {  	s0 =	simm.s32 $0xC00;
	[tilespmem:$0x1FD90] =	vst v16;
	v16 =	vld.idx.msk [tilespmem:v8+s19+$0x0], $0xffff  }
0xf9: {  	s12 =	simm.s32 $0xE00;
	[tilespmem:$0x1FCD0] =	vst v0;
	v0 =	vld [tilespmem:s0+$0x0]  }
0xfa: {  	v1 =	vld [tilespmem:s12+$0x0]  }
0xfb: {  	v11 =	vor.u32 $0x1C, v26;
	v5 =	vld.idx.msk [tilespmem:v26+s19+$0x0], $0xffff  }
0xfc: {  	v2 =	vld.idx.msk [tilespmem:v26+s20+$0x0], $0xffff  }
0xfd: {  	v10 =	vld.idx.msk [tilespmem:v10+s20+$0x0], $0xffff  }
0xfe: {  	v9 =	vld.idx.msk [tilespmem:v9+s20+$0x0], $0xffff;
	v39 =	vmul.f32 v39, v0  }
0xff: {  	v19 =	vld.idx.msk [tilespmem:v7+s23+$0x0], $0xffff;
	v13 =	vor.u32 $0x1B, v26;
	[tilespmem:$0x1FD60] =	vst v16;
	v16 =	vor.u32 $0x1A, v26;
	v44 =	vmul.f32 v44, v1  }
0x100: {  	v17 =	vmul.f32 v17, v1;
	v5 =	vadd.f32 v39, v5;
	v39 =	vmul.f32 v21, v0;
	v21 =	vld.idx.msk [tilespmem:v11+s19+$0x0], $0xffff  }
0x101: {  	v24 =	vld.idx.msk [tilespmem:v6+s23+$0x0], $0xffff;
	[tilespmem:$0x1FD70] =	vst v28;
	v54 =	vmul.f32 v54, v1;
	v2 =	vadd.f32 v44, v2  }
0x102: {  	v28 =	vld.idx.msk [tilespmem:v8+s18+$0x0], $0xffff;
	v34 =	vadd.f32 v17, v34;
	v48 =	vmul.f32 v48, v0;
	v39 =	vadd.f32 v39, v27  }
0x103: {  	v7 =	vld.idx.msk [tilespmem:v7+s20+$0x0], $0xffff;
	v30 =	vmul.f32 v30, v0;
	v2 =	vmul.f32 v2, v5  }
0x104: {  	v44 =	vadd.f32 v48, v18;
	v27 =	vld.idx.msk [tilespmem:v13+s19+$0x0], $0xffff;
	v39 =	vmul.f32 v34, v39;
	v34 =	vor.u32 $0x17, v26  }
0x105: {  	v17 =	vld.idx.msk [tilespmem:v16+s19+$0x0], $0xffff;
	v48 =	vadd.f32 v54, v56;
	v2 =	vadd.f32 $0.0e+00, v2;
	[tilespmem:$0x1FD40] =	vst v21;
	v21 =	vor.u32 $0x19, v26  }
0x106: {  	v6 =	vld.idx.msk [tilespmem:v6+s20+$0x0], $0xffff;
	v54 =	vadd.f32 v30, v22;
	v30 =	vmul.f32 v55, v1;
	v55 =	vmul.f32 v23, v0  }
0x107: {  	[tilespmem:$0x1FD50] =	vst v28;
	v57 =	vmul.f32 v57, v1;
	v28 =	vld [tilespmem:$0x1FCD0];
	v44 =	vmul.f32 v48, v44;
	v2 =	vadd.f32 v39, v2  }
0x108: {  	v23 =	vld.idx.msk [tilespmem:v16+s18+$0x0], $0xffff;
	v56 =	vadd.f32 v30, v58;
	v55 =	vadd.f32 v55, v31;
	v58 =	vmul.f32 v35, v0  }
0x109: {  	v39 =	vor.u32 $0x16, v26;
	[tilespmem:$0x1FD30] =	vst v27;
	v27 =	vor.u32 $0x18, v26;
	v2 =	vadd.f32 v44, v2;
	v35 =	vld.idx.msk [tilespmem:v34+s19+$0x0], $0xffff  }
0x10a: {  	v44 =	vmul.f32 v56, v54;
	v54 =	vadd.f32 v57, v60;
	v60 =	vmul.f32 v59, v1;
	v22 =	vld.idx.msk [tilespmem:v21+s19+$0x0], $0xffff  }
0x10b: {  	v48 =	vor.u32 $0x15, v26;
	v59 =	vmul.f32 v61, v1;
	v61 =	vmul.f32 v63, v1;
	v31 =	vld.idx.msk [tilespmem:v21+s18+$0x0], $0xffff  }
0x10c: {  	v56 =	vadd.f32 v58, v37;
	v2 =	vadd.f32 v44, v2;
	v54 =	vmul.f32 v54, v55;
	v44 =	vld.idx.msk [tilespmem:v34+s18+$0x0], $0xffff  }
0x10d: {  	v55 =	vmul.f32 v41, v0;
	v57 =	vadd.f32 v60, v62;
	v10 =	vadd.f32 v61, v10;
	v61 =	vld [tilespmem:$0x1FD20]  }
0x10e: {  	v53 =	vmul.f32 v53, v0;
	v58 =	vor.u32 $0x14, v26;
	v3 =	vadd.f32 v59, v3;
	v41 =	vld.idx.msk [tilespmem:v39+s19+$0x0], $0xffff  }
0x10f: {  	v30 =	vld.idx.msk [tilespmem:v27+s19+$0x0], $0xffff;
	v52 =	vadd.f32 v55, v52;
	v2 =	vadd.f32 v54, v2;
	v62 =	vmul.f32 v57, v56  }
0x110: {  	v12 =	vmul.f32 v12, v1;
	v50 =	vadd.f32 v53, v50;
	v37 =	vld.idx.msk [tilespmem:v27+s18+$0x0], $0xffff  }
0x111: {  	v60 =	vor.u32 $0x13, v26;
	v54 =	vld.idx.msk [tilespmem:v48+s19+$0x0], $0xffff;
	v2 =	vadd.f32 v62, v2;
	v3 =	vmul.f32 v3, v52  }
0x112: {  	v19 =	vmul.f32 v19, v1;
	v9 =	vadd.f32 v12, v9;
	v56 =	vor.u32 $0x12, v26;
	v57 =	vld.idx.msk [tilespmem:v39+s18+$0x0], $0xffff  }
0x113: {  	v12 =	vmul.f32 v14, v1;
	v55 =	vld.idx.msk [tilespmem:v48+s18+$0x0], $0xffff;
	v10 =	vmul.f32 v10, v50;
	v2 =	vadd.f32 v3, v2  }
0x114: {  	v7 =	vadd.f32 v19, v7;
	v51 =	vmul.f32 v51, v0;
	v59 =	vld.idx.msk [tilespmem:v58+s19+$0x0], $0xffff  }
0x115: {  	v53 =	vld.idx.msk [tilespmem:v58+s18+$0x0], $0xffff;
	v2 =	vadd.f32 v10, v2;
	v10 =	vadd.f32 v12, v15;
	v15 =	vmul.f32 v36, v0  }
0x116: {  	v46 =	vadd.f32 v51, v46;
	v52 =	vor.u32 $0x11, v26;
	v51 =	vld.idx.msk [tilespmem:v60+s19+$0x0], $0xffff;
	v3 =	vmul.f32 v42, v0  }
0x117: {  	v62 =	vor.u32 $0x10, v26;
	v26 =	vor.u32 $0xF, v26;
	v14 =	vld.idx.msk [tilespmem:v56+s19+$0x0], $0xffff;
	v15 =	vadd.f32 v15, v32  }
0x118: {  	v9 =	vmul.f32 v9, v46;
	v3 =	vadd.f32 v3, v38;
	v38 =	vld.idx.msk [tilespmem:v60+s18+$0x0], $0xffff  }
0x119: {  	v7 =	vmul.f32 v7, v15;
	v15 =	vmul.f32 v25, v1;
	v25 =	vld [tilespmem:$0x1FCE0]  }
0x11a: {  	v19 =	vmul.f32 v24, v1;
	v36 =	vld.idx.msk [tilespmem:v56+s18+$0x0], $0xffff;
	v2 =	vadd.f32 v9, v2;
	v3 =	vmul.f32 v10, v3  }
0x11b: {  	v12 =	vld.idx.msk [tilespmem:v52+s19+$0x0], $0xffff;
	v9 =	vmul.f32 v33, v0  }
0x11c: {  	v6 =	vadd.f32 v19, v6;
	v19 =	vld.idx.msk [tilespmem:v26+s18+$0x0], $0xffff;
	v2 =	vadd.f32 v3, v2;
	v3 =	vmul.f32 v29, v0  }
0x11d: {  	v9 =	vadd.f32 v9, v28;
	v28 =	vld.idx.msk [tilespmem:v26+s19+$0x0], $0xffff  }
0x11e: {  	v3 =	vadd.f32 v3, v25;
	v25 =	vld [tilespmem:$0x1FCF0]  }
0x11f: {  	v29 =	vld.idx.msk [tilespmem:v26+s23+$0x0], $0xffff;
	v2 =	vadd.f32 v7, v2;
	v6 =	vmul.f32 v6, v9  }
0x120: {  	v7 =	vadd.f32 v15, v49;
	v15 =	vld [tilespmem:$0x1FD00]  }
0x121: {  	v2 =	vadd.f32 v6, v2;
	v6 =	vld.idx.msk [tilespmem:v26+s20+$0x0], $0xffff  }
0x122: {  	v26 =	vld [tilespmem:$0x1FD10]  }
0x123: {  	v24 =	vld.idx.msk [tilespmem:v52+s18+$0x0], $0xffff;
	v25 =	vmul.f32 v25, v0  }
0x124: {  	v63 =	vld.idx.msk [tilespmem:v62+s23+$0x0], $0xffff  }
0x125: {  	v9 =	vld.idx.msk [tilespmem:v62+s18+$0x0], $0xffff;
	v15 =	vadd.f32 v25, v15;
	v25 =	vmul.f32 v47, v1  }
0x126: {  	v50 =	vld.idx.msk [tilespmem:v52+s23+$0x0], $0xffff;
	v7 =	vmul.f32 v7, v3  }
0x127: {  	v10 =	vld.idx.msk [tilespmem:v62+s19+$0x0], $0xffff;
	v49 =	vmul.f32 v43, v1;
	v26 =	vmul.f32 v26, v0;
	v25 =	vadd.f32 v25, v45  }
0x128: {  	v42 =	vld.idx.msk [tilespmem:v62+s20+$0x0], $0xffff;
	v19 =	vmul.f32 v19, v0;
	v29 =	vmul.f32 v29, v1;
	v2 =	vadd.f32 v7, v2  }
0x129: {  	v62 =	vld.idx.msk [tilespmem:v56+s23+$0x0], $0xffff;
	v26 =	vadd.f32 v26, v61;
	v7 =	vmul.f32 v25, v15;
	v15 =	vadd.f32 v49, v40  }
0x12a: {  	v19 =	vadd.f32 v19, v28;
	v28 =	vmul.f32 v63, v1;
	v9 =	vmul.f32 v9, v0;
	v25 =	vld.idx.msk [tilespmem:v52+s20+$0x0], $0xffff  }
0x12b: {  	v63 =	vld.idx.msk [tilespmem:v60+s23+$0x0], $0xffff;
	v6 =	vadd.f32 v29, v6;
	v2 =	vadd.f32 v7, v2;
	v7 =	vmul.f32 v15, v26  }
0x12c: {  	v9 =	vadd.f32 v9, v10;
	v10 =	vmul.f32 v24, v0;
	v24 =	vmul.f32 v50, v1;
	v15 =	vld.idx.msk [tilespmem:v56+s20+$0x0], $0xffff  }
0x12d: {  	v6 =	vmul.f32 v6, v19;
	v26 =	vld.idx.msk [tilespmem:v58+s23+$0x0], $0xffff;
	v2 =	vadd.f32 v7, v2;
	v7 =	vadd.f32 v28, v42  }
0x12e: {  	v19 =	vld.idx.msk [tilespmem:v60+s20+$0x0], $0xffff;
	v10 =	vadd.f32 v10, v12;
	v12 =	vmul.f32 v36, v0;
	v28 =	vmul.f32 v62, v1  }
0x12f: {  	v29 =	vld.idx.msk [tilespmem:v48+s23+$0x0], $0xffff;
	v2 =	vadd.f32 v6, v2;
	v6 =	vmul.f32 v7, v9;
	v7 =	vadd.f32 v24, v25  }
0x130: {  	v12 =	vadd.f32 v12, v14;
	v14 =	vmul.f32 v38, v0;
	v9 =	vld.idx.msk [tilespmem:v58+s20+$0x0], $0xffff;
	v24 =	vmul.f32 v63, v1  }
0x131: {  	v25 =	vld.idx.msk [tilespmem:v39+s23+$0x0], $0xffff;
	v2 =	vadd.f32 v6, v2;
	v6 =	vmul.f32 v7, v10;
	v7 =	vadd.f32 v28, v15  }
0x132: {  	v14 =	vadd.f32 v14, v51;
	v26 =	vmul.f32 v26, v1;
	v10 =	vld.idx.msk [tilespmem:v48+s20+$0x0], $0xffff;
	v15 =	vmul.f32 v53, v0  }
0x133: {  	v28 =	vld.idx.msk [tilespmem:v34+s23+$0x0], $0xffff;
	v2 =	vadd.f32 v6, v2;
	v6 =	vmul.f32 v7, v12;
	v7 =	vadd.f32 v24, v19  }
0x134: {  	v12 =	vld.idx.msk [tilespmem:v39+s20+$0x0], $0xffff;
	v15 =	vadd.f32 v15, v59;
	v19 =	vmul.f32 v55, v0;
	v24 =	vmul.f32 v29, v1  }
0x135: {  	v29 =	vld.idx.msk [tilespmem:v27+s23+$0x0], $0xffff;
	v2 =	vadd.f32 v6, v2;
	v6 =	vmul.f32 v7, v14;
	v7 =	vadd.f32 v26, v9  }
0x136: {  	v25 =	vmul.f32 v25, v1;
	v9 =	vld.idx.msk [tilespmem:v34+s20+$0x0], $0xffff;
	v14 =	vadd.f32 v19, v54;
	v19 =	vmul.f32 v57, v0  }
0x137: {  	v26 =	vld.idx.msk [tilespmem:v21+s23+$0x0], $0xffff;
	v2 =	vadd.f32 v6, v2;
	v6 =	vmul.f32 v7, v15;
	v7 =	vadd.f32 v24, v10  }
0x138: {  	v10 =	vld.idx.msk [tilespmem:v27+s20+$0x0], $0xffff;
	v15 =	vadd.f32 v19, v41;
	v19 =	vmul.f32 v44, v0;
	v24 =	vmul.f32 v28, v1  }
0x139: {  	v27 =	vld.idx.msk [tilespmem:v16+s23+$0x0], $0xffff;
	v2 =	vadd.f32 v6, v2;
	v6 =	vmul.f32 v7, v14;
	v7 =	vadd.f32 v25, v12  }
0x13a: {  	v12 =	vld.idx.msk [tilespmem:v21+s20+$0x0], $0xffff;
	v14 =	vadd.f32 v19, v35;
	v19 =	vmul.f32 v37, v0;
	v21 =	vmul.f32 v29, v1  }
0x13b: {  	v18 =	vld.idx.msk [tilespmem:v13+s18+$0x0], $0xffff;
	v2 =	vadd.f32 v6, v2;
	v6 =	vmul.f32 v7, v15;
	v7 =	vadd.f32 v24, v9  }
0x13c: {  	v9 =	vld.idx.msk [tilespmem:v16+s20+$0x0], $0xffff;
	v15 =	vadd.f32 v19, v30;
	v16 =	vmul.f32 v31, v0;
	v19 =	vmul.f32 v26, v1  }
0x13d: {  	v25 =	vld.idx.msk [tilespmem:v13+s23+$0x0], $0xffff;
	v2 =	vadd.f32 v6, v2;
	v6 =	vmul.f32 v7, v14;
	v7 =	vadd.f32 v21, v10  }
0x13e: {  	v10 =	vld.idx.msk [tilespmem:v13+s20+$0x0], $0xffff;
	v13 =	vadd.f32 v16, v22;
	v14 =	vmul.f32 v23, v0;
	v16 =	vmul.f32 v27, v1  }
0x13f: {  	v2 =	vadd.f32 v6, v2;
	v6 =	vmul.f32 v7, v15;
	v7 =	vadd.f32 v19, v12  }
0x140: {  	v12 =	vadd.f32 v14, v17  }
0x141: {  	v5 =	vld.idx.msk [tilespmem:v11+s18+$0x0], $0xffff;
	v2 =	vadd.f32 v6, v2;
	v6 =	vmul.f32 v7, v13;
	v7 =	vadd.f32 v16, v9  }
0x142: {  	v9 =	vld [tilespmem:$0x1FD30]  }
0x143: {  	v2 =	vadd.f32 v6, v2;
	v6 =	vmul.f32 v7, v12;
	v12 =	vld [tilespmem:$0x1FD40];
	_ =	sdelay $0x1  }
0x144: {  	v24 =	vld.idx.msk [tilespmem:v11+s23+$0x0], $0xffff;
	v15 =	vmul.f32 v25, v1  }
0x145: {  	v5 =	vmul.f32 v5, v0;
	v11 =	vld.idx.msk [tilespmem:v11+s20+$0x0], $0xffff;
	v14 =	vmul.f32 v18, v0  }
0x146: {  	v21 =	vld.idx.msk [tilespmem:v8+s23+$0x0], $0xffff;
	v7 =	vadd.f32 v15, v10  }
0x147: {  	v9 =	vadd.f32 v14, v9;
	v5 =	vadd.f32 v5, v12;
	v12 =	vld [tilespmem:$0x1FD50]  }
0x148: {  	v8 =	vld.idx.msk [tilespmem:v8+s20+$0x0], $0xffff  }
0x149: {  	v2 =	vadd.f32 v6, v2;
	v6 =	vmul.f32 v7, v9;
	v9 =	vld [tilespmem:$0x1FD60]  }
0x14a: {  	v17 =	vld.idx.msk [tilespmem:v20+s23+$0x0], $0xffff;
	v13 =	vmul.f32 v24, v1  }
0x14b: {  	v10 =	vld.idx.msk [tilespmem:v20+s20+$0x0], $0xffff  }
0x14c: {  	v15 =	vmul.f32 v21, v1;
	v7 =	vadd.f32 v13, v11;
	v11 =	vld [tilespmem:$0x1FD70];
	v12 =	vmul.f32 v12, v0  }
0x14d: {  	v14 =	vld.idx.msk [tilespmem:v4+s23+$0x0], $0xffff;
	v2 =	vadd.f32 v6, v2  }
0x14e: {  	v5 =	vmul.f32 v7, v5;
	v6 =	vadd.f32 v15, v8;
	v7 =	vld [tilespmem:$0x1FD80];
	v9 =	vadd.f32 v12, v9  }
0x14f: {  	v8 =	vld [tilespmem:$0x1FD90]  }
0x150: {  	v16 =	vld.idx.msk [tilespmem:v4+s19+$0x0], $0xffff;
	v2 =	vadd.f32 v5, v2;
	v5 =	vmul.f32 v6, v9  }
0x151: {  	v4 =	vld.idx.msk [tilespmem:v4+s20+$0x0], $0xffff;
	v11 =	vmul.f32 v11, v0  }
0x152: {  	s25 =	simm.s32 $0x10;
	v12 =	vmul.f32 v17, v1;
	v5 =	vadd.f32 v5, v2;
	v2 =	vld [tilespmem:$0x1FFF0]  }
0x153: {  	v3 =	vmov s25;
	v7 =	vadd.f32 v11, v7  }
0x154: {  	v0 =	vmul.f32 v8, v0;
	v1 =	vmul.f32 v14, v1;
	v6 =	vadd.f32 v12, v10  }
0x155: {  	v3 =	vshll.u32 v3, $0x5  }
0x156: {  	v0 =	vadd.f32 v0, v16;
	v1 =	vadd.f32 v1, v4;
	v7 =	vmul.f32 v6, v7  }
0x157: {  	v2 =	vor.u32 v2, v3  }
0x158: {  	v0 =	vmul.f32 v1, v0;
	v4 =	vadd.f32 v7, v5;
	v52 =	vor.u32 $0x1F, v2;
	_ =	sdelay $0x1  }
0x159: {  	v0 =	vadd.f32 v0, v4  }
0x15a: {  	s2 =	simm.s32 $0x11000  }
0x15b: {  	[tilespmem:s2+$0x0] =	vst v0  }
0x15c: {  	v1 =	vor.u32 $0x1D, v2;
	v0 =	vld.idx.msk [tilespmem:v52+s18+$0x0], $0xffff;
	_ =	sdelay $0x4  }
0x15d: {  	v3 =	vor.u32 $0x1E, v2;
	[tilespmem:$0x1FDA0] =	vst v0;
	v0 =	vld.idx.msk [tilespmem:v1+s19+$0x0], $0xffff;
	_ =	sdelay $0x4  }
0x15e: {  	v4 =	vor.u32 $0x1C, v2;
	[tilespmem:$0x1FDB0] =	vst v0;
	v0 =	vld.idx.msk [tilespmem:v3+s18+$0x0], $0xffff;
	_ =	sdelay $0x4  }
0x15f: {  	[tilespmem:$0x1FDD0] =	vst v0;
	v0 =	vld.idx.msk [tilespmem:v4+s19+$0x0], $0xffff;
	_ =	sdelay $0x4  }
0x160: {  	v5 =	vor.u32 $0x1B, v2;
	[tilespmem:$0x1FDE0] =	vst v0;
	v0 =	vld.idx.msk [tilespmem:v1+s18+$0x0], $0xffff;
	_ =	sdelay $0x4  }
0x161: {  	[tilespmem:$0x1FE00] =	vst v0;
	v0 =	vld.idx.msk [tilespmem:v5+s19+$0x0], $0xffff;
	_ =	sdelay $0x4  }
0x162: {  	v18 =	vor.u32 $0x1A, v2;
	[tilespmem:$0x1FE10] =	vst v0;
	v0 =	vld.idx.msk [tilespmem:v4+s18+$0x0], $0xffff;
	_ =	sdelay $0x4  }
0x163: {  	[tilespmem:$0x1FE30] =	vst v0;
	v0 =	vld.idx.msk [tilespmem:v18+s19+$0x0], $0xffff;
	_ =	sdelay $0x4  }
0x164: {  	v21 =	vor.u32 $0x19, v2;
	[tilespmem:$0x1FE40] =	vst v0;
	v0 =	vld.idx.msk [tilespmem:v5+s18+$0x0], $0xffff;
	_ =	sdelay $0x4  }
0x165: {  	[tilespmem:$0x1FE60] =	vst v0;
	v0 =	vld.idx.msk [tilespmem:v21+s19+$0x0], $0xffff;
	_ =	sdelay $0x4  }
0x166: {  	v24 =	vor.u32 $0x18, v2;
	[tilespmem:$0x1FE70] =	vst v0;
	v0 =	vld.idx.msk [tilespmem:v18+s18+$0x0], $0xffff;
	_ =	sdelay $0x4  }
0x167: {  	[tilespmem:$0x1FE80] =	vst v0;
	v0 =	vld.idx.msk [tilespmem:v24+s19+$0x0], $0xffff;
	_ =	sdelay $0x4  }
0x168: {  	v27 =	vor.u32 $0x17, v2;
	[tilespmem:$0x1FE90] =	vst v0;
	v0 =	vld.idx.msk [tilespmem:v21+s18+$0x0], $0xffff;
	_ =	sdelay $0x4  }
0x169: {  	[tilespmem:$0x1FEA0] =	vst v0;
	v0 =	vld.idx.msk [tilespmem:v27+s19+$0x0], $0xffff;
	_ =	sdelay $0x4  }
0x16a: {  	v30 =	vor.u32 $0x16, v2;
	[tilespmem:$0x1FEB0] =	vst v0;
	v0 =	vld.idx.msk [tilespmem:v24+s18+$0x0], $0xffff;
	_ =	sdelay $0x4  }
0x16b: {  	[tilespmem:$0x1FEC0] =	vst v0;
	v0 =	vld.idx.msk [tilespmem:v30+s19+$0x0], $0xffff;
	_ =	sdelay $0x4  }
0x16c: {  	v33 =	vor.u32 $0x15, v2;
	[tilespmem:$0x1FED0] =	vst v0;
	v0 =	vld.idx.msk [tilespmem:v27+s18+$0x0], $0xffff;
	_ =	sdelay $0x4  }
0x16d: {  	[tilespmem:$0x1FEE0] =	vst v0;
	v0 =	vld.idx.msk [tilespmem:v33+s19+$0x0], $0xffff;
	_ =	sdelay $0x4  }
0x16e: {  	v36 =	vor.u32 $0x14, v2;
	[tilespmem:$0x1FEF0] =	vst v0;
	v0 =	vld.idx.msk [tilespmem:v30+s18+$0x0], $0xffff;
	_ =	sdelay $0x4  }
0x16f: {  	[tilespmem:$0x1FF00] =	vst v0;
	v0 =	vld.idx.msk [tilespmem:v36+s19+$0x0], $0xffff;
	_ =	sdelay $0x4  }
0x170: {  	v39 =	vor.u32 $0x13, v2;
	[tilespmem:$0x1FF10] =	vst v0;
	v0 =	vld.idx.msk [tilespmem:v33+s18+$0x0], $0xffff;
	_ =	sdelay $0x4  }
0x171: {  	[tilespmem:$0x1FF20] =	vst v0;
	v0 =	vld.idx.msk [tilespmem:v39+s19+$0x0], $0xffff;
	_ =	sdelay $0x4  }
0x172: {  	v42 =	vor.u32 $0x12, v2;
	[tilespmem:$0x1FF30] =	vst v0;
	v0 =	vld.idx.msk [tilespmem:v36+s18+$0x0], $0xffff;
	_ =	sdelay $0x4  }
0x173: {  	[tilespmem:$0x1FF40] =	vst v0;
	v0 =	vld.idx.msk [tilespmem:v42+s19+$0x0], $0xffff;
	_ =	sdelay $0x4  }
0x174: {  	v45 =	vor.u32 $0x11, v2;
	[tilespmem:$0x1FF50] =	vst v0;
	v0 =	vld.idx.msk [tilespmem:v39+s18+$0x0], $0xffff;
	_ =	sdelay $0x4  }
0x175: {  	[tilespmem:$0x1FF60] =	vst v0;
	v0 =	vld.idx.msk [tilespmem:v45+s19+$0x0], $0xffff;
	_ =	sdelay $0x4  }
0x176: {  	v48 =	vor.u32 $0x10, v2;
	[tilespmem:$0x1FF70] =	vst v0;
	v0 =	vld.idx.msk [tilespmem:v42+s18+$0x0], $0xffff;
	_ =	sdelay $0x1  }
0x177: {  	v57 =	vor.u32 $0xD, v2  }
0x178: {  	v54 =	vor.u32 $0xE, v2  }
0x179: {  	v60 =	vor.u32 $0xC, v2  }
0x17a: {  	[tilespmem:$0x1FF80] =	vst v0;
	v0 =	vld.idx.msk [tilespmem:v48+s19+$0x0], $0xffff  }
0x17b: {  	v53 =	vld.idx.msk [tilespmem:v3+s19+$0x0], $0xffff  }
0x17c: {  	v55 =	vld.idx.msk [tilespmem:v57+s19+$0x0], $0xffff  }
0x17d: {  	v11 =	vor.u32 $0x9, v2;
	v56 =	vld.idx.msk [tilespmem:v54+s18+$0x0], $0xffff  }
0x17e: {  	v7 =	vor.u32 $0xA, v2;
	v59 =	vld.idx.msk [tilespmem:v60+s19+$0x0], $0xffff  }
0x17f: {  	v51 =	vor.u32 $0xF, v2;
	[tilespmem:$0x1FF90] =	vst v0;
	v0 =	vld.idx.msk [tilespmem:v45+s18+$0x0], $0xffff  }
0x180: {  	v16 =	vor.u32 $0x8, v2;
	v58 =	vld.idx.msk [tilespmem:v57+s18+$0x0], $0xffff  }
0x181: {  	v62 =	vld.idx.msk [tilespmem:v60+s18+$0x0], $0xffff  }
0x182: {  	v20 =	vor.u32 $0x7, v2;
	v10 =	vld.idx.msk [tilespmem:v11+s19+$0x0], $0xffff  }
0x183: {  	v8 =	vld.idx.msk [tilespmem:v7+s18+$0x0], $0xffff  }
0x184: {  	[tilespmem:$0x1FFA0] =	vst v0;
	v0 =	vld.idx.msk [tilespmem:v51+s19+$0x0], $0xffff  }
0x185: {  	v25 =	vor.u32 $0x6, v2;
	v13 =	vld.idx.msk [tilespmem:v16+s19+$0x0], $0xffff  }
0x186: {  	v14 =	vld.idx.msk [tilespmem:v11+s18+$0x0], $0xffff  }
0x187: {  	v28 =	vor.u32 $0x5, v2;
	v17 =	vld.idx.msk [tilespmem:v20+s19+$0x0], $0xffff  }
0x188: {  	v32 =	vor.u32 $0x4, v2;
	v19 =	vld.idx.msk [tilespmem:v16+s18+$0x0], $0xffff  }
0x189: {  	[tilespmem:$0x1FFB0] =	vst v0;
	v0 =	vld.idx.msk [tilespmem:v48+s18+$0x0], $0xffff  }
0x18a: {  	v23 =	vld.idx.msk [tilespmem:v25+s19+$0x0], $0xffff  }
0x18b: {  	v37 =	vor.u32 $0x3, v2;
	v22 =	vld.idx.msk [tilespmem:v20+s18+$0x0], $0xffff  }
0x18c: {  	v26 =	vld.idx.msk [tilespmem:v28+s19+$0x0], $0xffff  }
0x18d: {  	v29 =	vld.idx.msk [tilespmem:v32+s19+$0x0], $0xffff  }
0x18e: {  	v41 =	vor.u32 $0x2, v2;
	[tilespmem:$0x1FFC0] =	vst v0;
	v0 =	vld.idx.msk [tilespmem:v54+s19+$0x0], $0xffff  }
0x18f: {  	v31 =	vld.idx.msk [tilespmem:v28+s18+$0x0], $0xffff  }
0x190: {  	v44 =	vor.u32 $0x1, v2;
	v35 =	vld.idx.msk [tilespmem:v37+s19+$0x0], $0xffff  }
0x191: {  	[tilespmem:$0x1FDF0] =	vst v1;
	v1 =	vld.idx.msk [tilespmem:v51+s18+$0x0], $0xffff  }
0x192: {  	v34 =	vld.idx.msk [tilespmem:v32+s18+$0x0], $0xffff  }
0x193: {  	v40 =	vld.idx.msk [tilespmem:v41+s19+$0x0], $0xffff;
	[tilespmem:$0x1FFD0] =	vst v0;
	v0 =	vor.u32 $0xB, v2  }
0x194: {  	v38 =	vld.idx.msk [tilespmem:v37+s18+$0x0], $0xffff  }
0x195: {  	v43 =	vld.idx.msk [tilespmem:v44+s19+$0x0], $0xffff  }
0x196: {  	[tilespmem:$0x1FFE0] =	vst v1;
	v1 =	vld.idx.msk [tilespmem:v7+s19+$0x0], $0xffff  }
0x197: {  	[tilespmem:$0x1FE50] =	vst v5;
	v5 =	vld.idx.msk [tilespmem:v25+s18+$0x0], $0xffff  }
0x198: {  	[tilespmem:$0x1FDC0] =	vst v3;
	v61 =	vld.idx.msk [tilespmem:v0+s19+$0x0], $0xffff  }
0x199: {  	s3 =	simm.s32 $0x20;
	[tilespmem:$0x1FE20] =	vst v4;
	v4 =	vld.idx.msk [tilespmem:v0+s18+$0x0], $0xffff  }
.LBB2_5:
0x19a: {  	v46 =	vld.idx.msk [tilespmem:v44+s20+$0x0], $0xffff  }
0x19b: {  	v3 =	vld.idx.msk [tilespmem:v2+s19+$0x0], $0xffff  }
0x19c: {  	v47 =	vld.idx.msk [tilespmem:v2+s20+$0x0], $0xffff  }
0x19d: {  	v9 =	vld.idx.msk [tilespmem:v2+s18+$0x0], $0xffff  }
0x19e: {  	v49 =	vld.idx.msk [tilespmem:v2+s23+$0x0], $0xffff;
	s0 =	sadd.s32 $0x10, s0  }
0x19f: {  	s12 =	sadd.s32 $0x10, s12;
	v63 =	vld [tilespmem:s0+$0x0]  }
0x1a0: {  	v2 =	vld [tilespmem:s12+$0x0]  }
0x1a1: {  	v6 =	vld.idx.msk [tilespmem:v44+s18+$0x0], $0xffff  }
0x1a2: {  	v44 =	vld.idx.msk [tilespmem:v44+s23+$0x0], $0xffff  }
0x1a3: {  	v50 =	vld.idx.msk [tilespmem:v41+s18+$0x0], $0xffff  }
0x1a4: {  	v12 =	vld.idx.msk [tilespmem:v41+s23+$0x0], $0xffff  }
0x1a5: {  	v15 =	vld.idx.msk [tilespmem:v37+s23+$0x0], $0xffff;
	v9 =	vmul.f32 v9, v63;
	v49 =	vmul.f32 v49, v2  }
0x1a6: {  	v41 =	vld.idx.msk [tilespmem:v41+s20+$0x0], $0xffff;
	[tilespmem:$0x1FCC0] =	vst v53;
	v53 =	vmov v52;
	v6 =	vmul.f32 v6, v63  }
0x1a7: {  	v52 =	vld.idx.msk [tilespmem:v32+s23+$0x0], $0xffff;
	v44 =	vmul.f32 v44, v2;
	v3 =	vadd.f32 v9, v3;
	v9 =	vadd.f32 v49, v47  }
0x1a8: {  	v37 =	vld.idx.msk [tilespmem:v37+s20+$0x0], $0xffff;
	v6 =	vadd.f32 v6, v43;
	v43 =	vmul.f32 v50, v63  }
0x1a9: {  	v12 =	vmul.f32 v12, v2;
	v47 =	vld.idx.msk [tilespmem:v28+s23+$0x0], $0xffff;
	v3 =	vmul.f32 v9, v3;
	v9 =	vadd.f32 v44, v46  }
0x1aa: {  	v32 =	vld.idx.msk [tilespmem:v32+s20+$0x0], $0xffff;
	v38 =	vmul.f32 v38, v63;
	v15 =	vmul.f32 v15, v2;
	v40 =	vadd.f32 v43, v40  }
0x1ab: {  	v43 =	vld.idx.msk [tilespmem:v25+s23+$0x0], $0xffff;
	v3 =	vadd.f32 $0.0e+00, v3;
	v6 =	vmul.f32 v9, v6;
	v9 =	vadd.f32 v12, v41  }
0x1ac: {  	v34 =	vmul.f32 v34, v63;
	v44 =	vmul.f32 v52, v2;
	v12 =	vld.idx.msk [tilespmem:v28+s20+$0x0], $0xffff;
	v28 =	vadd.f32 v38, v35  }
0x1ad: {  	v46 =	vld.idx.msk [tilespmem:v20+s23+$0x0], $0xffff;
	v3 =	vadd.f32 v6, v3;
	v6 =	vmul.f32 v9, v40;
	v9 =	vadd.f32 v15, v37  }
0x1ae: {  	v15 =	vld.idx.msk [tilespmem:v25+s20+$0x0], $0xffff;
	v25 =	vadd.f32 v34, v29;
	v29 =	vmul.f32 v31, v63;
	v31 =	vmul.f32 v47, v2  }
0x1af: {  	v52 =	vld.idx.msk [tilespmem:v16+s23+$0x0], $0xffff;
	v3 =	vadd.f32 v6, v3;
	v6 =	vmul.f32 v9, v28;
	v9 =	vadd.f32 v44, v32  }
0x1b0: {  	v5 =	vmul.f32 v5, v63;
	v20 =	vld.idx.msk [tilespmem:v20+s20+$0x0], $0xffff;
	v26 =	vadd.f32 v29, v26;
	v28 =	vmul.f32 v43, v2  }
0x1b1: {  	v29 =	vld.idx.msk [tilespmem:v11+s23+$0x0], $0xffff;
	v3 =	vadd.f32 v6, v3;
	v6 =	vmul.f32 v9, v25;
	v9 =	vadd.f32 v31, v12  }
0x1b2: {  	v5 =	vadd.f32 v5, v23;
	v12 =	vld.idx.msk [tilespmem:v16+s20+$0x0], $0xffff;
	v16 =	vmul.f32 v22, v63;
	v22 =	vmul.f32 v46, v2  }
0x1b3: {  	v23 =	vld.idx.msk [tilespmem:v7+s23+$0x0], $0xffff;
	v3 =	vadd.f32 v6, v3;
	v6 =	vmul.f32 v9, v26;
	v9 =	vadd.f32 v28, v15  }
0x1b4: {  	v11 =	vld.idx.msk [tilespmem:v11+s20+$0x0], $0xffff;
	v15 =	vadd.f32 v16, v17;
	v16 =	vmul.f32 v19, v63;
	v17 =	vmul.f32 v52, v2  }
0x1b5: {  	v19 =	vld.idx.msk [tilespmem:v0+s23+$0x0], $0xffff;
	v3 =	vadd.f32 v6, v3;
	v5 =	vmul.f32 v9, v5;
	v6 =	vadd.f32 v22, v20  }
0x1b6: {  	v7 =	vld.idx.msk [tilespmem:v7+s20+$0x0], $0xffff;
	v9 =	vadd.f32 v16, v13;
	v13 =	vmul.f32 v14, v63;
	v14 =	vmul.f32 v29, v2  }
0x1b7: {  	v0 =	vld.idx.msk [tilespmem:v0+s20+$0x0], $0xffff;
	v3 =	vadd.f32 v5, v3;
	v5 =	vmul.f32 v6, v15;
	v6 =	vadd.f32 v17, v12  }
0x1b8: {  	v8 =	vmul.f32 v8, v63;
	v16 =	vld.idx.msk [tilespmem:v60+s23+$0x0], $0xffff;
	v10 =	vadd.f32 v13, v10;
	v12 =	vmul.f32 v23, v2  }
0x1b9: {  	v13 =	vld.idx.msk [tilespmem:v57+s23+$0x0], $0xffff;
	v3 =	vadd.f32 v5, v3;
	v5 =	vmul.f32 v6, v9;
	v6 =	vadd.f32 v14, v11  }
0x1ba: {  	v4 =	vmul.f32 v4, v63;
	v1 =	vadd.f32 v8, v1;
	v8 =	vmul.f32 v19, v2;
	v9 =	vld.idx.msk [tilespmem:v60+s20+$0x0], $0xffff  }
0x1bb: {  	v3 =	vadd.f32 v5, v3;
	v5 =	vmul.f32 v6, v10;
	v6 =	vadd.f32 v12, v7  }
0x1bc: {  	v4 =	vadd.f32 v4, v61;
	v0 =	vadd.f32 v8, v0;
	v7 =	vld.idx.msk [tilespmem:v57+s20+$0x0], $0xffff;
	v10 =	vmul.f32 v62, v63  }
0x1bd: {  	v12 =	vmul.f32 v16, v2;
	v3 =	vadd.f32 v5, v3;
	v1 =	vmul.f32 v6, v1  }
0x1be: {  	v0 =	vmul.f32 v0, v4;
	v6 =	vadd.f32 v10, v59  }
0x1bf: {  	v10 =	vmul.f32 v13, v2;
	v1 =	vadd.f32 v1, v3;
	v3 =	vadd.f32 v12, v9;
	_ =	sdelay $0x1  }
0x1c0: {  	v0 =	vadd.f32 v0, v1;
	v1 =	vmul.f32 v3, v6;
	v3 =	vadd.f32 v10, v7;
	v7 =	vld [tilespmem:$0x1FFD0];
	_ =	sdelay $0x2  }
0x1c1: {  	v8 =	vmul.f32 v58, v63;
	v9 =	vmul.f32 v56, v63  }
0x1c2: {  	v11 =	vld.idx.msk [tilespmem:v54+s23+$0x0], $0xffff  }
0x1c3: {  	v8 =	vadd.f32 v8, v55;
	v7 =	vadd.f32 v9, v7;
	v9 =	vld [tilespmem:$0x1FFE0]  }
0x1c4: {  	v5 =	vld.idx.msk [tilespmem:v54+s20+$0x0], $0xffff  }
0x1c5: {  	v0 =	vadd.f32 v1, v0;
	v1 =	vmul.f32 v3, v8;
	v8 =	vld [tilespmem:$0x1FFB0];
	_ =	sdelay $0x2  }
0x1c6: {  	v11 =	vmul.f32 v11, v2;
	v9 =	vmul.f32 v9, v63  }
0x1c7: {  	v14 =	vld.idx.msk [tilespmem:v51+s23+$0x0], $0xffff  }
0x1c8: {  	v3 =	vadd.f32 v11, v5;
	v8 =	vadd.f32 v9, v8;
	v9 =	vld [tilespmem:$0x1FFC0]  }
0x1c9: {  	v4 =	vld.idx.msk [tilespmem:v51+s20+$0x0], $0xffff  }
0x1ca: {  	v0 =	vadd.f32 v1, v0;
	v1 =	vmul.f32 v3, v7;
	v7 =	vld [tilespmem:$0x1FF90];
	_ =	sdelay $0x2  }
0x1cb: {  	v10 =	vmul.f32 v14, v2;
	v9 =	vmul.f32 v9, v63  }
0x1cc: {  	v13 =	vld.idx.msk [tilespmem:v48+s23+$0x0], $0xffff  }
0x1cd: {  	v3 =	vadd.f32 v10, v4;
	v7 =	vadd.f32 v9, v7;
	v9 =	vld [tilespmem:$0x1FFA0]  }
0x1ce: {  	v6 =	vld.idx.msk [tilespmem:v48+s20+$0x0], $0xffff  }
0x1cf: {  	v0 =	vadd.f32 v1, v0;
	v1 =	vmul.f32 v3, v8;
	v8 =	vld [tilespmem:$0x1FF70];
	_ =	sdelay $0x2  }
0x1d0: {  	v11 =	vmul.f32 v13, v2;
	v9 =	vmul.f32 v9, v63  }
0x1d1: {  	v12 =	vld.idx.msk [tilespmem:v45+s23+$0x0], $0xffff  }
0x1d2: {  	v3 =	vadd.f32 v11, v6;
	v8 =	vadd.f32 v9, v8;
	v9 =	vld [tilespmem:$0x1FF80]  }
0x1d3: {  	v5 =	vld.idx.msk [tilespmem:v45+s20+$0x0], $0xffff  }
0x1d4: {  	v0 =	vadd.f32 v1, v0;
	v1 =	vmul.f32 v3, v7;
	v7 =	vld [tilespmem:$0x1FF50];
	_ =	sdelay $0x2  }
0x1d5: {  	v10 =	vmul.f32 v12, v2;
	v9 =	vmul.f32 v9, v63  }
0x1d6: {  	v14 =	vld.idx.msk [tilespmem:v42+s23+$0x0], $0xffff  }
0x1d7: {  	v3 =	vadd.f32 v10, v5;
	v7 =	vadd.f32 v9, v7;
	v9 =	vld [tilespmem:$0x1FF60]  }
0x1d8: {  	v4 =	vld.idx.msk [tilespmem:v42+s20+$0x0], $0xffff  }
0x1d9: {  	v0 =	vadd.f32 v1, v0;
	v1 =	vmul.f32 v3, v8;
	v8 =	vld [tilespmem:$0x1FF30];
	_ =	sdelay $0x2  }
0x1da: {  	v11 =	vmul.f32 v14, v2;
	v9 =	vmul.f32 v9, v63  }
0x1db: {  	v13 =	vld.idx.msk [tilespmem:v39+s23+$0x0], $0xffff  }
0x1dc: {  	v3 =	vadd.f32 v11, v4;
	v8 =	vadd.f32 v9, v8;
	v9 =	vld [tilespmem:$0x1FF40]  }
0x1dd: {  	v6 =	vld.idx.msk [tilespmem:v39+s20+$0x0], $0xffff  }
0x1de: {  	v0 =	vadd.f32 v1, v0;
	v1 =	vmul.f32 v3, v7;
	v7 =	vld [tilespmem:$0x1FF10];
	_ =	sdelay $0x2  }
0x1df: {  	v10 =	vmul.f32 v13, v2;
	v9 =	vmul.f32 v9, v63  }
0x1e0: {  	v12 =	vld.idx.msk [tilespmem:v36+s23+$0x0], $0xffff  }
0x1e1: {  	v3 =	vadd.f32 v10, v6;
	v7 =	vadd.f32 v9, v7;
	v9 =	vld [tilespmem:$0x1FF20]  }
0x1e2: {  	v5 =	vld.idx.msk [tilespmem:v36+s20+$0x0], $0xffff  }
0x1e3: {  	v0 =	vadd.f32 v1, v0;
	v1 =	vmul.f32 v3, v8;
	v8 =	vld [tilespmem:$0x1FEF0];
	_ =	sdelay $0x2  }
0x1e4: {  	v11 =	vmul.f32 v12, v2;
	v9 =	vmul.f32 v9, v63  }
0x1e5: {  	v14 =	vld.idx.msk [tilespmem:v33+s23+$0x0], $0xffff  }
0x1e6: {  	v3 =	vadd.f32 v11, v5;
	v8 =	vadd.f32 v9, v8;
	v9 =	vld [tilespmem:$0x1FF00]  }
0x1e7: {  	v4 =	vld.idx.msk [tilespmem:v33+s20+$0x0], $0xffff  }
0x1e8: {  	v0 =	vadd.f32 v1, v0;
	v1 =	vmul.f32 v3, v7;
	v7 =	vld [tilespmem:$0x1FED0];
	_ =	sdelay $0x2  }
0x1e9: {  	v10 =	vmul.f32 v14, v2;
	v9 =	vmul.f32 v9, v63  }
0x1ea: {  	v13 =	vld.idx.msk [tilespmem:v30+s23+$0x0], $0xffff  }
0x1eb: {  	v3 =	vadd.f32 v10, v4;
	v7 =	vadd.f32 v9, v7;
	v9 =	vld [tilespmem:$0x1FEE0]  }
0x1ec: {  	v6 =	vld.idx.msk [tilespmem:v30+s20+$0x0], $0xffff  }
0x1ed: {  	v0 =	vadd.f32 v1, v0;
	v1 =	vmul.f32 v3, v8;
	v8 =	vld [tilespmem:$0x1FEB0];
	_ =	sdelay $0x2  }
0x1ee: {  	v11 =	vmul.f32 v13, v2;
	v9 =	vmul.f32 v9, v63  }
0x1ef: {  	v12 =	vld.idx.msk [tilespmem:v27+s23+$0x0], $0xffff  }
0x1f0: {  	v3 =	vadd.f32 v11, v6;
	v8 =	vadd.f32 v9, v8;
	v9 =	vld [tilespmem:$0x1FEC0]  }
0x1f1: {  	v5 =	vld.idx.msk [tilespmem:v27+s20+$0x0], $0xffff  }
0x1f2: {  	v0 =	vadd.f32 v1, v0;
	v1 =	vmul.f32 v3, v7;
	v7 =	vld [tilespmem:$0x1FE90];
	_ =	sdelay $0x2  }
0x1f3: {  	v10 =	vmul.f32 v12, v2;
	v9 =	vmul.f32 v9, v63  }
0x1f4: {  	v14 =	vld.idx.msk [tilespmem:v24+s23+$0x0], $0xffff  }
0x1f5: {  	v3 =	vadd.f32 v10, v5;
	v7 =	vadd.f32 v9, v7;
	v9 =	vld [tilespmem:$0x1FEA0]  }
0x1f6: {  	v4 =	vld.idx.msk [tilespmem:v24+s20+$0x0], $0xffff  }
0x1f7: {  	v0 =	vadd.f32 v1, v0;
	v1 =	vmul.f32 v3, v8;
	v8 =	vld [tilespmem:$0x1FE70];
	_ =	sdelay $0x2  }
0x1f8: {  	v11 =	vmul.f32 v14, v2;
	v9 =	vmul.f32 v9, v63  }
0x1f9: {  	v13 =	vld.idx.msk [tilespmem:v21+s23+$0x0], $0xffff  }
0x1fa: {  	v3 =	vadd.f32 v11, v4;
	v8 =	vadd.f32 v9, v8;
	v9 =	vld [tilespmem:$0x1FE80]  }
0x1fb: {  	v6 =	vld.idx.msk [tilespmem:v21+s20+$0x0], $0xffff  }
0x1fc: {  	v0 =	vadd.f32 v1, v0;
	v1 =	vmul.f32 v3, v7;
	v7 =	vld [tilespmem:$0x1FE40]  }
0x1fd: {  	v16 =	vld [tilespmem:$0x1FE50];
	_ =	sdelay $0x1  }
0x1fe: {  	v15 =	vld [tilespmem:$0x1FE20];
	v10 =	vmul.f32 v13, v2;
	v9 =	vmul.f32 v9, v63  }
0x1ff: {  	v12 =	vld.idx.msk [tilespmem:v18+s23+$0x0], $0xffff  }
0x200: {  	v3 =	vadd.f32 v10, v6;
	v7 =	vadd.f32 v9, v7;
	v9 =	vld [tilespmem:$0x1FE60]  }
0x201: {  	v5 =	vld.idx.msk [tilespmem:v18+s20+$0x0], $0xffff  }
0x202: {  	v0 =	vadd.f32 v1, v0;
	v1 =	vmul.f32 v3, v8;
	v8 =	vld [tilespmem:$0x1FE10];
	_ =	sdelay $0x1  }
0x203: {  	v14 =	vld.idx.msk [tilespmem:v16+s23+$0x0], $0xffff  }
0x204: {  	v4 =	vld.idx.msk [tilespmem:v16+s20+$0x0], $0xffff;
	v11 =	vmul.f32 v12, v2;
	v9 =	vmul.f32 v9, v63  }
0x205: {  	v16 =	vld [tilespmem:$0x1FDF0]  }
0x206: {  	v3 =	vadd.f32 v11, v5;
	v8 =	vadd.f32 v9, v8;
	v9 =	vld [tilespmem:$0x1FE30]  }
0x207: {  	v13 =	vld.idx.msk [tilespmem:v15+s23+$0x0], $0xffff  }
0x208: {  	v0 =	vadd.f32 v1, v0;
	v1 =	vmul.f32 v3, v7;
	v7 =	vld [tilespmem:$0x1FDE0]  }
0x209: {  	v6 =	vld.idx.msk [tilespmem:v15+s20+$0x0], $0xffff  }
0x20a: {  	v15 =	vld [tilespmem:$0x1FDC0]  }
0x20b: {  	v10 =	vmul.f32 v14, v2;
	v9 =	vmul.f32 v9, v63;
	_ =	sdelay $0x1  }
0x20c: {  	v3 =	vadd.f32 v10, v4;
	v7 =	vadd.f32 v9, v7;
	v9 =	vld [tilespmem:$0x1FE00]  }
0x20d: {  	v12 =	vld.idx.msk [tilespmem:v16+s23+$0x0], $0xffff  }
0x20e: {  	v0 =	vadd.f32 v1, v0;
	v1 =	vmul.f32 v3, v8;
	v8 =	vld [tilespmem:$0x1FDB0]  }
0x20f: {  	v5 =	vld.idx.msk [tilespmem:v16+s20+$0x0], $0xffff  }
0x210: {  	v11 =	vmul.f32 v13, v2;
	v13 =	vld.idx.msk [tilespmem:v53+s23+$0x0], $0xffff  }
0x211: {  	v14 =	vld.idx.msk [tilespmem:v15+s23+$0x0], $0xffff;
	v9 =	vmul.f32 v9, v63  }
0x212: {  	v4 =	vld.idx.msk [tilespmem:v15+s20+$0x0], $0xffff;
	v3 =	vadd.f32 v11, v6  }
0x213: {  	v10 =	vmul.f32 v12, v2;
	v8 =	vadd.f32 v9, v8;
	v9 =	vld [tilespmem:$0x1FDD0]  }
0x214: {  	v0 =	vadd.f32 v1, v0;
	v1 =	vmul.f32 v3, v7;
	v7 =	vld [tilespmem:$0x1FDA0]  }
0x215: {  	v3 =	vadd.f32 v10, v5;
	v5 =	vld [tilespmem:$0x1FCC0]  }
0x216: {  	v12 =	vld.idx.msk [tilespmem:v53+s19+$0x0], $0xffff  }
0x217: {  	v6 =	vld.idx.msk [tilespmem:v53+s20+$0x0], $0xffff  }
0x218: {  	v49 =	vmov s3;
	v50 =	vld [tilespmem:$0x1FFF0];
	v11 =	vmul.f32 v14, v2;
	v9 =	vmul.f32 v9, v63  }
0x219: {  	v2 =	vmul.f32 v13, v2;
	v0 =	vadd.f32 v1, v0;
	v7 =	vmul.f32 v7, v63  }
0x21a: {  	v1 =	vmul.f32 v3, v8;
	v3 =	vadd.f32 v11, v4;
	v5 =	vadd.f32 v9, v5  }
0x21b: {  	v4 =	vshll.u32 v49, $0x5;
	v7 =	vadd.f32 v7, v12  }
0x21c: {  	v0 =	vadd.f32 v1, v0;
	v1 =	vmul.f32 v3, v5;
	v3 =	vadd.f32 v2, v6  }
0x21d: {  	v2 =	vor.u32 v50, v4  }
0x21e: {  	v52 =	vor.u32 $0x1F, v2;
	v0 =	vadd.f32 v1, v0;
	v1 =	vmul.f32 v3, v7;
	_ =	sdelay $0x1  }
0x21f: {  	v0 =	vadd.f32 v1, v0  }
0x220: {  	s2 =	sadd.s32 $0x10, s2  }
0x221: {  	[tilespmem:s2+$0x0] =	vst v0  }
0x222: {  	v3 =	vor.u32 $0x1D, v2;
	v0 =	vld.idx.msk [tilespmem:v52+s18+$0x0], $0xffff;
	_ =	sdelay $0x4  }
0x223: {  	v4 =	vor.u32 $0x1E, v2;
	[tilespmem:$0x1FDA0] =	vst v0;
	v0 =	vld.idx.msk [tilespmem:v3+s19+$0x0], $0xffff;
	_ =	sdelay $0x4  }
0x224: {  	v1 =	vor.u32 $0x1C, v2;
	[tilespmem:$0x1FDB0] =	vst v0;
	v0 =	vld.idx.msk [tilespmem:v4+s18+$0x0], $0xffff;
	_ =	sdelay $0x4  }
0x225: {  	[tilespmem:$0x1FDD0] =	vst v0;
	v0 =	vld.idx.msk [tilespmem:v1+s19+$0x0], $0xffff;
	_ =	sdelay $0x4  }
0x226: {  	v5 =	vor.u32 $0x1B, v2;
	[tilespmem:$0x1FDE0] =	vst v0;
	v0 =	vld.idx.msk [tilespmem:v3+s18+$0x0], $0xffff;
	_ =	sdelay $0x4  }
0x227: {  	[tilespmem:$0x1FE00] =	vst v0;
	v0 =	vld.idx.msk [tilespmem:v5+s19+$0x0], $0xffff;
	_ =	sdelay $0x4  }
0x228: {  	v18 =	vor.u32 $0x1A, v2;
	[tilespmem:$0x1FE10] =	vst v0;
	v0 =	vld.idx.msk [tilespmem:v1+s18+$0x0], $0xffff;
	_ =	sdelay $0x4  }
0x229: {  	[tilespmem:$0x1FE30] =	vst v0;
	v0 =	vld.idx.msk [tilespmem:v18+s19+$0x0], $0xffff;
	_ =	sdelay $0x4  }
0x22a: {  	v21 =	vor.u32 $0x19, v2;
	[tilespmem:$0x1FE40] =	vst v0;
	v0 =	vld.idx.msk [tilespmem:v5+s18+$0x0], $0xffff;
	_ =	sdelay $0x4  }
0x22b: {  	[tilespmem:$0x1FE60] =	vst v0;
	v0 =	vld.idx.msk [tilespmem:v21+s19+$0x0], $0xffff;
	_ =	sdelay $0x4  }
0x22c: {  	v24 =	vor.u32 $0x18, v2;
	[tilespmem:$0x1FE70] =	vst v0;
	v0 =	vld.idx.msk [tilespmem:v18+s18+$0x0], $0xffff;
	_ =	sdelay $0x4  }
0x22d: {  	[tilespmem:$0x1FE80] =	vst v0;
	v0 =	vld.idx.msk [tilespmem:v24+s19+$0x0], $0xffff;
	_ =	sdelay $0x4  }
0x22e: {  	v27 =	vor.u32 $0x17, v2;
	[tilespmem:$0x1FE90] =	vst v0;
	v0 =	vld.idx.msk [tilespmem:v21+s18+$0x0], $0xffff;
	_ =	sdelay $0x4  }
0x22f: {  	[tilespmem:$0x1FEA0] =	vst v0;
	v0 =	vld.idx.msk [tilespmem:v27+s19+$0x0], $0xffff;
	_ =	sdelay $0x4  }
0x230: {  	v30 =	vor.u32 $0x16, v2;
	[tilespmem:$0x1FEB0] =	vst v0;
	v0 =	vld.idx.msk [tilespmem:v24+s18+$0x0], $0xffff;
	_ =	sdelay $0x4  }
0x231: {  	[tilespmem:$0x1FEC0] =	vst v0;
	v0 =	vld.idx.msk [tilespmem:v30+s19+$0x0], $0xffff;
	_ =	sdelay $0x4  }
0x232: {  	v33 =	vor.u32 $0x15, v2;
	[tilespmem:$0x1FED0] =	vst v0;
	v0 =	vld.idx.msk [tilespmem:v27+s18+$0x0], $0xffff;
	_ =	sdelay $0x4  }
0x233: {  	[tilespmem:$0x1FEE0] =	vst v0;
	v0 =	vld.idx.msk [tilespmem:v33+s19+$0x0], $0xffff;
	_ =	sdelay $0x4  }
0x234: {  	v36 =	vor.u32 $0x14, v2;
	[tilespmem:$0x1FEF0] =	vst v0;
	v0 =	vld.idx.msk [tilespmem:v30+s18+$0x0], $0xffff;
	_ =	sdelay $0x4  }
0x235: {  	[tilespmem:$0x1FF00] =	vst v0;
	v0 =	vld.idx.msk [tilespmem:v36+s19+$0x0], $0xffff;
	_ =	sdelay $0x4  }
0x236: {  	v39 =	vor.u32 $0x13, v2;
	[tilespmem:$0x1FF10] =	vst v0;
	v0 =	vld.idx.msk [tilespmem:v33+s18+$0x0], $0xffff;
	_ =	sdelay $0x4  }
0x237: {  	[tilespmem:$0x1FF20] =	vst v0;
	v0 =	vld.idx.msk [tilespmem:v39+s19+$0x0], $0xffff;
	_ =	sdelay $0x4  }
0x238: {  	v42 =	vor.u32 $0x12, v2;
	[tilespmem:$0x1FF30] =	vst v0;
	v0 =	vld.idx.msk [tilespmem:v36+s18+$0x0], $0xffff;
	_ =	sdelay $0x4  }
0x239: {  	[tilespmem:$0x1FF40] =	vst v0;
	v0 =	vld.idx.msk [tilespmem:v42+s19+$0x0], $0xffff;
	_ =	sdelay $0x4  }
0x23a: {  	v45 =	vor.u32 $0x11, v2;
	[tilespmem:$0x1FF50] =	vst v0;
	v0 =	vld.idx.msk [tilespmem:v39+s18+$0x0], $0xffff;
	_ =	sdelay $0x4  }
0x23b: {  	[tilespmem:$0x1FF60] =	vst v0;
	v0 =	vld.idx.msk [tilespmem:v45+s19+$0x0], $0xffff;
	_ =	sdelay $0x4  }
0x23c: {  	v48 =	vor.u32 $0x10, v2;
	[tilespmem:$0x1FF70] =	vst v0;
	v0 =	vld.idx.msk [tilespmem:v42+s18+$0x0], $0xffff;
	_ =	sdelay $0x1  }
0x23d: {  	v57 =	vor.u32 $0xD, v2  }
0x23e: {  	v54 =	vor.u32 $0xE, v2  }
0x23f: {  	v60 =	vor.u32 $0xC, v2  }
0x240: {  	[tilespmem:$0x1FF80] =	vst v0;
	v0 =	vld.idx.msk [tilespmem:v48+s19+$0x0], $0xffff  }
0x241: {  	v53 =	vld.idx.msk [tilespmem:v4+s19+$0x0], $0xffff  }
0x242: {  	v55 =	vld.idx.msk [tilespmem:v57+s19+$0x0], $0xffff  }
0x243: {  	v11 =	vor.u32 $0x9, v2;
	v56 =	vld.idx.msk [tilespmem:v54+s18+$0x0], $0xffff  }
0x244: {  	v7 =	vor.u32 $0xA, v2;
	v59 =	vld.idx.msk [tilespmem:v60+s19+$0x0], $0xffff  }
0x245: {  	v51 =	vor.u32 $0xF, v2;
	[tilespmem:$0x1FF90] =	vst v0;
	v0 =	vld.idx.msk [tilespmem:v45+s18+$0x0], $0xffff  }
0x246: {  	v16 =	vor.u32 $0x8, v2;
	v58 =	vld.idx.msk [tilespmem:v57+s18+$0x0], $0xffff  }
0x247: {  	v62 =	vld.idx.msk [tilespmem:v60+s18+$0x0], $0xffff  }
0x248: {  	v20 =	vor.u32 $0x7, v2;
	v10 =	vld.idx.msk [tilespmem:v11+s19+$0x0], $0xffff  }
0x249: {  	v8 =	vld.idx.msk [tilespmem:v7+s18+$0x0], $0xffff  }
0x24a: {  	[tilespmem:$0x1FFA0] =	vst v0;
	v0 =	vld.idx.msk [tilespmem:v51+s19+$0x0], $0xffff  }
0x24b: {  	v25 =	vor.u32 $0x6, v2;
	v13 =	vld.idx.msk [tilespmem:v16+s19+$0x0], $0xffff  }
0x24c: {  	v14 =	vld.idx.msk [tilespmem:v11+s18+$0x0], $0xffff  }
0x24d: {  	v28 =	vor.u32 $0x5, v2;
	v17 =	vld.idx.msk [tilespmem:v20+s19+$0x0], $0xffff  }
0x24e: {  	v32 =	vor.u32 $0x4, v2;
	v19 =	vld.idx.msk [tilespmem:v16+s18+$0x0], $0xffff  }
0x24f: {  	[tilespmem:$0x1FFB0] =	vst v0;
	v0 =	vld.idx.msk [tilespmem:v48+s18+$0x0], $0xffff  }
0x250: {  	v23 =	vld.idx.msk [tilespmem:v25+s19+$0x0], $0xffff  }
0x251: {  	v37 =	vor.u32 $0x3, v2;
	v22 =	vld.idx.msk [tilespmem:v20+s18+$0x0], $0xffff  }
0x252: {  	v26 =	vld.idx.msk [tilespmem:v28+s19+$0x0], $0xffff  }
0x253: {  	v29 =	vld.idx.msk [tilespmem:v32+s19+$0x0], $0xffff  }
0x254: {  	v41 =	vor.u32 $0x2, v2;
	[tilespmem:$0x1FFC0] =	vst v0;
	v0 =	vld.idx.msk [tilespmem:v54+s19+$0x0], $0xffff  }
0x255: {  	v31 =	vld.idx.msk [tilespmem:v28+s18+$0x0], $0xffff  }
0x256: {  	v44 =	vor.u32 $0x1, v2;
	v35 =	vld.idx.msk [tilespmem:v37+s19+$0x0], $0xffff  }
0x257: {  	[tilespmem:$0x1FE20] =	vst v1;
	v1 =	vld.idx.msk [tilespmem:v51+s18+$0x0], $0xffff  }
0x258: {  	v34 =	vld.idx.msk [tilespmem:v32+s18+$0x0], $0xffff  }
0x259: {  	v40 =	vld.idx.msk [tilespmem:v41+s19+$0x0], $0xffff;
	[tilespmem:$0x1FFD0] =	vst v0;
	v0 =	vor.u32 $0xB, v2  }
0x25a: {  	p0 =	sne.s32 s3, $0x1F0;
	v38 =	vld.idx.msk [tilespmem:v37+s18+$0x0], $0xffff  }
.Ltmp1:
0x25b: {  	v43 =	vld.idx.msk [tilespmem:v44+s19+$0x0], $0xffff;
	(pc) =	sbr.rel @p0 .LBB2_5-.Ltmp1, $4  }
0x25c: {  	[tilespmem:$0x1FFE0] =	vst v1;
	v1 =	vld.idx.msk [tilespmem:v7+s19+$0x0], $0xffff  }
0x25d: {  	[tilespmem:$0x1FE50] =	vst v5;
	v5 =	vld.idx.msk [tilespmem:v25+s18+$0x0], $0xffff  }
0x25e: {  	[tilespmem:$0x1FDC0] =	vst v4;
	v61 =	vld.idx.msk [tilespmem:v0+s19+$0x0], $0xffff  }
0x25f: {  	s3 =	sadd.s32 $0x10, s3;
	[tilespmem:$0x1FDF0] =	vst v3;
	v4 =	vld.idx.msk [tilespmem:v0+s18+$0x0], $0xffff  }
0x260: {  	_ =	sdelay $0x3  }
0x261: {  	v3 =	vld.idx.msk [tilespmem:v44+s20+$0x0], $0xffff  }
0x262: {  	v6 =	vld.idx.msk [tilespmem:v44+s18+$0x0], $0xffff  }
0x263: {  	v9 =	vld.idx.msk [tilespmem:v44+s23+$0x0], $0xffff  }
0x264: {  	v49 =	vld.idx.msk [tilespmem:v2+s18+$0x0], $0xffff  }
0x265: {  	v15 =	vld.idx.msk [tilespmem:v2+s23+$0x0], $0xffff  }
0x266: {  	v44 =	vld.idx.msk [tilespmem:v2+s19+$0x0], $0xffff  }
0x267: {  	s0 =	sadd.s32 $0x10, s0;
	v46 =	vld.idx.msk [tilespmem:v41+s18+$0x0], $0xffff  }
0x268: {  	v12 =	vld [tilespmem:s0+$0x0]  }
0x269: {  	s3 =	sadd.s32 $0x10, s12;
	v47 =	vld.idx.msk [tilespmem:v41+s23+$0x0], $0xffff  }
0x26a: {  	v63 =	vld [tilespmem:s3+$0x0]  }
0x26b: {  	v41 =	vld.idx.msk [tilespmem:v41+s20+$0x0], $0xffff  }
0x26c: {  	[tilespmem:$0x1FCB0] =	vst v3;
	v3 =	vld.idx.msk [tilespmem:v2+s20+$0x0], $0xffff  }
0x26d: {  	v6 =	vmul.f32 v6, v12  }
0x26e: {  	v2 =	vmul.f32 v49, v12  }
0x26f: {  	v15 =	vmul.f32 v15, v63;
	v47 =	vmul.f32 v47, v63;
	v6 =	vadd.f32 v6, v43;
	v43 =	vld [tilespmem:$0x1FCB0]  }
0x270: {  	v49 =	vld.idx.msk [tilespmem:v37+s23+$0x0], $0xffff;
	v44 =	vadd.f32 v2, v44  }
0x271: {  	v41 =	vadd.f32 v47, v41;
	v47 =	vld.idx.msk [tilespmem:v28+s23+$0x0], $0xffff;
	v2 =	vadd.f32 v15, v3;
	v15 =	vmul.f32 v46, v12  }
0x272: {  	v9 =	vmul.f32 v9, v63;
	v28 =	vld.idx.msk [tilespmem:v28+s20+$0x0], $0xffff  }
0x273: {  	v15 =	vadd.f32 v15, v40;
	v40 =	vld.idx.msk [tilespmem:v7+s20+$0x0], $0xffff  }
0x274: {  	v3 =	vadd.f32 v9, v43;
	v9 =	vld.idx.msk [tilespmem:v37+s20+$0x0], $0xffff  }
0x275: {  	v37 =	vld.idx.msk [tilespmem:v32+s23+$0x0], $0xffff  }
0x276: {  	v2 =	vmul.f32 v2, v44;
	v44 =	vmul.f32 v38, v12;
	v43 =	vld.idx.msk [tilespmem:v25+s20+$0x0], $0xffff  }
0x277: {  	v3 =	vmul.f32 v3, v6;
	v6 =	vld.idx.msk [tilespmem:v32+s20+$0x0], $0xffff  }
0x278: {  	v2 =	vadd.f32 $0.0e+00, v2;
	v32 =	vadd.f32 v44, v35;
	v35 =	vld.idx.msk [tilespmem:v25+s23+$0x0], $0xffff;
	v44 =	vmul.f32 v31, v12  }
0x279: {  	v46 =	vmul.f32 v49, v63;
	v31 =	vld.idx.msk [tilespmem:v57+s20+$0x0], $0xffff  }
0x27a: {  	v49 =	vmul.f32 v41, v15;
	v2 =	vadd.f32 v3, v2;
	v25 =	vadd.f32 v44, v26;
	v26 =	vld.idx.msk [tilespmem:v60+s20+$0x0], $0xffff  }
0x27b: {  	v9 =	vadd.f32 v46, v9;
	v46 =	vmul.f32 v47, v63;
	v47 =	vld.idx.msk [tilespmem:v20+s23+$0x0], $0xffff  }
0x27c: {  	v15 =	vmul.f32 v34, v12;
	v38 =	vmul.f32 v37, v63;
	v2 =	vadd.f32 v49, v2;
	v49 =	vld.idx.msk [tilespmem:v20+s20+$0x0], $0xffff  }
0x27d: {  	v20 =	vld.idx.msk [tilespmem:v16+s23+$0x0], $0xffff  }
0x27e: {  	v15 =	vadd.f32 v15, v29;
	v16 =	vld.idx.msk [tilespmem:v16+s20+$0x0], $0xffff;
	v6 =	vadd.f32 v38, v6  }
0x27f: {  	v41 =	vmul.f32 v9, v32;
	v32 =	vld.idx.msk [tilespmem:v11+s23+$0x0], $0xffff  }
0x280: {  	v6 =	vmul.f32 v6, v15;
	v15 =	vadd.f32 v46, v28;
	v28 =	vmul.f32 v35, v63;
	v35 =	vld.idx.msk [tilespmem:v11+s20+$0x0], $0xffff  }
0x281: {  	v46 =	vld.idx.msk [tilespmem:v0+s23+$0x0], $0xffff  }
0x282: {  	v11 =	vld [tilespmem:$0x1FFC0]  }
0x283: {  	v2 =	vadd.f32 v41, v2;
	v41 =	vmul.f32 v14, v12;
	v14 =	vld.idx.msk [tilespmem:v42+s20+$0x0], $0xffff  }
0x284: {  	v34 =	vmul.f32 v47, v63;
	v47 =	vld.idx.msk [tilespmem:v0+s20+$0x0], $0xffff  }
0x285: {  	v29 =	vmul.f32 v15, v25;
	v15 =	vmul.f32 v22, v12;
	v22 =	vld.idx.msk [tilespmem:v60+s23+$0x0], $0xffff  }
0x286: {  	v60 =	vld.idx.msk [tilespmem:v42+s23+$0x0], $0xffff  }
0x287: {  	v5 =	vmul.f32 v5, v12;
	v42 =	vld [tilespmem:$0x1FF30]  }
0x288: {  	v2 =	vadd.f32 v6, v2;
	v44 =	vmul.f32 v32, v63;
	v32 =	vmul.f32 v62, v12;
	v62 =	vld.idx.msk [tilespmem:v45+s20+$0x0], $0xffff  }
0x289: {  	v38 =	vadd.f32 v15, v17;
	v17 =	vld.idx.msk [tilespmem:v7+s23+$0x0], $0xffff  }
0x28a: {  	v5 =	vadd.f32 v5, v23;
	v2 =	vadd.f32 v29, v2;
	v29 =	vld.idx.msk [tilespmem:v57+s23+$0x0], $0xffff  }
0x28b: {  	v37 =	vmul.f32 v19, v12;
	v9 =	vadd.f32 v28, v43;
	v7 =	vadd.f32 v41, v10;
	v41 =	vld.idx.msk [tilespmem:v51+s23+$0x0], $0xffff  }
0x28c: {  	v3 =	vadd.f32 v34, v49;
	v6 =	vadd.f32 v44, v35;
	v35 =	vld.idx.msk [tilespmem:v54+s23+$0x0], $0xffff  }
0x28d: {  	v5 =	vmul.f32 v9, v5;
	v9 =	vadd.f32 v37, v13;
	v37 =	vadd.f32 v32, v59;
	v59 =	vld [tilespmem:$0x1FFB0]  }
0x28e: {  	v28 =	vmul.f32 v46, v63;
	v3 =	vmul.f32 v3, v38;
	v38 =	vld.idx.msk [tilespmem:v54+s20+$0x0], $0xffff  }
0x28f: {  	v54 =	vld [tilespmem:$0x1FFD0]  }
0x290: {  	v0 =	vadd.f32 v28, v47;
	v47 =	vld.idx.msk [tilespmem:v51+s20+$0x0], $0xffff  }
0x291: {  	v15 =	vmul.f32 v20, v63;
	v51 =	vld.idx.msk [tilespmem:v48+s23+$0x0], $0xffff  }
0x292: {  	v34 =	vmul.f32 v22, v63;
	v22 =	vld [tilespmem:$0x1FFA0]  }
0x293: {  	v4 =	vmul.f32 v4, v12;
	v43 =	vadd.f32 v15, v16;
	v28 =	vld.idx.msk [tilespmem:v36+s23+$0x0], $0xffff  }
0x294: {  	v2 =	vadd.f32 v5, v2;
	v32 =	vmul.f32 v60, v63;
	v60 =	vld.idx.msk [tilespmem:v21+s23+$0x0], $0xffff  }
0x295: {  	v4 =	vadd.f32 v4, v61;
	v49 =	vmul.f32 v43, v9;
	v43 =	vmul.f32 v58, v12;
	v58 =	vld.idx.msk [tilespmem:v48+s20+$0x0], $0xffff  }
0x296: {  	v2 =	vadd.f32 v3, v2;
	v44 =	vmul.f32 v29, v63;
	v29 =	vld [tilespmem:$0x1FF80]  }
0x297: {  	v0 =	vmul.f32 v0, v4;
	v4 =	vmul.f32 v41, v63;
	v41 =	vld [tilespmem:$0x1FF40]  }
0x298: {  	v23 =	vmul.f32 v17, v63;
	v2 =	vadd.f32 v49, v2;
	v49 =	vmul.f32 v56, v12;
	v56 =	vld [tilespmem:$0x1FFE0]  }
0x299: {  	v25 =	vmul.f32 v6, v7;
	v7 =	vmul.f32 v35, v63;
	v35 =	vld.idx.msk [tilespmem:v33+s23+$0x0], $0xffff  }
0x29a: {  	v5 =	vadd.f32 v23, v40;
	v23 =	vld [tilespmem:$0x1FF90]  }
0x29b: {  	v40 =	vadd.f32 v34, v26;
	v26 =	vld [tilespmem:$0x1FF70]  }
0x29c: {  	v3 =	vadd.f32 v44, v31;
	v31 =	vld.idx.msk [tilespmem:v39+s20+$0x0], $0xffff  }
0x29d: {  	v34 =	vld [tilespmem:$0x1FF50]  }
0x29e: {  	v44 =	vld [tilespmem:$0x1FF10]  }
0x29f: {  	v8 =	vmul.f32 v8, v12;
	v2 =	vadd.f32 v25, v2;
	v25 =	vld.idx.msk [tilespmem:v39+s23+$0x0], $0xffff  }
0x2a0: {  	v57 =	vadd.f32 v7, v38;
	v38 =	vld [tilespmem:$0x1FF60]  }
0x2a1: {  	v1 =	vadd.f32 v8, v1;
	v8 =	vadd.f32 v49, v54;
	v49 =	vld [tilespmem:$0x1FEF0]  }
0x2a2: {  	v6 =	vmul.f32 v51, v63;
	v51 =	vld.idx.msk [tilespmem:v24+s23+$0x0], $0xffff  }
0x2a3: {  	v54 =	vld.idx.msk [tilespmem:v27+s20+$0x0], $0xffff  }
0x2a4: {  	v1 =	vmul.f32 v5, v1;
	v5 =	vadd.f32 v43, v55;
	v55 =	vld.idx.msk [tilespmem:v45+s23+$0x0], $0xffff  }
0x2a5: {  	v46 =	vmul.f32 v40, v37;
	v37 =	vld.idx.msk [tilespmem:v36+s20+$0x0], $0xffff  }
0x2a6: {  	v40 =	vld.idx.msk [tilespmem:v33+s20+$0x0], $0xffff  }
0x2a7: {  	v43 =	vld.idx.msk [tilespmem:v30+s23+$0x0], $0xffff  }
0x2a8: {  	v45 =	vld.idx.msk [tilespmem:v27+s23+$0x0], $0xffff  }
0x2a9: {  	v27 =	vld.idx.msk [tilespmem:v18+s20+$0x0], $0xffff  }
0x2aa: {  	v33 =	vld [tilespmem:$0x1FE20]  }
0x2ab: {  	v36 =	vld [tilespmem:$0x1FDF0]  }
0x2ac: {  	v61 =	vmul.f32 v57, v8;
	v57 =	vld.idx.msk [tilespmem:v24+s20+$0x0], $0xffff  }
0x2ad: {  	v6 =	vadd.f32 v6, v58;
	v58 =	vld [tilespmem:$0x1FEE0]  }
0x2ae: {  	v8 =	vmul.f32 v22, v12;
	v22 =	vld.idx.msk [tilespmem:v21+s20+$0x0], $0xffff;
	v1 =	vadd.f32 v1, v2  }
0x2af: {  	v24 =	vld [tilespmem:$0x1FE90]  }
0x2b0: {  	v9 =	vmul.f32 v56, v12;
	v2 =	vadd.f32 v4, v47;
	v47 =	vld.idx.msk [tilespmem:v30+s20+$0x0], $0xffff;
	v0 =	vadd.f32 v0, v1  }
0x2b1: {  	v3 =	vmul.f32 v3, v5;
	v48 =	vmul.f32 v35, v63;
	v35 =	vld [tilespmem:$0x1FE40]  }
0x2b2: {  	v5 =	vmul.f32 v11, v12;
	v9 =	vadd.f32 v9, v59;
	v59 =	vld [tilespmem:$0x1FED0];
	v0 =	vadd.f32 v46, v0  }
0x2b3: {  	v7 =	vmul.f32 v25, v63;
	v25 =	vld [tilespmem:$0x1FE50]  }
0x2b4: {  	v5 =	vadd.f32 v5, v23;
	v23 =	vmul.f32 v51, v63;
	v51 =	vld [tilespmem:$0x1FDE0];
	v0 =	vadd.f32 v3, v0  }
0x2b5: {  	v1 =	vmul.f32 v55, v63;
	v55 =	vld [tilespmem:$0x1FF00]  }
0x2b6: {  	v8 =	vadd.f32 v8, v26;
	v2 =	vmul.f32 v2, v9;
	v46 =	vld [tilespmem:$0x1FF20];
	v0 =	vadd.f32 v61, v0  }
0x2b7: {  	v9 =	vmul.f32 v29, v12;
	v5 =	vmul.f32 v6, v5;
	v4 =	vadd.f32 v7, v31;
	v31 =	vld [tilespmem:$0x1FE80]  }
0x2b8: {  	v6 =	vmul.f32 v38, v12;
	v38 =	vld [tilespmem:$0x1FE60];
	v1 =	vadd.f32 v1, v62;
	v0 =	vadd.f32 v2, v0  }
0x2b9: {  	v62 =	vld.idx.msk [tilespmem:v18+s23+$0x0], $0xffff;
	v9 =	vadd.f32 v9, v34  }
0x2ba: {  	v3 =	vadd.f32 v32, v14;
	v14 =	vld [tilespmem:$0x1FEC0];
	v1 =	vmul.f32 v1, v8;
	v0 =	vadd.f32 v5, v0  }
0x2bb: {  	v6 =	vadd.f32 v6, v42;
	v32 =	vld [tilespmem:$0x1FE70];
	v8 =	vmul.f32 v41, v12  }
0x2bc: {  	v34 =	vld.idx.msk [tilespmem:v33+s23+$0x0], $0xffff;
	v39 =	vmul.f32 v3, v9;
	v2 =	vmul.f32 v28, v63;
	v0 =	vadd.f32 v1, v0  }
0x2bd: {  	v42 =	vld [tilespmem:$0x1FDC0];
	v4 =	vmul.f32 v4, v6;
	v8 =	vadd.f32 v8, v44  }
0x2be: {  	v61 =	vld [tilespmem:$0x1FEB0];
	v9 =	vmul.f32 v46, v12;
	v2 =	vadd.f32 v2, v37;
	v0 =	vadd.f32 v39, v0  }
0x2bf: {  	v7 =	vmul.f32 v43, v63;
	v41 =	vld [tilespmem:$0x1FE10];
	v3 =	vadd.f32 v48, v40;
	v6 =	vmul.f32 v55, v12  }
0x2c0: {  	v28 =	vld [tilespmem:$0x1FEA0];
	v9 =	vadd.f32 v9, v49;
	v2 =	vmul.f32 v2, v8;
	v0 =	vadd.f32 v4, v0  }
0x2c1: {  	v55 =	vld [tilespmem:$0x1FDB0];
	v6 =	vadd.f32 v6, v59;
	v5 =	vadd.f32 v7, v47;
	v8 =	vmul.f32 v58, v12  }
0x2c2: {  	v44 =	vld.idx.msk [tilespmem:v36+s20+$0x0], $0xffff;
	v56 =	vmul.f32 v3, v9;
	v1 =	vmul.f32 v45, v63;
	v0 =	vadd.f32 v2, v0  }
0x2c3: {  	v26 =	vld.idx.msk [tilespmem:v25+s23+$0x0], $0xffff;
	v9 =	vmul.f32 v14, v12;
	v8 =	vadd.f32 v8, v61  }
0x2c4: {  	v30 =	vld.idx.msk [tilespmem:v25+s20+$0x0], $0xffff;
	v5 =	vmul.f32 v5, v6;
	v1 =	vadd.f32 v1, v54;
	v0 =	vadd.f32 v56, v0  }
0x2c5: {  	v49 =	vld [tilespmem:$0x1FE00];
	v3 =	vadd.f32 v23, v57;
	v9 =	vadd.f32 v9, v24;
	v6 =	vmul.f32 v28, v12  }
0x2c6: {  	v7 =	vmul.f32 v60, v63;
	v45 =	vld [tilespmem:$0x1FE30];
	v1 =	vmul.f32 v1, v8;
	v0 =	vadd.f32 v5, v0  }
0x2c7: {  	v37 =	vld.idx.msk [tilespmem:v36+s23+$0x0], $0xffff;
	v29 =	vmul.f32 v3, v9;
	v6 =	vadd.f32 v6, v32;
	v8 =	vmul.f32 v31, v12  }
0x2c8: {  	v13 =	vmovc v12;
	v57 =	vld [tilespmem:$0x1FDD0];
	v4 =	vadd.f32 v7, v22;
	v2 =	vmul.f32 v62, v63;
	v0 =	vadd.f32 v1, v0  }
0x2c9: {  	v40 =	vmul.f32 v26, v63;
	v39 =	vld.idx.msk [tilespmem:v33+s20+$0x0], $0xffff;
	v9 =	vmul.f32 v38, v13;
	v8 =	vadd.f32 v8, v35  }
0x2ca: {  	v43 =	vld.idx.msk [tilespmem:v42+s23+$0x0], $0xffff;
	v4 =	vmul.f32 v4, v6;
	v2 =	vadd.f32 v2, v27;
	v0 =	vadd.f32 v29, v0  }
0x2cb: {  	v60 =	vld [tilespmem:$0x1FDA0];
	v3 =	vadd.f32 v40, v30;
	v9 =	vadd.f32 v9, v41;
	v6 =	vmul.f32 v45, v13  }
0x2cc: {  	v48 =	vld.idx.msk [tilespmem:v42+s20+$0x0], $0xffff;
	v7 =	vmul.f32 v34, v63;
	v2 =	vmul.f32 v2, v8;
	v0 =	vadd.f32 v4, v0  }
0x2cd: {  	v46 =	vld.idx.msk [tilespmem:v52+s23+$0x0], $0xffff;
	v47 =	vmul.f32 v3, v9;
	v9 =	vmul.f32 v49, v13;
	v6 =	vadd.f32 v6, v51  }
0x2ce: {  	v54 =	vld.idx.msk [tilespmem:v52+s19+$0x0], $0xffff;
	v5 =	vadd.f32 v7, v39;
	v1 =	vmul.f32 v37, v63;
	v0 =	vadd.f32 v2, v0  }
0x2cf: {  	v11 =	vmul.f32 v57, v13;
	v58 =	vmul.f32 v43, v63;
	v56 =	vld.idx.msk [tilespmem:v52+s20+$0x0], $0xffff;
	v9 =	vadd.f32 v9, v55  }
0x2d0: {  	v5 =	vmul.f32 v5, v6;
	v1 =	vadd.f32 v1, v44;
	v0 =	vadd.f32 v47, v0  }
0x2d1: {  	v10 =	vmul.f32 v60, v13;
	v59 =	vadd.f32 v11, v53;
	v3 =	vadd.f32 v58, v48  }
0x2d2: {  	v8 =	vmul.f32 v46, v63;
	v1 =	vmul.f32 v1, v9;
	v0 =	vadd.f32 v5, v0  }
0x2d3: {  	v61 =	vadd.f32 v10, v54  }
0x2d4: {  	v62 =	vmul.f32 v3, v59;
	v2 =	vadd.f32 v8, v56;
	v0 =	vadd.f32 v1, v0;
	_ =	sdelay $0x1  }
0x2d5: {  	v63 =	vmul.f32 v2, v61;
	v0 =	vadd.f32 v62, v0;
	_ =	sdelay $0x1  }
0x2d6: {  	s17 =	sadd.s32 $0x10, s2;
	s30 =	sadd.s32 $0x1, s30;
	v0 =	vadd.f32 v63, v0  }
0x2d7: {  	s21 =	rddreg [dreg:$0x4];
	s25 =	simm.s32 $0x0;
	p0 =	sne.s32 s30, $0x4  }
.Ltmp2:
0x2d8: {  	s0 =	sadd.s32 s21, s31;
	s31 =	simm.s32 $0x11000;
	[tilespmem:s17+$0x0] =	vst v0;
	(pc) =	sbr.rel @p0 .LBB2_2-.Ltmp2, $4  }
0x2d9: {  	[hbm4b:s0+s25] =	stream.linear.scatter [tilespmem:s31], [sflag:$0x3], $0x200, $0x38;
	[tilespmem:$0x11200] =	vst v63  }
0x2da: {  	_ =	swait.ge [sflag:s14], $0x200  }
0x2db: {  	[sflag:s14] =	ssyncset.done $0x0  }
0x2dc: {  	s28 =	sadd.s32 $0x200, s28;
	v17 =	vlaneseq.u32;
	v18 =	vimm.f32 $0.0e+00;
	[sflag:s14] =	ssyncadd.s32 $0xFFFFFE00  }
0x2dd: {  	s2 =	rddreg [dreg:$0x8]  }
0x2de: {  	s0 =	rddreg [dreg:$0x6];
	s2 =	sadd.s32 $0x1, s2  }
0x2df: {  	p0 =	sne.s32 s2, s0  }
.Ltmp3:
0x2e0: {  	_ = 	snop;
	(pc) =	sbr.rel @p0 .LBB2_1-.Ltmp3, $1  }
0x2e1: {  	_ =	sdelay $0x3  }
0x2e2: {  	_ =	sfence.sel $0x180000  }
0x2e3: {  	[bflag:$0x0] =	sbarrier.arrive $0xFFFF  }
0x2e4: {  	_ =	strace $0x9000004A  }
0x2e5: {  	s0 =	stileid.u32;
	[bflag:$0x2] =	sbarrier.arrive $0xFFFF  }
0x2e6: {  	p0 =	sne.s32 s0, $0x0;
	s0 =	rddreg [dreg:$0x5]  }
0x2e7: {  	s0 =	sadd.s32 @!p0 $0x100000, s0  }
0x2e8: {  	[sflag:s0] =	ssyncadd.tile.s32 @!p0 $0x1;
	_ =	shalt  }
.Lfunc_end2:
_tile_overlayer_lowered:
.L_overlay_start_2:
0x2e9: {  	(tag) =	ssettag $0x2  }
0x2ea: {  	s0 =	rddreg [dreg:$0x0];
	s2 =	stileid.u32  }
0x2eb: {  	s1 =	rddreg [dreg:$0x1];
	p0 =	sne.s32 s2, $0x0  }
0x2ec: {  	s3 =	rddreg [dreg:$0x2];
	[bflag:$0x3] =	sbarrier.arrive $0xFFFF;
	s2 =	simm.s32 @!p0 $0x1C03  }
0x2ed: {  	[timem:s3], [sflag:s2] =	dma.local @!p0 [hbm:s0], s1  }
0x2ee: {  	s0 =	simm.s32 @!p0 $0x3  }
0x2ef: {  	_ =	swait.ge @!p0 [sflag:s0], s1  }
0x2f0: {  	s1 =	ssub.s32 @!p0 $0x0, s1;
	[sflag:s0] =	ssyncset.done @!p0 $0x0  }
0x2f1: {  	[sflag:s0] =	ssyncadd.s32 @!p0 s1  }
0x2f2: {  	[bflag:$0x3] =	sbarrier.arrive $0xFFFF  }
0x2f3: {  	_ =	shalt  }

</sc_bundles>
